<compile_context>
chip_gen: v7x
topology: tpu7x:2x2x1
jax: 0.10.2.dev20260603
libtpu: 0.0.44.dev20260713+nightly
codegen_flags: <defaults>
</compile_context>

<pallas_src>
import functools

import jax
import jax.numpy as jnp
from jax import lax
from jax.experimental import pallas as pl
from jax.experimental.pallas import tpu as pltpu
from jax.experimental.pallas import tpu_sc as plsc

N = 10000
E = 320000
D = 128
NC = 2
NS = 16
NW = NC * NS
G2 = 128
NCH2 = 4
CPR2 = 40
G3 = 32
NCH3 = 16
CPR3 = 40
NBUF = 8
EP = NW * NCH2 * CPR2 * G2
NDUMMY = 240
NPAD = 10240
DPT = NPAD // NS
ZROWS = NPAD // NS
ZB = 32

_mesh = plsc.VectorSubcoreMesh(
    core_axis_name="c", subcore_axis_name="s", num_cores=NC, num_subcores=NS)


@functools.partial(
    pl.kernel,
    mesh=_mesh,
    out_type=jax.ShapeDtypeStruct((NC, 1, NPAD), jnp.float32),
    scratch_types=[
        pltpu.VMEM((CPR2, G2), jnp.int32),
        pltpu.VMEM((G2,), jnp.float32),
        pltpu.VMEM((DPT,), jnp.float32),
        pltpu.VMEM_SHARED((NPAD,), jnp.float32),
        pltpu.SemaphoreType.DMA,
    ],
)
def _deg_call(sidx_hbm, deg_hbm, idx_v, ones_v, zero_v, deg_sh, sem):
    cid = lax.axis_index("c")
    sid = lax.axis_index("s")
    wid = cid * NS + sid

    for k in range(DPT // 16):
        zero_v[pl.ds(k * 16, 16)] = jnp.zeros((16,), jnp.float32)
    for k in range(G2 // 16):
        ones_v[pl.ds(k * 16, 16)] = jnp.ones((16,), jnp.float32)
    pltpu.sync_copy(zero_v, deg_sh.at[pl.ds(sid * DPT, DPT)])
    plsc.subcore_barrier()

    @pl.loop(0, NCH2)
    def _(c):
        pltpu.sync_copy(sidx_hbm.at[wid, c], idx_v)

        @pl.loop(0, CPR2)
        def _(g):
            pltpu.async_copy(ones_v, deg_sh.at[idx_v.at[g]], sem, add=True)

        @pl.loop(0, CPR2)
        def _(g):
            pltpu.make_async_copy(ones_v, deg_sh.at[pl.ds(0, G2)], sem).wait()

    plsc.subcore_barrier()
    pltpu.sync_copy(deg_sh.at[pl.ds(sid * DPT, DPT)],
                    deg_hbm.at[cid, 0, pl.ds(sid * DPT, DPT)])


@functools.partial(
    pl.kernel,
    mesh=_mesh,
    out_type=jax.ShapeDtypeStruct((NC, NPAD, D), jnp.float32),
    scratch_types=[
        pltpu.VMEM((CPR3, G3), jnp.int32),
        pltpu.VMEM((CPR3, G3), jnp.int32),
        [pltpu.VMEM((G3, D), jnp.float32)] * NBUF,
        pltpu.VMEM((ZB, D), jnp.float32),
        pltpu.VMEM_SHARED((NPAD, D), jnp.float32),
        [pltpu.SemaphoreType.DMA] * NBUF,
    ],
)
def _agg_call(z_hbm, gidx_hbm, sidx_hbm, part_hbm,
              gidx_v, sidx_v, rows, zbuf_v, acc_sh, sems):
    cid = lax.axis_index("c")
    sid = lax.axis_index("s")
    wid = cid * NS + sid

    @pl.loop(0, ZB)
    def _(i):
        for k in range(D // 16):
            zbuf_v[i, pl.ds(k * 16, 16)] = jnp.zeros((16,), jnp.float32)

    for k in range(ZROWS // ZB):
        pltpu.sync_copy(zbuf_v, acc_sh.at[pl.ds(sid * ZROWS + k * ZB, ZB)])
    plsc.subcore_barrier()

    def wait(b):
        pltpu.make_async_copy(z_hbm.at[pl.ds(0, G3)], rows[b], sems[b]).wait()

    @pl.loop(0, NCH3)
    def _(c):
        pltpu.sync_copy(gidx_hbm.at[wid, c], gidx_v)
        pltpu.sync_copy(sidx_hbm.at[wid, c], sidx_v)
        for b in range(NBUF):
            pltpu.async_copy(z_hbm.at[gidx_v.at[b]], rows[b], sems[b])

        @pl.loop(0, CPR3 // NBUF - 1)
        def _(t):
            s0 = NBUF * t
            for b in range(NBUF):
                wait(b)
                pltpu.sync_copy(rows[b], acc_sh.at[sidx_v.at[s0 + b]], add=True)
                pltpu.async_copy(z_hbm.at[gidx_v.at[s0 + b + NBUF]], rows[b],
                                 sems[b])

        for b in range(NBUF):
            wait(b)
            pltpu.sync_copy(rows[b], acc_sh.at[sidx_v.at[CPR3 - NBUF + b]],
                            add=True)

    plsc.subcore_barrier()
    pltpu.sync_copy(acc_sh.at[pl.ds(sid * ZROWS, ZROWS)],
                    part_hbm.at[cid, pl.ds(sid * ZROWS, ZROWS)])


BM = 1000


def _mm_body(x_ref, w_ref, deg_ref, z_ref):
    total = deg_ref[:, 0:1] + deg_ref[:, 1:2] + 1.0
    dis = lax.rsqrt(total)
    h = lax.dot_general(x_ref[...], w_ref[...], (((1,), (1,)), ((), ())),
                        preferred_element_type=jnp.float32)
    z_ref[...] = h * dis


_mm_call = pl.pallas_call(
    _mm_body,
    grid=(N // BM,),
    in_specs=[
        pl.BlockSpec((BM, D), lambda i: (i, 0)),
        pl.BlockSpec((D, D), lambda i: (0, 0)),
        pl.BlockSpec((BM, NC), lambda i: (i, 0)),
    ],
    out_specs=pl.BlockSpec((BM, D), lambda i: (i, 0)),
    out_shape=jax.ShapeDtypeStruct((N, D), jnp.float32),
)


def _fin_body(p0_ref, p1_ref, z_ref, deg_ref, b_ref, y_ref):
    total = deg_ref[:, 0:1] + deg_ref[:, 1:2] + 1.0
    dis = lax.rsqrt(total)
    y_ref[...] = dis * (p0_ref[0] + p1_ref[0] + z_ref[...]) + b_ref[...]


_fin_call = pl.pallas_call(
    _fin_body,
    grid=(N // BM,),
    in_specs=[
        pl.BlockSpec((1, BM, D), lambda i: (0, i, 0)),
        pl.BlockSpec((1, BM, D), lambda i: (1, i, 0)),
        pl.BlockSpec((BM, D), lambda i: (i, 0)),
        pl.BlockSpec((BM, NC), lambda i: (i, 0)),
        pl.BlockSpec((1, D), lambda i: (0, 0)),
    ],
    out_specs=pl.BlockSpec((BM, D), lambda i: (i, 0)),
    out_shape=jax.ShapeDtypeStruct((N, D), jnp.float32),
)


def kernel(x, edge_index, W, b):
    src = edge_index[0]
    dst = edge_index[1]
    npad_e = EP - 2 * E
    gpad = (jnp.arange(npad_e, dtype=jnp.int32) * 64) % N
    spad = N + jnp.arange(npad_e, dtype=jnp.int32) % NDUMMY
    gidx4d = jnp.concatenate([dst, src, gpad]).reshape(NW, NCH2, CPR2, G2)
    sidx4d = jnp.concatenate([src, dst, spad]).reshape(NW, NCH2, CPR2, G2)
    gidx_agg = gidx4d.reshape(NW, NCH3, CPR3, G3)
    sidx_agg = sidx4d.reshape(NW, NCH3, CPR3, G3)

    deg_pad = _deg_call(sidx4d)
    deg_pair = jnp.transpose(deg_pad[:, 0, :N])
    z = _mm_call(x, W, deg_pair)
    part = _agg_call(z, gidx_agg, sidx_agg)
    y = _fin_call(part, part, z, deg_pair, b.reshape(1, D))
    return y

# --- scband reference (transcript-rebuilt; emitter-appended) ---
"""Pipeline reference for scband-feature-batch-spatial-graph-conv-34772055229048 (READ-ONLY COPY).

The authoritative reference and input builder live on the scoring server;
editing this copy changes nothing except your own understanding.
"""

import jax, jax.numpy as jnp
import numpy as np

N = 10000
E = 320000
D_IN = 128
D_OUT = 128


def setup_inputs(seed: int = 0) -> dict:
    key = jax.random.key(seed)
    k1, k2, k3 = jax.random.split(key, 3)
    x = jax.random.normal(k1, (N, D_IN), dtype=jnp.float32)
    edge_index = jax.random.randint(k2, (2, E), 0, N, dtype=jnp.int32)
    # nn.Linear(in_channels, out_channels, bias=False): weight shape [out, in]
    W = jax.random.normal(k3, (D_OUT, D_IN), dtype=jnp.float32) * (1.0 / np.sqrt(D_IN))
    b = jnp.zeros((D_OUT,), dtype=jnp.float32)
    return {"x": x, "edge_index": edge_index, "W": W, "b": b}


def reference(x, edge_index, W, b):
    n = x.shape[0]
    src = edge_index[0]
    dst = edge_index[1]
    loop = jnp.arange(n, dtype=edge_index.dtype)
    # symmetrize edges: concat(edge_index, flip(edge_index)), then gcn_norm adds self loops
    row = jnp.concatenate([src, dst, loop])
    col = jnp.concatenate([dst, src, loop])
    w = jnp.ones(row.shape[0], dtype=jnp.float32)
    # gcn_norm: deg = row-sum of adjacency (duplicates coalesced by summation ==
    # scatter-add over raw edge list)
    deg = jnp.zeros((n,), dtype=jnp.float32).at[row].add(w)
    deg_inv_sqrt = jnp.where(deg > 0, jax.lax.rsqrt(deg), 0.0)
    norm = deg_inv_sqrt[row] * w * deg_inv_sqrt[col]
    # x = lin(x)
    h = x @ W.T
    # y = adj_norm @ h  (SpMM as gather + scatter-add)
    y = jnp.zeros((n, h.shape[1]), dtype=h.dtype).at[row].add(norm[:, None] * h[col])
    # bias add
    y = y + b
    return y

if __name__ == "__main__":
    import jax
    _d = setup_inputs()
    print(jax.jit(kernel)(*tuple(_d.values())))

</pallas_src>

<mosaic_0001>
#map = affine_map<(d0, d1) -> (0, 0)>
#map1 = affine_map<(d0, d1) -> (0, 0, 0, 0)>
#map2 = affine_map<(d0, d1) -> (0, 0, 0)>
module attributes {stable_mosaic.version = 14 : i64} {
  func.func @_agg_call(%arg0: i32, %arg1: i32, %arg2: memref<10000x128xf32, #tpu.memory_space<hbm>>, %arg3: memref<32x16x40x32xi32, #tpu.memory_space<hbm>>, %arg4: memref<32x16x40x32xi32, #tpu.memory_space<hbm>>, %arg5: memref<2x10240x128xf32, #tpu.memory_space<hbm>>, %arg6: memref<40x32xi32, #tpu.memory_space<vmem>>, %arg7: memref<40x32xi32, #tpu.memory_space<vmem>>, %arg8: memref<32x128xf32, #tpu.memory_space<vmem>>, %arg9: memref<32x128xf32, #tpu.memory_space<vmem>>, %arg10: memref<32x128xf32, #tpu.memory_space<vmem>>, %arg11: memref<32x128xf32, #tpu.memory_space<vmem>>, %arg12: memref<32x128xf32, #tpu.memory_space<vmem>>, %arg13: memref<32x128xf32, #tpu.memory_space<vmem>>, %arg14: memref<32x128xf32, #tpu.memory_space<vmem>>, %arg15: memref<32x128xf32, #tpu.memory_space<vmem>>, %arg16: memref<32x128xf32, #tpu.memory_space<vmem>>, %arg17: memref<10240x128xf32, #tpu.memory_space<vmem_shared>>, %arg18: memref<!tpu.dma_semaphore, #tpu.memory_space<semaphore_mem>>, %arg19: memref<!tpu.dma_semaphore, #tpu.memory_space<semaphore_mem>>, %arg20: memref<!tpu.dma_semaphore, #tpu.memory_space<semaphore_mem>>, %arg21: memref<!tpu.dma_semaphore, #tpu.memory_space<semaphore_mem>>, %arg22: memref<!tpu.dma_semaphore, #tpu.memory_space<semaphore_mem>>, %arg23: memref<!tpu.dma_semaphore, #tpu.memory_space<semaphore_mem>>, %arg24: memref<!tpu.dma_semaphore, #tpu.memory_space<semaphore_mem>>, %arg25: memref<!tpu.dma_semaphore, #tpu.memory_space<semaphore_mem>>) attributes {dimension_semantics = [#tpu.dimension_semantics<core_parallel>, #tpu.dimension_semantics<subcore_parallel>], iteration_bounds = array<i64: 2, 16>, scalar_prefetch = 0 : i64, scratch_operands = 20 : i64, tpu.core_type = #tpu.core_type<sc_vector_subcore>, window_params = [{transform_indices = #map}, {transform_indices = #map1}, {transform_indices = #map1}, {transform_indices = #map2}]} {
    %mul3A = arith.constant 16 : i32
    %mul3A_0 = arith.muli %arg0, %mul3A : i32
    %add3A = arith.addi %mul3A_0, %arg1 : i32
    %scan3A = arith.constant 0 : i32
    %scan3A_1 = arith.constant 32 : i32
    %scan3A_2 = arith.addi %scan3A, %scan3A_1 : i32
    %scan3A_3 = arith.constant 1 : i32
    scf.for %scan3A_95 = %scan3A to %scan3A_2 step %scan3A_3  : i32 {
      %mul3A_96 = arith.constant 1 : i32
      %mul3A_97 = arith.muli %scan3A_95, %mul3A_96 : i32
      %add3A_98 = arith.constant 0 : i32
      %add3A_99 = arith.addi %add3A_98, %mul3A_97 : i32
      %broadcast_in_dim3A = arith.constant 0.000000e+00 : f32
      %broadcast_in_dim3A_100 = vector.broadcast %broadcast_in_dim3A : f32 to vector<16xf32>
      %swap3A = arith.index_cast %add3A_99 : i32 to index
      %swap3A_101 = arith.constant 0 : index
      %swap3A_102 = tpu.vector_load %arg16[%swap3A, %swap3A_101] {strides = array<i32>} : memref<32x128xf32, #tpu.memory_space<vmem>>, vector<1x16xf32>,
      %swap3A_103 = vector.shape_cast %swap3A_102 : vector<1x16xf32> to vector<16xf32>
      %swap3A_104 = vector.shape_cast %broadcast_in_dim3A_100 : vector<16xf32> to vector<1x16xf32>
      tpu.vector_store %arg16[%swap3A, %swap3A_101], %swap3A_104 {strides = array<i32>} : memref<32x128xf32, #tpu.memory_space<vmem>>, vector<1x16xf32>,
      %broadcast_in_dim3A_105 = arith.constant 0.000000e+00 : f32
      %broadcast_in_dim3A_106 = vector.broadcast %broadcast_in_dim3A_105 : f32 to vector<16xf32>
      %swap3A_107 = arith.index_cast %add3A_99 : i32 to index
      %swap3A_108 = arith.constant 16 : index
      %swap3A_109 = tpu.vector_load %arg16[%swap3A_107, %swap3A_108] {strides = array<i32>} : memref<32x128xf32, #tpu.memory_space<vmem>>, vector<1x16xf32>,
      %swap3A_110 = vector.shape_cast %swap3A_109 : vector<1x16xf32> to vector<16xf32>
      %swap3A_111 = vector.shape_cast %broadcast_in_dim3A_106 : vector<16xf32> to vector<1x16xf32>
      tpu.vector_store %arg16[%swap3A_107, %swap3A_108], %swap3A_111 {strides = array<i32>} : memref<32x128xf32, #tpu.memory_space<vmem>>, vector<1x16xf32>,
      %broadcast_in_dim3A_112 = arith.constant 0.000000e+00 : f32
      %broadcast_in_dim3A_113 = vector.broadcast %broadcast_in_dim3A_112 : f32 to vector<16xf32>
      %swap3A_114 = arith.index_cast %add3A_99 : i32 to index
      %swap3A_115 = arith.constant 32 : index
      %swap3A_116 = tpu.vector_load %arg16[%swap3A_114, %swap3A_115] {strides = array<i32>} : memref<32x128xf32, #tpu.memory_space<vmem>>, vector<1x16xf32>,
      %swap3A_117 = vector.shape_cast %swap3A_116 : vector<1x16xf32> to vector<16xf32>
      %swap3A_118 = vector.shape_cast %broadcast_in_dim3A_113 : vector<16xf32> to vector<1x16xf32>
      tpu.vector_store %arg16[%swap3A_114, %swap3A_115], %swap3A_118 {strides = array<i32>} : memref<32x128xf32, #tpu.memory_space<vmem>>, vector<1x16xf32>,
      %broadcast_in_dim3A_119 = arith.constant 0.000000e+00 : f32
      %broadcast_in_dim3A_120 = vector.broadcast %broadcast_in_dim3A_119 : f32 to vector<16xf32>
      %swap3A_121 = arith.index_cast %add3A_99 : i32 to index
      %swap3A_122 = arith.constant 48 : index
      %swap3A_123 = tpu.vector_load %arg16[%swap3A_121, %swap3A_122] {strides = array<i32>} : memref<32x128xf32, #tpu.memory_space<vmem>>, vector<1x16xf32>,
      %swap3A_124 = vector.shape_cast %swap3A_123 : vector<1x16xf32> to vector<16xf32>
      %swap3A_125 = vector.shape_cast %broadcast_in_dim3A_120 : vector<16xf32> to vector<1x16xf32>
      tpu.vector_store %arg16[%swap3A_121, %swap3A_122], %swap3A_125 {strides = array<i32>} : memref<32x128xf32, #tpu.memory_space<vmem>>, vector<1x16xf32>,
      %broadcast_in_dim3A_126 = arith.constant 0.000000e+00 : f32
      %broadcast_in_dim3A_127 = vector.broadcast %broadcast_in_dim3A_126 : f32 to vector<16xf32>
      %swap3A_128 = arith.index_cast %add3A_99 : i32 to index
      %swap3A_129 = arith.constant 64 : index
      %swap3A_130 = tpu.vector_load %arg16[%swap3A_128, %swap3A_129] {strides = array<i32>} : memref<32x128xf32, #tpu.memory_space<vmem>>, vector<1x16xf32>,
      %swap3A_131 = vector.shape_cast %swap3A_130 : vector<1x16xf32> to vector<16xf32>
      %swap3A_132 = vector.shape_cast %broadcast_in_dim3A_127 : vector<16xf32> to vector<1x16xf32>
      tpu.vector_store %arg16[%swap3A_128, %swap3A_129], %swap3A_132 {strides = array<i32>} : memref<32x128xf32, #tpu.memory_space<vmem>>, vector<1x16xf32>,
      %broadcast_in_dim3A_133 = arith.constant 0.000000e+00 : f32
      %broadcast_in_dim3A_134 = vector.broadcast %broadcast_in_dim3A_133 : f32 to vector<16xf32>
      %swap3A_135 = arith.index_cast %add3A_99 : i32 to index
      %swap3A_136 = arith.constant 80 : index
      %swap3A_137 = tpu.vector_load %arg16[%swap3A_135, %swap3A_136] {strides = array<i32>} : memref<32x128xf32, #tpu.memory_space<vmem>>, vector<1x16xf32>,
      %swap3A_138 = vector.shape_cast %swap3A_137 : vector<1x16xf32> to vector<16xf32>
      %swap3A_139 = vector.shape_cast %broadcast_in_dim3A_134 : vector<16xf32> to vector<1x16xf32>
      tpu.vector_store %arg16[%swap3A_135, %swap3A_136], %swap3A_139 {strides = array<i32>} : memref<32x128xf32, #tpu.memory_space<vmem>>, vector<1x16xf32>,
      %broadcast_in_dim3A_140 = arith.constant 0.000000e+00 : f32
      %broadcast_in_dim3A_141 = vector.broadcast %broadcast_in_dim3A_140 : f32 to vector<16xf32>
      %swap3A_142 = arith.index_cast %add3A_99 : i32 to index
      %swap3A_143 = arith.constant 96 : index
      %swap3A_144 = tpu.vector_load %arg16[%swap3A_142, %swap3A_143] {strides = array<i32>} : memref<32x128xf32, #tpu.memory_space<vmem>>, vector<1x16xf32>,
      %swap3A_145 = vector.shape_cast %swap3A_144 : vector<1x16xf32> to vector<16xf32>
      %swap3A_146 = vector.shape_cast %broadcast_in_dim3A_141 : vector<16xf32> to vector<1x16xf32>
      tpu.vector_store %arg16[%swap3A_142, %swap3A_143], %swap3A_146 {strides = array<i32>} : memref<32x128xf32, #tpu.memory_space<vmem>>, vector<1x16xf32>,
      %broadcast_in_dim3A_147 = arith.constant 0.000000e+00 : f32
      %broadcast_in_dim3A_148 = vector.broadcast %broadcast_in_dim3A_147 : f32 to vector<16xf32>
      %swap3A_149 = arith.index_cast %add3A_99 : i32 to index
      %swap3A_150 = arith.constant 112 : index
      %swap3A_151 = tpu.vector_load %arg16[%swap3A_149, %swap3A_150] {strides = array<i32>} : memref<32x128xf32, #tpu.memory_space<vmem>>, vector<1x16xf32>,
      %swap3A_152 = vector.shape_cast %swap3A_151 : vector<1x16xf32> to vector<16xf32>
      %swap3A_153 = vector.shape_cast %broadcast_in_dim3A_148 : vector<16xf32> to vector<1x16xf32>
      tpu.vector_store %arg16[%swap3A_149, %swap3A_150], %swap3A_153 {strides = array<i32>} : memref<32x128xf32, #tpu.memory_space<vmem>>, vector<1x16xf32>,
    }
    %scan3A_4 = arith.constant 32 : i32
    %mul3A_5 = arith.constant 640 : i32
    %mul3A_6 = arith.muli %arg1, %mul3A_5 : i32
    %add3A_7 = arith.constant 0 : i32
    %add3A_8 = arith.addi %mul3A_6, %add3A_7 : i32
    "tpu.region"() ({
      %run_scoped3A = tpu.sem_alloc : memref<!tpu.dma_semaphore, #tpu.memory_space<semaphore_mem>>
      %dma_start3A = arith.constant 0 : i32
      %dma_start3A_95 = tpu.memref_slice %arg17[%add3A_8, %dma_start3A] : memref<10240x128xf32, #tpu.memory_space<vmem_shared>> -> memref<32x128xf32, #tpu.memory_space<vmem_shared>>
      %dma_start3A_96 = arith.constant 0 : i32
      %dma_start3A_97 = tpu.memref_slice %arg17[%add3A_8, %dma_start3A_96] : memref<10240x128xf32, #tpu.memory_space<vmem_shared>> -> memref<32x128xf32, #tpu.memory_space<vmem_shared>>
      tpu.enqueue_dma source(%arg16 : memref<32x128xf32, #tpu.memory_space<vmem>>) target(%dma_start3A_97 : memref<32x128xf32, #tpu.memory_space<vmem_shared>>) target_semaphore(%run_scoped3A : memref<!tpu.dma_semaphore, #tpu.memory_space<semaphore_mem>>)
      %dma_wait3A = arith.constant 0 : i32
      %dma_wait3A_98 = tpu.memref_slice %arg17[%add3A_8, %dma_wait3A] : memref<10240x128xf32, #tpu.memory_space<vmem_shared>> -> memref<32x128xf32, #tpu.memory_space<vmem_shared>>
      %dma_wait3A_99 = arith.constant 0 : i32
      %dma_wait3A_100 = tpu.memref_slice %arg17[%add3A_8, %dma_wait3A_99] : memref<10240x128xf32, #tpu.memory_space<vmem_shared>> -> memref<32x128xf32, #tpu.memory_space<vmem_shared>>
      tpu.wait_dma2 semaphore(%run_scoped3A : memref<!tpu.dma_semaphore, #tpu.memory_space<semaphore_mem>>) src(%arg16 : memref<32x128xf32, #tpu.memory_space<vmem>>) dst(%dma_wait3A_100 : memref<32x128xf32, #tpu.memory_space<vmem_shared>>)
      tpu.yield
    }) : () -> ()
    %mul3A_9 = arith.constant 640 : i32
    %mul3A_10 = arith.muli %arg1, %mul3A_9 : i32
    %add3A_11 = arith.constant 32 : i32
    %add3A_12 = arith.addi %mul3A_10, %add3A_11 : i32
    "tpu.region"() ({
      %run_scoped3A = tpu.sem_alloc : memref<!tpu.dma_semaphore, #tpu.memory_space<semaphore_mem>>
      %dma_start3A = arith.constant 0 : i32
      %dma_start3A_95 = tpu.memref_slice %arg17[%add3A_12, %dma_start3A] : memref<10240x128xf32, #tpu.memory_space<vmem_shared>> -> memref<32x128xf32, #tpu.memory_space<vmem_shared>>
      %dma_start3A_96 = arith.constant 0 : i32
      %dma_start3A_97 = tpu.memref_slice %arg17[%add3A_12, %dma_start3A_96] : memref<10240x128xf32, #tpu.memory_space<vmem_shared>> -> memref<32x128xf32, #tpu.memory_space<vmem_shared>>
      tpu.enqueue_dma source(%arg16 : memref<32x128xf32, #tpu.memory_space<vmem>>) target(%dma_start3A_97 : memref<32x128xf32, #tpu.memory_space<vmem_shared>>) target_semaphore(%run_scoped3A : memref<!tpu.dma_semaphore, #tpu.memory_space<semaphore_mem>>)
      %dma_wait3A = arith.constant 0 : i32
      %dma_wait3A_98 = tpu.memref_slice %arg17[%add3A_12, %dma_wait3A] : memref<10240x128xf32, #tpu.memory_space<vmem_shared>> -> memref<32x128xf32, #tpu.memory_space<vmem_shared>>
      %dma_wait3A_99 = arith.constant 0 : i32
      %dma_wait3A_100 = tpu.memref_slice %arg17[%add3A_12, %dma_wait3A_99] : memref<10240x128xf32, #tpu.memory_space<vmem_shared>> -> memref<32x128xf32, #tpu.memory_space<vmem_shared>>
      tpu.wait_dma2 semaphore(%run_scoped3A : memref<!tpu.dma_semaphore, #tpu.memory_space<semaphore_mem>>) src(%arg16 : memref<32x128xf32, #tpu.memory_space<vmem>>) dst(%dma_wait3A_100 : memref<32x128xf32, #tpu.memory_space<vmem_shared>>)
      tpu.yield
    }) : () -> ()
    %mul3A_13 = arith.constant 640 : i32
    %mul3A_14 = arith.muli %arg1, %mul3A_13 : i32
    %add3A_15 = arith.constant 64 : i32
    %add3A_16 = arith.addi %mul3A_14, %add3A_15 : i32
    "tpu.region"() ({
      %run_scoped3A = tpu.sem_alloc : memref<!tpu.dma_semaphore, #tpu.memory_space<semaphore_mem>>
      %dma_start3A = arith.constant 0 : i32
      %dma_start3A_95 = tpu.memref_slice %arg17[%add3A_16, %dma_start3A] : memref<10240x128xf32, #tpu.memory_space<vmem_shared>> -> memref<32x128xf32, #tpu.memory_space<vmem_shared>>
      %dma_start3A_96 = arith.constant 0 : i32
      %dma_start3A_97 = tpu.memref_slice %arg17[%add3A_16, %dma_start3A_96] : memref<10240x128xf32, #tpu.memory_space<vmem_shared>> -> memref<32x128xf32, #tpu.memory_space<vmem_shared>>
      tpu.enqueue_dma source(%arg16 : memref<32x128xf32, #tpu.memory_space<vmem>>) target(%dma_start3A_97 : memref<32x128xf32, #tpu.memory_space<vmem_shared>>) target_semaphore(%run_scoped3A : memref<!tpu.dma_semaphore, #tpu.memory_space<semaphore_mem>>)
      %dma_wait3A = arith.constant 0 : i32
      %dma_wait3A_98 = tpu.memref_slice %arg17[%add3A_16, %dma_wait3A] : memref<10240x128xf32, #tpu.memory_space<vmem_shared>> -> memref<32x128xf32, #tpu.memory_space<vmem_shared>>
      %dma_wait3A_99 = arith.constant 0 : i32
      %dma_wait3A_100 = tpu.memref_slice %arg17[%add3A_16, %dma_wait3A_99] : memref<10240x128xf32, #tpu.memory_space<vmem_shared>> -> memref<32x128xf32, #tpu.memory_space<vmem_shared>>
      tpu.wait_dma2 semaphore(%run_scoped3A : memref<!tpu.dma_semaphore, #tpu.memory_space<semaphore_mem>>) src(%arg16 : memref<32x128xf32, #tpu.memory_space<vmem>>) dst(%dma_wait3A_100 : memref<32x128xf32, #tpu.memory_space<vmem_shared>>)
      tpu.yield
    }) : () -> ()
    %mul3A_17 = arith.constant 640 : i32
    %mul3A_18 = arith.muli %arg1, %mul3A_17 : i32
    %add3A_19 = arith.constant 96 : i32
    %add3A_20 = arith.addi %mul3A_18, %add3A_19 : i32
    "tpu.region"() ({
      %run_scoped3A = tpu.sem_alloc : memref<!tpu.dma_semaphore, #tpu.memory_space<semaphore_mem>>
      %dma_start3A = arith.constant 0 : i32
      %dma_start3A_95 = tpu.memref_slice %arg17[%add3A_20, %dma_start3A] : memref<10240x128xf32, #tpu.memory_space<vmem_shared>> -> memref<32x128xf32, #tpu.memory_space<vmem_shared>>
      %dma_start3A_96 = arith.constant 0 : i32
      %dma_start3A_97 = tpu.memref_slice %arg17[%add3A_20, %dma_start3A_96] : memref<10240x128xf32, #tpu.memory_space<vmem_shared>> -> memref<32x128xf32, #tpu.memory_space<vmem_shared>>
      tpu.enqueue_dma source(%arg16 : memref<32x128xf32, #tpu.memory_space<vmem>>) target(%dma_start3A_97 : memref<32x128xf32, #tpu.memory_space<vmem_shared>>) target_semaphore(%run_scoped3A : memref<!tpu.dma_semaphore, #tpu.memory_space<semaphore_mem>>)
      %dma_wait3A = arith.constant 0 : i32
      %dma_wait3A_98 = tpu.memref_slice %arg17[%add3A_20, %dma_wait3A] : memref<10240x128xf32, #tpu.memory_space<vmem_shared>> -> memref<32x128xf32, #tpu.memory_space<vmem_shared>>
      %dma_wait3A_99 = arith.constant 0 : i32
      %dma_wait3A_100 = tpu.memref_slice %arg17[%add3A_20, %dma_wait3A_99] : memref<10240x128xf32, #tpu.memory_space<vmem_shared>> -> memref<32x128xf32, #tpu.memory_space<vmem_shared>>
      tpu.wait_dma2 semaphore(%run_scoped3A : memref<!tpu.dma_semaphore, #tpu.memory_space<semaphore_mem>>) src(%arg16 : memref<32x128xf32, #tpu.memory_space<vmem>>) dst(%dma_wait3A_100 : memref<32x128xf32, #tpu.memory_space<vmem_shared>>)
      tpu.yield
    }) : () -> ()
    %mul3A_21 = arith.constant 640 : i32
    %mul3A_22 = arith.muli %arg1, %mul3A_21 : i32
    %add3A_23 = arith.constant 128 : i32
    %add3A_24 = arith.addi %mul3A_22, %add3A_23 : i32
    "tpu.region"() ({
      %run_scoped3A = tpu.sem_alloc : memref<!tpu.dma_semaphore, #tpu.memory_space<semaphore_mem>>
      %dma_start3A = arith.constant 0 : i32
      %dma_start3A_95 = tpu.memref_slice %arg17[%add3A_24, %dma_start3A] : memref<10240x128xf32, #tpu.memory_space<vmem_shared>> -> memref<32x128xf32, #tpu.memory_space<vmem_shared>>
      %dma_start3A_96 = arith.constant 0 : i32
      %dma_start3A_97 = tpu.memref_slice %arg17[%add3A_24, %dma_start3A_96] : memref<10240x128xf32, #tpu.memory_space<vmem_shared>> -> memref<32x128xf32, #tpu.memory_space<vmem_shared>>
      tpu.enqueue_dma source(%arg16 : memref<32x128xf32, #tpu.memory_space<vmem>>) target(%dma_start3A_97 : memref<32x128xf32, #tpu.memory_space<vmem_shared>>) target_semaphore(%run_scoped3A : memref<!tpu.dma_semaphore, #tpu.memory_space<semaphore_mem>>)
      %dma_wait3A = arith.constant 0 : i32
      %dma_wait3A_98 = tpu.memref_slice %arg17[%add3A_24, %dma_wait3A] : memref<10240x128xf32, #tpu.memory_space<vmem_shared>> -> memref<32x128xf32, #tpu.memory_space<vmem_shared>>
      %dma_wait3A_99 = arith.constant 0 : i32
      %dma_wait3A_100 = tpu.memref_slice %arg17[%add3A_24, %dma_wait3A_99] : memref<10240x128xf32, #tpu.memory_space<vmem_shared>> -> memref<32x128xf32, #tpu.memory_space<vmem_shared>>
      tpu.wait_dma2 semaphore(%run_scoped3A : memref<!tpu.dma_semaphore, #tpu.memory_space<semaphore_mem>>) src(%arg16 : memref<32x128xf32, #tpu.memory_space<vmem>>) dst(%dma_wait3A_100 : memref<32x128xf32, #tpu.memory_space<vmem_shared>>)
      tpu.yield
    }) : () -> ()
    %mul3A_25 = arith.constant 640 : i32
    %mul3A_26 = arith.muli %arg1, %mul3A_25 : i32
    %add3A_27 = arith.constant 160 : i32
    %add3A_28 = arith.addi %mul3A_26, %add3A_27 : i32
    "tpu.region"() ({
      %run_scoped3A = tpu.sem_alloc : memref<!tpu.dma_semaphore, #tpu.memory_space<semaphore_mem>>
      %dma_start3A = arith.constant 0 : i32
      %dma_start3A_95 = tpu.memref_slice %arg17[%add3A_28, %dma_start3A] : memref<10240x128xf32, #tpu.memory_space<vmem_shared>> -> memref<32x128xf32, #tpu.memory_space<vmem_shared>>
      %dma_start3A_96 = arith.constant 0 : i32
      %dma_start3A_97 = tpu.memref_slice %arg17[%add3A_28, %dma_start3A_96] : memref<10240x128xf32, #tpu.memory_space<vmem_shared>> -> memref<32x128xf32, #tpu.memory_space<vmem_shared>>
      tpu.enqueue_dma source(%arg16 : memref<32x128xf32, #tpu.memory_space<vmem>>) target(%dma_start3A_97 : memref<32x128xf32, #tpu.memory_space<vmem_shared>>) target_semaphore(%run_scoped3A : memref<!tpu.dma_semaphore, #tpu.memory_space<semaphore_mem>>)
      %dma_wait3A = arith.constant 0 : i32
      %dma_wait3A_98 = tpu.memref_slice %arg17[%add3A_28, %dma_wait3A] : memref<10240x128xf32, #tpu.memory_space<vmem_shared>> -> memref<32x128xf32, #tpu.memory_space<vmem_shared>>
      %dma_wait3A_99 = arith.constant 0 : i32
      %dma_wait3A_100 = tpu.memref_slice %arg17[%add3A_28, %dma_wait3A_99] : memref<10240x128xf32, #tpu.memory_space<vmem_shared>> -> memref<32x128xf32, #tpu.memory_space<vmem_shared>>
      tpu.wait_dma2 semaphore(%run_scoped3A : memref<!tpu.dma_semaphore, #tpu.memory_space<semaphore_mem>>) src(%arg16 : memref<32x128xf32, #tpu.memory_space<vmem>>) dst(%dma_wait3A_100 : memref<32x128xf32, #tpu.memory_space<vmem_shared>>)
      tpu.yield
    }) : () -> ()
    %mul3A_29 = arith.constant 640 : i32
    %mul3A_30 = arith.muli %arg1, %mul3A_29 : i32
    %add3A_31 = arith.constant 192 : i32
    %add3A_32 = arith.addi %mul3A_30, %add3A_31 : i32
    "tpu.region"() ({
      %run_scoped3A = tpu.sem_alloc : memref<!tpu.dma_semaphore, #tpu.memory_space<semaphore_mem>>
      %dma_start3A = arith.constant 0 : i32
      %dma_start3A_95 = tpu.memref_slice %arg17[%add3A_32, %dma_start3A] : memref<10240x128xf32, #tpu.memory_space<vmem_shared>> -> memref<32x128xf32, #tpu.memory_space<vmem_shared>>
      %dma_start3A_96 = arith.constant 0 : i32
      %dma_start3A_97 = tpu.memref_slice %arg17[%add3A_32, %dma_start3A_96] : memref<10240x128xf32, #tpu.memory_space<vmem_shared>> -> memref<32x128xf32, #tpu.memory_space<vmem_shared>>
      tpu.enqueue_dma source(%arg16 : memref<32x128xf32, #tpu.memory_space<vmem>>) target(%dma_start3A_97 : memref<32x128xf32, #tpu.memory_space<vmem_shared>>) target_semaphore(%run_scoped3A : memref<!tpu.dma_semaphore, #tpu.memory_space<semaphore_mem>>)
      %dma_wait3A = arith.constant 0 : i32
      %dma_wait3A_98 = tpu.memref_slice %arg17[%add3A_32, %dma_wait3A] : memref<10240x128xf32, #tpu.memory_space<vmem_shared>> -> memref<32x128xf32, #tpu.memory_space<vmem_shared>>
      %dma_wait3A_99 = arith.constant 0 : i32
      %dma_wait3A_100 = tpu.memref_slice %arg17[%add3A_32, %dma_wait3A_99] : memref<10240x128xf32, #tpu.memory_space<vmem_shared>> -> memref<32x128xf32, #tpu.memory_space<vmem_shared>>
      tpu.wait_dma2 semaphore(%run_scoped3A : memref<!tpu.dma_semaphore, #tpu.memory_space<semaphore_mem>>) src(%arg16 : memref<32x128xf32, #tpu.memory_space<vmem>>) dst(%dma_wait3A_100 : memref<32x128xf32, #tpu.memory_space<vmem_shared>>)
      tpu.yield
    }) : () -> ()
    %mul3A_33 = arith.constant 640 : i32
    %mul3A_34 = arith.muli %arg1, %mul3A_33 : i32
    %add3A_35 = arith.constant 224 : i32
    %add3A_36 = arith.addi %mul3A_34, %add3A_35 : i32
    "tpu.region"() ({
      %run_scoped3A = tpu.sem_alloc : memref<!tpu.dma_semaphore, #tpu.memory_space<semaphore_mem>>
      %dma_start3A = arith.constant 0 : i32
      %dma_start3A_95 = tpu.memref_slice %arg17[%add3A_36, %dma_start3A] : memref<10240x128xf32, #tpu.memory_space<vmem_shared>> -> memref<32x128xf32, #tpu.memory_space<vmem_shared>>
      %dma_start3A_96 = arith.constant 0 : i32
      %dma_start3A_97 = tpu.memref_slice %arg17[%add3A_36, %dma_start3A_96] : memref<10240x128xf32, #tpu.memory_space<vmem_shared>> -> memref<32x128xf32, #tpu.memory_space<vmem_shared>>
      tpu.enqueue_dma source(%arg16 : memref<32x128xf32, #tpu.memory_space<vmem>>) target(%dma_start3A_97 : memref<32x128xf32, #tpu.memory_space<vmem_shared>>) target_semaphore(%run_scoped3A : memref<!tpu.dma_semaphore, #tpu.memory_space<semaphore_mem>>)
      %dma_wait3A = arith.constant 0 : i32
      %dma_wait3A_98 = tpu.memref_slice %arg17[%add3A_36, %dma_wait3A] : memref<10240x128xf32, #tpu.memory_space<vmem_shared>> -> memref<32x128xf32, #tpu.memory_space<vmem_shared>>
      %dma_wait3A_99 = arith.constant 0 : i32
      %dma_wait3A_100 = tpu.memref_slice %arg17[%add3A_36, %dma_wait3A_99] : memref<10240x128xf32, #tpu.memory_space<vmem_shared>> -> memref<32x128xf32, #tpu.memory_space<vmem_shared>>
      tpu.wait_dma2 semaphore(%run_scoped3A : memref<!tpu.dma_semaphore, #tpu.memory_space<semaphore_mem>>) src(%arg16 : memref<32x128xf32, #tpu.memory_space<vmem>>) dst(%dma_wait3A_100 : memref<32x128xf32, #tpu.memory_space<vmem_shared>>)
      tpu.yield
    }) : () -> ()
    %mul3A_37 = arith.constant 640 : i32
    %mul3A_38 = arith.muli %arg1, %mul3A_37 : i32
    %add3A_39 = arith.constant 256 : i32
    %add3A_40 = arith.addi %mul3A_38, %add3A_39 : i32
    "tpu.region"() ({
      %run_scoped3A = tpu.sem_alloc : memref<!tpu.dma_semaphore, #tpu.memory_space<semaphore_mem>>
      %dma_start3A = arith.constant 0 : i32
      %dma_start3A_95 = tpu.memref_slice %arg17[%add3A_40, %dma_start3A] : memref<10240x128xf32, #tpu.memory_space<vmem_shared>> -> memref<32x128xf32, #tpu.memory_space<vmem_shared>>
      %dma_start3A_96 = arith.constant 0 : i32
      %dma_start3A_97 = tpu.memref_slice %arg17[%add3A_40, %dma_start3A_96] : memref<10240x128xf32, #tpu.memory_space<vmem_shared>> -> memref<32x128xf32, #tpu.memory_space<vmem_shared>>
      tpu.enqueue_dma source(%arg16 : memref<32x128xf32, #tpu.memory_space<vmem>>) target(%dma_start3A_97 : memref<32x128xf32, #tpu.memory_space<vmem_shared>>) target_semaphore(%run_scoped3A : memref<!tpu.dma_semaphore, #tpu.memory_space<semaphore_mem>>)
      %dma_wait3A = arith.constant 0 : i32
      %dma_wait3A_98 = tpu.memref_slice %arg17[%add3A_40, %dma_wait3A] : memref<10240x128xf32, #tpu.memory_space<vmem_shared>> -> memref<32x128xf32, #tpu.memory_space<vmem_shared>>
      %dma_wait3A_99 = arith.constant 0 : i32
      %dma_wait3A_100 = tpu.memref_slice %arg17[%add3A_40, %dma_wait3A_99] : memref<10240x128xf32, #tpu.memory_space<vmem_shared>> -> memref<32x128xf32, #tpu.memory_space<vmem_shared>>
      tpu.wait_dma2 semaphore(%run_scoped3A : memref<!tpu.dma_semaphore, #tpu.memory_space<semaphore_mem>>) src(%arg16 : memref<32x128xf32, #tpu.memory_space<vmem>>) dst(%dma_wait3A_100 : memref<32x128xf32, #tpu.memory_space<vmem_shared>>)
      tpu.yield
    }) : () -> ()
    %mul3A_41 = arith.constant 640 : i32
    %mul3A_42 = arith.muli %arg1, %mul3A_41 : i32
    %add3A_43 = arith.constant 288 : i32
    %add3A_44 = arith.addi %mul3A_42, %add3A_43 : i32
    "tpu.region"() ({
      %run_scoped3A = tpu.sem_alloc : memref<!tpu.dma_semaphore, #tpu.memory_space<semaphore_mem>>
      %dma_start3A = arith.constant 0 : i32
      %dma_start3A_95 = tpu.memref_slice %arg17[%add3A_44, %dma_start3A] : memref<10240x128xf32, #tpu.memory_space<vmem_shared>> -> memref<32x128xf32, #tpu.memory_space<vmem_shared>>
      %dma_start3A_96 = arith.constant 0 : i32
      %dma_start3A_97 = tpu.memref_slice %arg17[%add3A_44, %dma_start3A_96] : memref<10240x128xf32, #tpu.memory_space<vmem_shared>> -> memref<32x128xf32, #tpu.memory_space<vmem_shared>>
      tpu.enqueue_dma source(%arg16 : memref<32x128xf32, #tpu.memory_space<vmem>>) target(%dma_start3A_97 : memref<32x128xf32, #tpu.memory_space<vmem_shared>>) target_semaphore(%run_scoped3A : memref<!tpu.dma_semaphore, #tpu.memory_space<semaphore_mem>>)
      %dma_wait3A = arith.constant 0 : i32
      %dma_wait3A_98 = tpu.memref_slice %arg17[%add3A_44, %dma_wait3A] : memref<10240x128xf32, #tpu.memory_space<vmem_shared>> -> memref<32x128xf32, #tpu.memory_space<vmem_shared>>
      %dma_wait3A_99 = arith.constant 0 : i32
      %dma_wait3A_100 = tpu.memref_slice %arg17[%add3A_44, %dma_wait3A_99] : memref<10240x128xf32, #tpu.memory_space<vmem_shared>> -> memref<32x128xf32, #tpu.memory_space<vmem_shared>>
      tpu.wait_dma2 semaphore(%run_scoped3A : memref<!tpu.dma_semaphore, #tpu.memory_space<semaphore_mem>>) src(%arg16 : memref<32x128xf32, #tpu.memory_space<vmem>>) dst(%dma_wait3A_100 : memref<32x128xf32, #tpu.memory_space<vmem_shared>>)
      tpu.yield
    }) : () -> ()
    %mul3A_45 = arith.constant 640 : i32
    %mul3A_46 = arith.muli %arg1, %mul3A_45 : i32
    %add3A_47 = arith.constant 320 : i32
    %add3A_48 = arith.addi %mul3A_46, %add3A_47 : i32
    "tpu.region"() ({
      %run_scoped3A = tpu.sem_alloc : memref<!tpu.dma_semaphore, #tpu.memory_space<semaphore_mem>>
      %dma_start3A = arith.constant 0 : i32
      %dma_start3A_95 = tpu.memref_slice %arg17[%add3A_48, %dma_start3A] : memref<10240x128xf32, #tpu.memory_space<vmem_shared>> -> memref<32x128xf32, #tpu.memory_space<vmem_shared>>
      %dma_start3A_96 = arith.constant 0 : i32
      %dma_start3A_97 = tpu.memref_slice %arg17[%add3A_48, %dma_start3A_96] : memref<10240x128xf32, #tpu.memory_space<vmem_shared>> -> memref<32x128xf32, #tpu.memory_space<vmem_shared>>
      tpu.enqueue_dma source(%arg16 : memref<32x128xf32, #tpu.memory_space<vmem>>) target(%dma_start3A_97 : memref<32x128xf32, #tpu.memory_space<vmem_shared>>) target_semaphore(%run_scoped3A : memref<!tpu.dma_semaphore, #tpu.memory_space<semaphore_mem>>)
      %dma_wait3A = arith.constant 0 : i32
      %dma_wait3A_98 = tpu.memref_slice %arg17[%add3A_48, %dma_wait3A] : memref<10240x128xf32, #tpu.memory_space<vmem_shared>> -> memref<32x128xf32, #tpu.memory_space<vmem_shared>>
      %dma_wait3A_99 = arith.constant 0 : i32
      %dma_wait3A_100 = tpu.memref_slice %arg17[%add3A_48, %dma_wait3A_99] : memref<10240x128xf32, #tpu.memory_space<vmem_shared>> -> memref<32x128xf32, #tpu.memory_space<vmem_shared>>
      tpu.wait_dma2 semaphore(%run_scoped3A : memref<!tpu.dma_semaphore, #tpu.memory_space<semaphore_mem>>) src(%arg16 : memref<32x128xf32, #tpu.memory_space<vmem>>) dst(%dma_wait3A_100 : memref<32x128xf32, #tpu.memory_space<vmem_shared>>)
      tpu.yield
    }) : () -> ()
    %mul3A_49 = arith.constant 640 : i32
    %mul3A_50 = arith.muli %arg1, %mul3A_49 : i32
    %add3A_51 = arith.constant 352 : i32
    %add3A_52 = arith.addi %mul3A_50, %add3A_51 : i32
    "tpu.region"() ({
      %run_scoped3A = tpu.sem_alloc : memref<!tpu.dma_semaphore, #tpu.memory_space<semaphore_mem>>
      %dma_start3A = arith.constant 0 : i32
      %dma_start3A_95 = tpu.memref_slice %arg17[%add3A_52, %dma_start3A] : memref<10240x128xf32, #tpu.memory_space<vmem_shared>> -> memref<32x128xf32, #tpu.memory_space<vmem_shared>>
      %dma_start3A_96 = arith.constant 0 : i32
      %dma_start3A_97 = tpu.memref_slice %arg17[%add3A_52, %dma_start3A_96] : memref<10240x128xf32, #tpu.memory_space<vmem_shared>> -> memref<32x128xf32, #tpu.memory_space<vmem_shared>>
      tpu.enqueue_dma source(%arg16 : memref<32x128xf32, #tpu.memory_space<vmem>>) target(%dma_start3A_97 : memref<32x128xf32, #tpu.memory_space<vmem_shared>>) target_semaphore(%run_scoped3A : memref<!tpu.dma_semaphore, #tpu.memory_space<semaphore_mem>>)
      %dma_wait3A = arith.constant 0 : i32
      %dma_wait3A_98 = tpu.memref_slice %arg17[%add3A_52, %dma_wait3A] : memref<10240x128xf32, #tpu.memory_space<vmem_shared>> -> memref<32x128xf32, #tpu.memory_space<vmem_shared>>
      %dma_wait3A_99 = arith.constant 0 : i32
      %dma_wait3A_100 = tpu.memref_slice %arg17[%add3A_52, %dma_wait3A_99] : memref<10240x128xf32, #tpu.memory_space<vmem_shared>> -> memref<32x128xf32, #tpu.memory_space<vmem_shared>>
      tpu.wait_dma2 semaphore(%run_scoped3A : memref<!tpu.dma_semaphore, #tpu.memory_space<semaphore_mem>>) src(%arg16 : memref<32x128xf32, #tpu.memory_space<vmem>>) dst(%dma_wait3A_100 : memref<32x128xf32, #tpu.memory_space<vmem_shared>>)
      tpu.yield
    }) : () -> ()
    %mul3A_53 = arith.constant 640 : i32
    %mul3A_54 = arith.muli %arg1, %mul3A_53 : i32
    %add3A_55 = arith.constant 384 : i32
    %add3A_56 = arith.addi %mul3A_54, %add3A_55 : i32
    "tpu.region"() ({
      %run_scoped3A = tpu.sem_alloc : memref<!tpu.dma_semaphore, #tpu.memory_space<semaphore_mem>>
      %dma_start3A = arith.constant 0 : i32
      %dma_start3A_95 = tpu.memref_slice %arg17[%add3A_56, %dma_start3A] : memref<10240x128xf32, #tpu.memory_space<vmem_shared>> -> memref<32x128xf32, #tpu.memory_space<vmem_shared>>
      %dma_start3A_96 = arith.constant 0 : i32
      %dma_start3A_97 = tpu.memref_slice %arg17[%add3A_56, %dma_start3A_96] : memref<10240x128xf32, #tpu.memory_space<vmem_shared>> -> memref<32x128xf32, #tpu.memory_space<vmem_shared>>
      tpu.enqueue_dma source(%arg16 : memref<32x128xf32, #tpu.memory_space<vmem>>) target(%dma_start3A_97 : memref<32x128xf32, #tpu.memory_space<vmem_shared>>) target_semaphore(%run_scoped3A : memref<!tpu.dma_semaphore, #tpu.memory_space<semaphore_mem>>)
      %dma_wait3A = arith.constant 0 : i32
      %dma_wait3A_98 = tpu.memref_slice %arg17[%add3A_56, %dma_wait3A] : memref<10240x128xf32, #tpu.memory_space<vmem_shared>> -> memref<32x128xf32, #tpu.memory_space<vmem_shared>>
      %dma_wait3A_99 = arith.constant 0 : i32
      %dma_wait3A_100 = tpu.memref_slice %arg17[%add3A_56, %dma_wait3A_99] : memref<10240x128xf32, #tpu.memory_space<vmem_shared>> -> memref<32x128xf32, #tpu.memory_space<vmem_shared>>
      tpu.wait_dma2 semaphore(%run_scoped3A : memref<!tpu.dma_semaphore, #tpu.memory_space<semaphore_mem>>) src(%arg16 : memref<32x128xf32, #tpu.memory_space<vmem>>) dst(%dma_wait3A_100 : memref<32x128xf32, #tpu.memory_space<vmem_shared>>)
      tpu.yield
    }) : () -> ()
    %mul3A_57 = arith.constant 640 : i32
    %mul3A_58 = arith.muli %arg1, %mul3A_57 : i32
    %add3A_59 = arith.constant 416 : i32
    %add3A_60 = arith.addi %mul3A_58, %add3A_59 : i32
    "tpu.region"() ({
      %run_scoped3A = tpu.sem_alloc : memref<!tpu.dma_semaphore, #tpu.memory_space<semaphore_mem>>
      %dma_start3A = arith.constant 0 : i32
      %dma_start3A_95 = tpu.memref_slice %arg17[%add3A_60, %dma_start3A] : memref<10240x128xf32, #tpu.memory_space<vmem_shared>> -> memref<32x128xf32, #tpu.memory_space<vmem_shared>>
      %dma_start3A_96 = arith.constant 0 : i32
      %dma_start3A_97 = tpu.memref_slice %arg17[%add3A_60, %dma_start3A_96] : memref<10240x128xf32, #tpu.memory_space<vmem_shared>> -> memref<32x128xf32, #tpu.memory_space<vmem_shared>>
      tpu.enqueue_dma source(%arg16 : memref<32x128xf32, #tpu.memory_space<vmem>>) target(%dma_start3A_97 : memref<32x128xf32, #tpu.memory_space<vmem_shared>>) target_semaphore(%run_scoped3A : memref<!tpu.dma_semaphore, #tpu.memory_space<semaphore_mem>>)
      %dma_wait3A = arith.constant 0 : i32
      %dma_wait3A_98 = tpu.memref_slice %arg17[%add3A_60, %dma_wait3A] : memref<10240x128xf32, #tpu.memory_space<vmem_shared>> -> memref<32x128xf32, #tpu.memory_space<vmem_shared>>
      %dma_wait3A_99 = arith.constant 0 : i32
      %dma_wait3A_100 = tpu.memref_slice %arg17[%add3A_60, %dma_wait3A_99] : memref<10240x128xf32, #tpu.memory_space<vmem_shared>> -> memref<32x128xf32, #tpu.memory_space<vmem_shared>>
      tpu.wait_dma2 semaphore(%run_scoped3A : memref<!tpu.dma_semaphore, #tpu.memory_space<semaphore_mem>>) src(%arg16 : memref<32x128xf32, #tpu.memory_space<vmem>>) dst(%dma_wait3A_100 : memref<32x128xf32, #tpu.memory_space<vmem_shared>>)
      tpu.yield
    }) : () -> ()
    %mul3A_61 = arith.constant 640 : i32
    %mul3A_62 = arith.muli %arg1, %mul3A_61 : i32
    %add3A_63 = arith.constant 448 : i32
    %add3A_64 = arith.addi %mul3A_62, %add3A_63 : i32
    "tpu.region"() ({
      %run_scoped3A = tpu.sem_alloc : memref<!tpu.dma_semaphore, #tpu.memory_space<semaphore_mem>>
      %dma_start3A = arith.constant 0 : i32
      %dma_start3A_95 = tpu.memref_slice %arg17[%add3A_64, %dma_start3A] : memref<10240x128xf32, #tpu.memory_space<vmem_shared>> -> memref<32x128xf32, #tpu.memory_space<vmem_shared>>
      %dma_start3A_96 = arith.constant 0 : i32
      %dma_start3A_97 = tpu.memref_slice %arg17[%add3A_64, %dma_start3A_96] : memref<10240x128xf32, #tpu.memory_space<vmem_shared>> -> memref<32x128xf32, #tpu.memory_space<vmem_shared>>
      tpu.enqueue_dma source(%arg16 : memref<32x128xf32, #tpu.memory_space<vmem>>) target(%dma_start3A_97 : memref<32x128xf32, #tpu.memory_space<vmem_shared>>) target_semaphore(%run_scoped3A : memref<!tpu.dma_semaphore, #tpu.memory_space<semaphore_mem>>)
      %dma_wait3A = arith.constant 0 : i32
      %dma_wait3A_98 = tpu.memref_slice %arg17[%add3A_64, %dma_wait3A] : memref<10240x128xf32, #tpu.memory_space<vmem_shared>> -> memref<32x128xf32, #tpu.memory_space<vmem_shared>>
      %dma_wait3A_99 = arith.constant 0 : i32
      %dma_wait3A_100 = tpu.memref_slice %arg17[%add3A_64, %dma_wait3A_99] : memref<10240x128xf32, #tpu.memory_space<vmem_shared>> -> memref<32x128xf32, #tpu.memory_space<vmem_shared>>
      tpu.wait_dma2 semaphore(%run_scoped3A : memref<!tpu.dma_semaphore, #tpu.memory_space<semaphore_mem>>) src(%arg16 : memref<32x128xf32, #tpu.memory_space<vmem>>) dst(%dma_wait3A_100 : memref<32x128xf32, #tpu.memory_space<vmem_shared>>)
      tpu.yield
    }) : () -> ()
    %mul3A_65 = arith.constant 640 : i32
    %mul3A_66 = arith.muli %arg1, %mul3A_65 : i32
    %add3A_67 = arith.constant 480 : i32
    %add3A_68 = arith.addi %mul3A_66, %add3A_67 : i32
    "tpu.region"() ({
      %run_scoped3A = tpu.sem_alloc : memref<!tpu.dma_semaphore, #tpu.memory_space<semaphore_mem>>
      %dma_start3A = arith.constant 0 : i32
      %dma_start3A_95 = tpu.memref_slice %arg17[%add3A_68, %dma_start3A] : memref<10240x128xf32, #tpu.memory_space<vmem_shared>> -> memref<32x128xf32, #tpu.memory_space<vmem_shared>>
      %dma_start3A_96 = arith.constant 0 : i32
      %dma_start3A_97 = tpu.memref_slice %arg17[%add3A_68, %dma_start3A_96] : memref<10240x128xf32, #tpu.memory_space<vmem_shared>> -> memref<32x128xf32, #tpu.memory_space<vmem_shared>>
      tpu.enqueue_dma source(%arg16 : memref<32x128xf32, #tpu.memory_space<vmem>>) target(%dma_start3A_97 : memref<32x128xf32, #tpu.memory_space<vmem_shared>>) target_semaphore(%run_scoped3A : memref<!tpu.dma_semaphore, #tpu.memory_space<semaphore_mem>>)
      %dma_wait3A = arith.constant 0 : i32
      %dma_wait3A_98 = tpu.memref_slice %arg17[%add3A_68, %dma_wait3A] : memref<10240x128xf32, #tpu.memory_space<vmem_shared>> -> memref<32x128xf32, #tpu.memory_space<vmem_shared>>
      %dma_wait3A_99 = arith.constant 0 : i32
      %dma_wait3A_100 = tpu.memref_slice %arg17[%add3A_68, %dma_wait3A_99] : memref<10240x128xf32, #tpu.memory_space<vmem_shared>> -> memref<32x128xf32, #tpu.memory_space<vmem_shared>>
      tpu.wait_dma2 semaphore(%run_scoped3A : memref<!tpu.dma_semaphore, #tpu.memory_space<semaphore_mem>>) src(%arg16 : memref<32x128xf32, #tpu.memory_space<vmem>>) dst(%dma_wait3A_100 : memref<32x128xf32, #tpu.memory_space<vmem_shared>>)
      tpu.yield
    }) : () -> ()
    %mul3A_69 = arith.constant 640 : i32
    %mul3A_70 = arith.muli %arg1, %mul3A_69 : i32
    %add3A_71 = arith.constant 512 : i32
    %add3A_72 = arith.addi %mul3A_70, %add3A_71 : i32
    "tpu.region"() ({
      %run_scoped3A = tpu.sem_alloc : memref<!tpu.dma_semaphore, #tpu.memory_space<semaphore_mem>>
      %dma_start3A = arith.constant 0 : i32
      %dma_start3A_95 = tpu.memref_slice %arg17[%add3A_72, %dma_start3A] : memref<10240x128xf32, #tpu.memory_space<vmem_shared>> -> memref<32x128xf32, #tpu.memory_space<vmem_shared>>
      %dma_start3A_96 = arith.constant 0 : i32
      %dma_start3A_97 = tpu.memref_slice %arg17[%add3A_72, %dma_start3A_96] : memref<10240x128xf32, #tpu.memory_space<vmem_shared>> -> memref<32x128xf32, #tpu.memory_space<vmem_shared>>
      tpu.enqueue_dma source(%arg16 : memref<32x128xf32, #tpu.memory_space<vmem>>) target(%dma_start3A_97 : memref<32x128xf32, #tpu.memory_space<vmem_shared>>) target_semaphore(%run_scoped3A : memref<!tpu.dma_semaphore, #tpu.memory_space<semaphore_mem>>)
      %dma_wait3A = arith.constant 0 : i32
      %dma_wait3A_98 = tpu.memref_slice %arg17[%add3A_72, %dma_wait3A] : memref<10240x128xf32, #tpu.memory_space<vmem_shared>> -> memref<32x128xf32, #tpu.memory_space<vmem_shared>>
      %dma_wait3A_99 = arith.constant 0 : i32
      %dma_wait3A_100 = tpu.memref_slice %arg17[%add3A_72, %dma_wait3A_99] : memref<10240x128xf32, #tpu.memory_space<vmem_shared>> -> memref<32x128xf32, #tpu.memory_space<vmem_shared>>
      tpu.wait_dma2 semaphore(%run_scoped3A : memref<!tpu.dma_semaphore, #tpu.memory_space<semaphore_mem>>) src(%arg16 : memref<32x128xf32, #tpu.memory_space<vmem>>) dst(%dma_wait3A_100 : memref<32x128xf32, #tpu.memory_space<vmem_shared>>)
      tpu.yield
    }) : () -> ()
    %mul3A_73 = arith.constant 640 : i32
    %mul3A_74 = arith.muli %arg1, %mul3A_73 : i32
    %add3A_75 = arith.constant 544 : i32
    %add3A_76 = arith.addi %mul3A_74, %add3A_75 : i32
    "tpu.region"() ({
      %run_scoped3A = tpu.sem_alloc : memref<!tpu.dma_semaphore, #tpu.memory_space<semaphore_mem>>
      %dma_start3A = arith.constant 0 : i32
      %dma_start3A_95 = tpu.memref_slice %arg17[%add3A_76, %dma_start3A] : memref<10240x128xf32, #tpu.memory_space<vmem_shared>> -> memref<32x128xf32, #tpu.memory_space<vmem_shared>>
      %dma_start3A_96 = arith.constant 0 : i32
      %dma_start3A_97 = tpu.memref_slice %arg17[%add3A_76, %dma_start3A_96] : memref<10240x128xf32, #tpu.memory_space<vmem_shared>> -> memref<32x128xf32, #tpu.memory_space<vmem_shared>>
      tpu.enqueue_dma source(%arg16 : memref<32x128xf32, #tpu.memory_space<vmem>>) target(%dma_start3A_97 : memref<32x128xf32, #tpu.memory_space<vmem_shared>>) target_semaphore(%run_scoped3A : memref<!tpu.dma_semaphore, #tpu.memory_space<semaphore_mem>>)
      %dma_wait3A = arith.constant 0 : i32
      %dma_wait3A_98 = tpu.memref_slice %arg17[%add3A_76, %dma_wait3A] : memref<10240x128xf32, #tpu.memory_space<vmem_shared>> -> memref<32x128xf32, #tpu.memory_space<vmem_shared>>
      %dma_wait3A_99 = arith.constant 0 : i32
      %dma_wait3A_100 = tpu.memref_slice %arg17[%add3A_76, %dma_wait3A_99] : memref<10240x128xf32, #tpu.memory_space<vmem_shared>> -> memref<32x128xf32, #tpu.memory_space<vmem_shared>>
      tpu.wait_dma2 semaphore(%run_scoped3A : memref<!tpu.dma_semaphore, #tpu.memory_space<semaphore_mem>>) src(%arg16 : memref<32x128xf32, #tpu.memory_space<vmem>>) dst(%dma_wait3A_100 : memref<32x128xf32, #tpu.memory_space<vmem_shared>>)
      tpu.yield
    }) : () -> ()
    %mul3A_77 = arith.constant 640 : i32
    %mul3A_78 = arith.muli %arg1, %mul3A_77 : i32
    %add3A_79 = arith.constant 576 : i32
    %add3A_80 = arith.addi %mul3A_78, %add3A_79 : i32
    "tpu.region"() ({
      %run_scoped3A = tpu.sem_alloc : memref<!tpu.dma_semaphore, #tpu.memory_space<semaphore_mem>>
      %dma_start3A = arith.constant 0 : i32
      %dma_start3A_95 = tpu.memref_slice %arg17[%add3A_80, %dma_start3A] : memref<10240x128xf32, #tpu.memory_space<vmem_shared>> -> memref<32x128xf32, #tpu.memory_space<vmem_shared>>
      %dma_start3A_96 = arith.constant 0 : i32
      %dma_start3A_97 = tpu.memref_slice %arg17[%add3A_80, %dma_start3A_96] : memref<10240x128xf32, #tpu.memory_space<vmem_shared>> -> memref<32x128xf32, #tpu.memory_space<vmem_shared>>
      tpu.enqueue_dma source(%arg16 : memref<32x128xf32, #tpu.memory_space<vmem>>) target(%dma_start3A_97 : memref<32x128xf32, #tpu.memory_space<vmem_shared>>) target_semaphore(%run_scoped3A : memref<!tpu.dma_semaphore, #tpu.memory_space<semaphore_mem>>)
      %dma_wait3A = arith.constant 0 : i32
      %dma_wait3A_98 = tpu.memref_slice %arg17[%add3A_80, %dma_wait3A] : memref<10240x128xf32, #tpu.memory_space<vmem_shared>> -> memref<32x128xf32, #tpu.memory_space<vmem_shared>>
      %dma_wait3A_99 = arith.constant 0 : i32
      %dma_wait3A_100 = tpu.memref_slice %arg17[%add3A_80, %dma_wait3A_99] : memref<10240x128xf32, #tpu.memory_space<vmem_shared>> -> memref<32x128xf32, #tpu.memory_space<vmem_shared>>
      tpu.wait_dma2 semaphore(%run_scoped3A : memref<!tpu.dma_semaphore, #tpu.memory_space<semaphore_mem>>) src(%arg16 : memref<32x128xf32, #tpu.memory_space<vmem>>) dst(%dma_wait3A_100 : memref<32x128xf32, #tpu.memory_space<vmem_shared>>)
      tpu.yield
    }) : () -> ()
    %mul3A_81 = arith.constant 640 : i32
    %mul3A_82 = arith.muli %arg1, %mul3A_81 : i32
    %add3A_83 = arith.constant 608 : i32
    %add3A_84 = arith.addi %mul3A_82, %add3A_83 : i32
    "tpu.region"() ({
      %run_scoped3A = tpu.sem_alloc : memref<!tpu.dma_semaphore, #tpu.memory_space<semaphore_mem>>
      %dma_start3A = arith.constant 0 : i32
      %dma_start3A_95 = tpu.memref_slice %arg17[%add3A_84, %dma_start3A] : memref<10240x128xf32, #tpu.memory_space<vmem_shared>> -> memref<32x128xf32, #tpu.memory_space<vmem_shared>>
      %dma_start3A_96 = arith.constant 0 : i32
      %dma_start3A_97 = tpu.memref_slice %arg17[%add3A_84, %dma_start3A_96] : memref<10240x128xf32, #tpu.memory_space<vmem_shared>> -> memref<32x128xf32, #tpu.memory_space<vmem_shared>>
      tpu.enqueue_dma source(%arg16 : memref<32x128xf32, #tpu.memory_space<vmem>>) target(%dma_start3A_97 : memref<32x128xf32, #tpu.memory_space<vmem_shared>>) target_semaphore(%run_scoped3A : memref<!tpu.dma_semaphore, #tpu.memory_space<semaphore_mem>>)
      %dma_wait3A = arith.constant 0 : i32
      %dma_wait3A_98 = tpu.memref_slice %arg17[%add3A_84, %dma_wait3A] : memref<10240x128xf32, #tpu.memory_space<vmem_shared>> -> memref<32x128xf32, #tpu.memory_space<vmem_shared>>
      %dma_wait3A_99 = arith.constant 0 : i32
      %dma_wait3A_100 = tpu.memref_slice %arg17[%add3A_84, %dma_wait3A_99] : memref<10240x128xf32, #tpu.memory_space<vmem_shared>> -> memref<32x128xf32, #tpu.memory_space<vmem_shared>>
      tpu.wait_dma2 semaphore(%run_scoped3A : memref<!tpu.dma_semaphore, #tpu.memory_space<semaphore_mem>>) src(%arg16 : memref<32x128xf32, #tpu.memory_space<vmem>>) dst(%dma_wait3A_100 : memref<32x128xf32, #tpu.memory_space<vmem_shared>>)
      tpu.yield
    }) : () -> ()
    %barrier3A = arith.constant 0 : index
    tpu.barrier barrier_id(%barrier3A)
    %scan3A_85 = arith.constant 0 : i32
    %scan3A_86 = arith.constant 16 : i32
    %scan3A_87 = arith.addi %scan3A_85, %scan3A_86 : i32
    %scan3A_88 = arith.constant 1 : i32
    scf.for %scan3A_95 = %scan3A_85 to %scan3A_87 step %scan3A_88  : i32 {
      %mul3A_96 = arith.constant 1 : i32
      %mul3A_97 = arith.muli %scan3A_95, %mul3A_96 : i32
      %add3A_98 = arith.constant 0 : i32
      %add3A_99 = arith.addi %add3A_98, %mul3A_97 : i32
      "tpu.region"() ({
        %run_scoped3A_214 = tpu.sem_alloc : memref<!tpu.dma_semaphore, #tpu.memory_space<semaphore_mem>>
        %dma_start3A_215 = arith.constant 0 : i32
        %dma_start3A_216 = arith.constant 0 : i32
        %dma_start3A_217 = tpu.memref_slice %arg3[%add3A, %add3A_99, %dma_start3A_215, %dma_start3A_216] : memref<32x16x40x32xi32, #tpu.memory_space<hbm>> -> memref<1x1x40x32xi32, #tpu.memory_space<hbm>>
        %dma_start3A_218 = tpu.memref_squeeze %dma_start3A_217 : memref<1x1x40x32xi32, #tpu.memory_space<hbm>> -> memref<40x32xi32, #tpu.memory_space<hbm>>
        %dma_start3A_219 = arith.constant 0 : i32
        %dma_start3A_220 = arith.constant 0 : i32
        %dma_start3A_221 = tpu.memref_slice %arg3[%add3A, %add3A_99, %dma_start3A_219, %dma_start3A_220] : memref<32x16x40x32xi32, #tpu.memory_space<hbm>> -> memref<1x1x40x32xi32, #tpu.memory_space<hbm>>
        %dma_start3A_222 = tpu.memref_squeeze %dma_start3A_221 : memref<1x1x40x32xi32, #tpu.memory_space<hbm>> -> memref<40x32xi32, #tpu.memory_space<hbm>>
        tpu.enqueue_dma source(%dma_start3A_222 : memref<40x32xi32, #tpu.memory_space<hbm>>) target(%arg6 : memref<40x32xi32, #tpu.memory_space<vmem>>) target_semaphore(%run_scoped3A_214 : memref<!tpu.dma_semaphore, #tpu.memory_space<semaphore_mem>>)
        %dma_wait3A_223 = arith.constant 0 : i32
        %dma_wait3A_224 = arith.constant 0 : i32
        %dma_wait3A_225 = tpu.memref_slice %arg3[%add3A, %add3A_99, %dma_wait3A_223, %dma_wait3A_224] : memref<32x16x40x32xi32, #tpu.memory_space<hbm>> -> memref<1x1x40x32xi32, #tpu.memory_space<hbm>>
        %dma_wait3A_226 = tpu.memref_squeeze %dma_wait3A_225 : memref<1x1x40x32xi32, #tpu.memory_space<hbm>> -> memref<40x32xi32, #tpu.memory_space<hbm>>
        %dma_wait3A_227 = arith.constant 0 : i32
        %dma_wait3A_228 = arith.constant 0 : i32
        %dma_wait3A_229 = tpu.memref_slice %arg3[%add3A, %add3A_99, %dma_wait3A_227, %dma_wait3A_228] : memref<32x16x40x32xi32, #tpu.memory_space<hbm>> -> memref<1x1x40x32xi32, #tpu.memory_space<hbm>>
        %dma_wait3A_230 = tpu.memref_squeeze %dma_wait3A_229 : memref<1x1x40x32xi32, #tpu.memory_space<hbm>> -> memref<40x32xi32, #tpu.memory_space<hbm>>
        tpu.wait_dma2 semaphore(%run_scoped3A_214 : memref<!tpu.dma_semaphore, #tpu.memory_space<semaphore_mem>>) src(%dma_wait3A_230 : memref<40x32xi32, #tpu.memory_space<hbm>>) dst(%arg6 : memref<40x32xi32, #tpu.memory_space<vmem>>)
        tpu.yield
      }) : () -> ()
      "tpu.region"() ({
        %run_scoped3A_214 = tpu.sem_alloc : memref<!tpu.dma_semaphore, #tpu.memory_space<semaphore_mem>>
        %dma_start3A_215 = arith.constant 0 : i32
        %dma_start3A_216 = arith.constant 0 : i32
        %dma_start3A_217 = tpu.memref_slice %arg4[%add3A, %add3A_99, %dma_start3A_215, %dma_start3A_216] : memref<32x16x40x32xi32, #tpu.memory_space<hbm>> -> memref<1x1x40x32xi32, #tpu.memory_space<hbm>>
        %dma_start3A_218 = tpu.memref_squeeze %dma_start3A_217 : memref<1x1x40x32xi32, #tpu.memory_space<hbm>> -> memref<40x32xi32, #tpu.memory_space<hbm>>
        %dma_start3A_219 = arith.constant 0 : i32
        %dma_start3A_220 = arith.constant 0 : i32
        %dma_start3A_221 = tpu.memref_slice %arg4[%add3A, %add3A_99, %dma_start3A_219, %dma_start3A_220] : memref<32x16x40x32xi32, #tpu.memory_space<hbm>> -> memref<1x1x40x32xi32, #tpu.memory_space<hbm>>
        %dma_start3A_222 = tpu.memref_squeeze %dma_start3A_221 : memref<1x1x40x32xi32, #tpu.memory_space<hbm>> -> memref<40x32xi32, #tpu.memory_space<hbm>>
        tpu.enqueue_dma source(%dma_start3A_222 : memref<40x32xi32, #tpu.memory_space<hbm>>) target(%arg7 : memref<40x32xi32, #tpu.memory_space<vmem>>) target_semaphore(%run_scoped3A_214 : memref<!tpu.dma_semaphore, #tpu.memory_space<semaphore_mem>>)
        %dma_wait3A_223 = arith.constant 0 : i32
        %dma_wait3A_224 = arith.constant 0 : i32
        %dma_wait3A_225 = tpu.memref_slice %arg4[%add3A, %add3A_99, %dma_wait3A_223, %dma_wait3A_224] : memref<32x16x40x32xi32, #tpu.memory_space<hbm>> -> memref<1x1x40x32xi32, #tpu.memory_space<hbm>>
        %dma_wait3A_226 = tpu.memref_squeeze %dma_wait3A_225 : memref<1x1x40x32xi32, #tpu.memory_space<hbm>> -> memref<40x32xi32, #tpu.memory_space<hbm>>
        %dma_wait3A_227 = arith.constant 0 : i32
        %dma_wait3A_228 = arith.constant 0 : i32
        %dma_wait3A_229 = tpu.memref_slice %arg4[%add3A, %add3A_99, %dma_wait3A_227, %dma_wait3A_228] : memref<32x16x40x32xi32, #tpu.memory_space<hbm>> -> memref<1x1x40x32xi32, #tpu.memory_space<hbm>>
        %dma_wait3A_230 = tpu.memref_squeeze %dma_wait3A_229 : memref<1x1x40x32xi32, #tpu.memory_space<hbm>> -> memref<40x32xi32, #tpu.memory_space<hbm>>
        tpu.wait_dma2 semaphore(%run_scoped3A_214 : memref<!tpu.dma_semaphore, #tpu.memory_space<semaphore_mem>>) src(%dma_wait3A_230 : memref<40x32xi32, #tpu.memory_space<hbm>>) dst(%arg7 : memref<40x32xi32, #tpu.memory_space<vmem>>)
        tpu.yield
      }) : () -> ()
      %dma_start3A = arith.constant 0 : i32
      %dma_start3A_100 = arith.constant 0 : i32
      %dma_start3A_101 = tpu.memref_slice %arg6[%dma_start3A, %dma_start3A_100] : memref<40x32xi32, #tpu.memory_space<vmem>> -> memref<1x32xi32, #tpu.memory_space<vmem>>
      %dma_start3A_102 = tpu.memref_squeeze %dma_start3A_101 : memref<1x32xi32, #tpu.memory_space<vmem>> -> memref<32xi32, #tpu.memory_space<vmem>>
      %dma_start3A_103 = arith.constant 0 : i32
      %dma_start3A_104 = arith.constant 0 : i32
      %dma_start3A_105 = tpu.memref_slice %arg2[%dma_start3A_103, %dma_start3A_104] : memref<10000x128xf32, #tpu.memory_space<hbm>> -> memref<10000x128xf32, #tpu.memory_space<hbm>>
      tpu.enqueue_indirect_dma source(%dma_start3A_105 : memref<10000x128xf32, #tpu.memory_space<hbm>>) target(%arg8 : memref<32x128xf32, #tpu.memory_space<vmem>>) offsets(%dma_start3A_102 : memref<32xi32, #tpu.memory_space<vmem>>) semaphore(%arg18 : memref<!tpu.dma_semaphore, #tpu.memory_space<semaphore_mem>>)
      %dma_start3A_106 = arith.constant 1 : i32
      %dma_start3A_107 = arith.constant 0 : i32
      %dma_start3A_108 = tpu.memref_slice %arg6[%dma_start3A_106, %dma_start3A_107] : memref<40x32xi32, #tpu.memory_space<vmem>> -> memref<1x32xi32, #tpu.memory_space<vmem>>
      %dma_start3A_109 = tpu.memref_squeeze %dma_start3A_108 : memref<1x32xi32, #tpu.memory_space<vmem>> -> memref<32xi32, #tpu.memory_space<vmem>>
      %dma_start3A_110 = arith.constant 0 : i32
      %dma_start3A_111 = arith.constant 0 : i32
      %dma_start3A_112 = tpu.memref_slice %arg2[%dma_start3A_110, %dma_start3A_111] : memref<10000x128xf32, #tpu.memory_space<hbm>> -> memref<10000x128xf32, #tpu.memory_space<hbm>>
      tpu.enqueue_indirect_dma source(%dma_start3A_112 : memref<10000x128xf32, #tpu.memory_space<hbm>>) target(%arg9 : memref<32x128xf32, #tpu.memory_space<vmem>>) offsets(%dma_start3A_109 : memref<32xi32, #tpu.memory_space<vmem>>) semaphore(%arg19 : memref<!tpu.dma_semaphore, #tpu.memory_space<semaphore_mem>>)
      %dma_start3A_113 = arith.constant 2 : i32
      %dma_start3A_114 = arith.constant 0 : i32
      %dma_start3A_115 = tpu.memref_slice %arg6[%dma_start3A_113, %dma_start3A_114] : memref<40x32xi32, #tpu.memory_space<vmem>> -> memref<1x32xi32, #tpu.memory_space<vmem>>
      %dma_start3A_116 = tpu.memref_squeeze %dma_start3A_115 : memref<1x32xi32, #tpu.memory_space<vmem>> -> memref<32xi32, #tpu.memory_space<vmem>>
      %dma_start3A_117 = arith.constant 0 : i32
      %dma_start3A_118 = arith.constant 0 : i32
      %dma_start3A_119 = tpu.memref_slice %arg2[%dma_start3A_117, %dma_start3A_118] : memref<10000x128xf32, #tpu.memory_space<hbm>> -> memref<10000x128xf32, #tpu.memory_space<hbm>>
      tpu.enqueue_indirect_dma source(%dma_start3A_119 : memref<10000x128xf32, #tpu.memory_space<hbm>>) target(%arg10 : memref<32x128xf32, #tpu.memory_space<vmem>>) offsets(%dma_start3A_116 : memref<32xi32, #tpu.memory_space<vmem>>) semaphore(%arg20 : memref<!tpu.dma_semaphore, #tpu.memory_space<semaphore_mem>>)
      %dma_start3A_120 = arith.constant 3 : i32
      %dma_start3A_121 = arith.constant 0 : i32
      %dma_start3A_122 = tpu.memref_slice %arg6[%dma_start3A_120, %dma_start3A_121] : memref<40x32xi32, #tpu.memory_space<vmem>> -> memref<1x32xi32, #tpu.memory_space<vmem>>
      %dma_start3A_123 = tpu.memref_squeeze %dma_start3A_122 : memref<1x32xi32, #tpu.memory_space<vmem>> -> memref<32xi32, #tpu.memory_space<vmem>>
      %dma_start3A_124 = arith.constant 0 : i32
      %dma_start3A_125 = arith.constant 0 : i32
      %dma_start3A_126 = tpu.memref_slice %arg2[%dma_start3A_124, %dma_start3A_125] : memref<10000x128xf32, #tpu.memory_space<hbm>> -> memref<10000x128xf32, #tpu.memory_space<hbm>>
      tpu.enqueue_indirect_dma source(%dma_start3A_126 : memref<10000x128xf32, #tpu.memory_space<hbm>>) target(%arg11 : memref<32x128xf32, #tpu.memory_space<vmem>>) offsets(%dma_start3A_123 : memref<32xi32, #tpu.memory_space<vmem>>) semaphore(%arg21 : memref<!tpu.dma_semaphore, #tpu.memory_space<semaphore_mem>>)
      %dma_start3A_127 = arith.constant 4 : i32
      %dma_start3A_128 = arith.constant 0 : i32
      %dma_start3A_129 = tpu.memref_slice %arg6[%dma_start3A_127, %dma_start3A_128] : memref<40x32xi32, #tpu.memory_space<vmem>> -> memref<1x32xi32, #tpu.memory_space<vmem>>
      %dma_start3A_130 = tpu.memref_squeeze %dma_start3A_129 : memref<1x32xi32, #tpu.memory_space<vmem>> -> memref<32xi32, #tpu.memory_space<vmem>>
      %dma_start3A_131 = arith.constant 0 : i32
      %dma_start3A_132 = arith.constant 0 : i32
      %dma_start3A_133 = tpu.memref_slice %arg2[%dma_start3A_131, %dma_start3A_132] : memref<10000x128xf32, #tpu.memory_space<hbm>> -> memref<10000x128xf32, #tpu.memory_space<hbm>>
      tpu.enqueue_indirect_dma source(%dma_start3A_133 : memref<10000x128xf32, #tpu.memory_space<hbm>>) target(%arg12 : memref<32x128xf32, #tpu.memory_space<vmem>>) offsets(%dma_start3A_130 : memref<32xi32, #tpu.memory_space<vmem>>) semaphore(%arg22 : memref<!tpu.dma_semaphore, #tpu.memory_space<semaphore_mem>>)
      %dma_start3A_134 = arith.constant 5 : i32
      %dma_start3A_135 = arith.constant 0 : i32
      %dma_start3A_136 = tpu.memref_slice %arg6[%dma_start3A_134, %dma_start3A_135] : memref<40x32xi32, #tpu.memory_space<vmem>> -> memref<1x32xi32, #tpu.memory_space<vmem>>
      %dma_start3A_137 = tpu.memref_squeeze %dma_start3A_136 : memref<1x32xi32, #tpu.memory_space<vmem>> -> memref<32xi32, #tpu.memory_space<vmem>>
      %dma_start3A_138 = arith.constant 0 : i32
      %dma_start3A_139 = arith.constant 0 : i32
      %dma_start3A_140 = tpu.memref_slice %arg2[%dma_start3A_138, %dma_start3A_139] : memref<10000x128xf32, #tpu.memory_space<hbm>> -> memref<10000x128xf32, #tpu.memory_space<hbm>>
      tpu.enqueue_indirect_dma source(%dma_start3A_140 : memref<10000x128xf32, #tpu.memory_space<hbm>>) target(%arg13 : memref<32x128xf32, #tpu.memory_space<vmem>>) offsets(%dma_start3A_137 : memref<32xi32, #tpu.memory_space<vmem>>) semaphore(%arg23 : memref<!tpu.dma_semaphore, #tpu.memory_space<semaphore_mem>>)
      %dma_start3A_141 = arith.constant 6 : i32
      %dma_start3A_142 = arith.constant 0 : i32
      %dma_start3A_143 = tpu.memref_slice %arg6[%dma_start3A_141, %dma_start3A_142] : memref<40x32xi32, #tpu.memory_space<vmem>> -> memref<1x32xi32, #tpu.memory_space<vmem>>
      %dma_start3A_144 = tpu.memref_squeeze %dma_start3A_143 : memref<1x32xi32, #tpu.memory_space<vmem>> -> memref<32xi32, #tpu.memory_space<vmem>>
      %dma_start3A_145 = arith.constant 0 : i32
      %dma_start3A_146 = arith.constant 0 : i32
      %dma_start3A_147 = tpu.memref_slice %arg2[%dma_start3A_145, %dma_start3A_146] : memref<10000x128xf32, #tpu.memory_space<hbm>> -> memref<10000x128xf32, #tpu.memory_space<hbm>>
      tpu.enqueue_indirect_dma source(%dma_start3A_147 : memref<10000x128xf32, #tpu.memory_space<hbm>>) target(%arg14 : memref<32x128xf32, #tpu.memory_space<vmem>>) offsets(%dma_start3A_144 : memref<32xi32, #tpu.memory_space<vmem>>) semaphore(%arg24 : memref<!tpu.dma_semaphore, #tpu.memory_space<semaphore_mem>>)
      %dma_start3A_148 = arith.constant 7 : i32
      %dma_start3A_149 = arith.constant 0 : i32
      %dma_start3A_150 = tpu.memref_slice %arg6[%dma_start3A_148, %dma_start3A_149] : memref<40x32xi32, #tpu.memory_space<vmem>> -> memref<1x32xi32, #tpu.memory_space<vmem>>
      %dma_start3A_151 = tpu.memref_squeeze %dma_start3A_150 : memref<1x32xi32, #tpu.memory_space<vmem>> -> memref<32xi32, #tpu.memory_space<vmem>>
      %dma_start3A_152 = arith.constant 0 : i32
      %dma_start3A_153 = arith.constant 0 : i32
      %dma_start3A_154 = tpu.memref_slice %arg2[%dma_start3A_152, %dma_start3A_153] : memref<10000x128xf32, #tpu.memory_space<hbm>> -> memref<10000x128xf32, #tpu.memory_space<hbm>>
      tpu.enqueue_indirect_dma source(%dma_start3A_154 : memref<10000x128xf32, #tpu.memory_space<hbm>>) target(%arg15 : memref<32x128xf32, #tpu.memory_space<vmem>>) offsets(%dma_start3A_151 : memref<32xi32, #tpu.memory_space<vmem>>) semaphore(%arg25 : memref<!tpu.dma_semaphore, #tpu.memory_space<semaphore_mem>>)
      %scan3A_155 = arith.constant 0 : i32
      %scan3A_156 = arith.constant 4 : i32
      %scan3A_157 = arith.addi %scan3A_155, %scan3A_156 : i32
      %scan3A_158 = arith.constant 1 : i32
      scf.for %scan3A_214 = %scan3A_155 to %scan3A_157 step %scan3A_158  : i32 {
        %mul3A_215 = arith.constant 1 : i32
        %mul3A_216 = arith.muli %scan3A_214, %mul3A_215 : i32
        %add3A_217 = arith.constant 0 : i32
        %add3A_218 = arith.addi %add3A_217, %mul3A_216 : i32
        %mul3A_219 = arith.constant 8 : i32
        %mul3A_220 = arith.muli %mul3A_219, %add3A_218 : i32
        %dma_wait3A_221 = arith.constant 0 : i32
        %dma_wait3A_222 = arith.constant 0 : i32
        %dma_wait3A_223 = tpu.memref_slice %arg2[%dma_wait3A_221, %dma_wait3A_222] : memref<10000x128xf32, #tpu.memory_space<hbm>> -> memref<32x128xf32, #tpu.memory_space<hbm>>
        %dma_wait3A_224 = arith.constant 0 : i32
        %dma_wait3A_225 = arith.constant 0 : i32
        %dma_wait3A_226 = tpu.memref_slice %arg2[%dma_wait3A_224, %dma_wait3A_225] : memref<10000x128xf32, #tpu.memory_space<hbm>> -> memref<32x128xf32, #tpu.memory_space<hbm>>
        tpu.wait_dma2 semaphore(%arg18 : memref<!tpu.dma_semaphore, #tpu.memory_space<semaphore_mem>>) src(%dma_wait3A_226 : memref<32x128xf32, #tpu.memory_space<hbm>>) dst(%arg8 : memref<32x128xf32, #tpu.memory_space<vmem>>)
        %add3A_227 = arith.constant 0 : i32
        %add3A_228 = arith.addi %mul3A_220, %add3A_227 : i32
        "tpu.region"() ({
          %run_scoped3A_365 = tpu.sem_alloc : memref<!tpu.dma_semaphore, #tpu.memory_space<semaphore_mem>>
          %dma_start3A_366 = arith.constant 0 : i32
          %dma_start3A_367 = tpu.memref_slice %arg7[%add3A_228, %dma_start3A_366] : memref<40x32xi32, #tpu.memory_space<vmem>> -> memref<1x32xi32, #tpu.memory_space<vmem>>
          %dma_start3A_368 = tpu.memref_squeeze %dma_start3A_367 : memref<1x32xi32, #tpu.memory_space<vmem>> -> memref<32xi32, #tpu.memory_space<vmem>>
          %dma_start3A_369 = arith.constant 0 : i32
          %dma_start3A_370 = arith.constant 0 : i32
          %dma_start3A_371 = tpu.memref_slice %arg17[%dma_start3A_369, %dma_start3A_370] : memref<10240x128xf32, #tpu.memory_space<vmem_shared>> -> memref<10240x128xf32, #tpu.memory_space<vmem_shared>>
          tpu.enqueue_indirect_dma source(%arg8 : memref<32x128xf32, #tpu.memory_space<vmem>>) target(%dma_start3A_371 : memref<10240x128xf32, #tpu.memory_space<vmem_shared>>) offsets(%dma_start3A_368 : memref<32xi32, #tpu.memory_space<vmem>>) semaphore(%run_scoped3A_365 : memref<!tpu.dma_semaphore, #tpu.memory_space<semaphore_mem>>) {add = true}
          %dma_wait3A_372 = arith.constant 0 : i32
          %dma_wait3A_373 = tpu.memref_slice %arg7[%add3A_228, %dma_wait3A_372] : memref<40x32xi32, #tpu.memory_space<vmem>> -> memref<1x32xi32, #tpu.memory_space<vmem>>
          %dma_wait3A_374 = tpu.memref_squeeze %dma_wait3A_373 : memref<1x32xi32, #tpu.memory_space<vmem>> -> memref<32xi32, #tpu.memory_space<vmem>>
          %dma_wait3A_375 = arith.constant 0 : i32
          %dma_wait3A_376 = arith.constant 0 : i32
          %dma_wait3A_377 = tpu.memref_slice %arg17[%dma_wait3A_375, %dma_wait3A_376] : memref<10240x128xf32, #tpu.memory_space<vmem_shared>> -> memref<10240x128xf32, #tpu.memory_space<vmem_shared>>
          tpu.wait_indirect_dma semaphore(%run_scoped3A_365 : memref<!tpu.dma_semaphore, #tpu.memory_space<semaphore_mem>>) src(%arg8 : memref<32x128xf32, #tpu.memory_space<vmem>>) dst(%dma_wait3A_377 : memref<10240x128xf32, #tpu.memory_space<vmem_shared>>)
          tpu.yield
        }) : () -> ()
        %add3A_229 = arith.constant 0 : i32
        %add3A_230 = arith.addi %mul3A_220, %add3A_229 : i32
        %add3A_231 = arith.constant 8 : i32
        %add3A_232 = arith.addi %add3A_230, %add3A_231 : i32
        %dma_start3A_233 = arith.constant 0 : i32
        %dma_start3A_234 = tpu.memref_slice %arg6[%add3A_232, %dma_start3A_233] : memref<40x32xi32, #tpu.memory_space<vmem>> -> memref<1x32xi32, #tpu.memory_space<vmem>>
        %dma_start3A_235 = tpu.memref_squeeze %dma_start3A_234 : memref<1x32xi32, #tpu.memory_space<vmem>> -> memref<32xi32, #tpu.memory_space<vmem>>
        %dma_start3A_236 = arith.constant 0 : i32
        %dma_start3A_237 = arith.constant 0 : i32
        %dma_start3A_238 = tpu.memref_slice %arg2[%dma_start3A_236, %dma_start3A_237] : memref<10000x128xf32, #tpu.memory_space<hbm>> -> memref<10000x128xf32, #tpu.memory_space<hbm>>
        tpu.enqueue_indirect_dma source(%dma_start3A_238 : memref<10000x128xf32, #tpu.memory_space<hbm>>) target(%arg8 : memref<32x128xf32, #tpu.memory_space<vmem>>) offsets(%dma_start3A_235 : memref<32xi32, #tpu.memory_space<vmem>>) semaphore(%arg18 : memref<!tpu.dma_semaphore, #tpu.memory_space<semaphore_mem>>)
        %dma_wait3A_239 = arith.constant 0 : i32
        %dma_wait3A_240 = arith.constant 0 : i32
        %dma_wait3A_241 = tpu.memref_slice %arg2[%dma_wait3A_239, %dma_wait3A_240] : memref<10000x128xf32, #tpu.memory_space<hbm>> -> memref<32x128xf32, #tpu.memory_space<hbm>>
        %dma_wait3A_242 = arith.constant 0 : i32
        %dma_wait3A_243 = arith.constant 0 : i32
        %dma_wait3A_244 = tpu.memref_slice %arg2[%dma_wait3A_242, %dma_wait3A_243] : memref<10000x128xf32, #tpu.memory_space<hbm>> -> memref<32x128xf32, #tpu.memory_space<hbm>>
        tpu.wait_dma2 semaphore(%arg19 : memref<!tpu.dma_semaphore, #tpu.memory_space<semaphore_mem>>) src(%dma_wait3A_244 : memref<32x128xf32, #tpu.memory_space<hbm>>) dst(%arg9 : memref<32x128xf32, #tpu.memory_space<vmem>>)
        %add3A_245 = arith.constant 1 : i32
        %add3A_246 = arith.addi %mul3A_220, %add3A_245 : i32
        "tpu.region"() ({
          %run_scoped3A_365 = tpu.sem_alloc : memref<!tpu.dma_semaphore, #tpu.memory_space<semaphore_mem>>
          %dma_start3A_366 = arith.constant 0 : i32
          %dma_start3A_367 = tpu.memref_slice %arg7[%add3A_246, %dma_start3A_366] : memref<40x32xi32, #tpu.memory_space<vmem>> -> memref<1x32xi32, #tpu.memory_space<vmem>>
          %dma_start3A_368 = tpu.memref_squeeze %dma_start3A_367 : memref<1x32xi32, #tpu.memory_space<vmem>> -> memref<32xi32, #tpu.memory_space<vmem>>
          %dma_start3A_369 = arith.constant 0 : i32
          %dma_start3A_370 = arith.constant 0 : i32
          %dma_start3A_371 = tpu.memref_slice %arg17[%dma_start3A_369, %dma_start3A_370] : memref<10240x128xf32, #tpu.memory_space<vmem_shared>> -> memref<10240x128xf32, #tpu.memory_space<vmem_shared>>
          tpu.enqueue_indirect_dma source(%arg9 : memref<32x128xf32, #tpu.memory_space<vmem>>) target(%dma_start3A_371 : memref<10240x128xf32, #tpu.memory_space<vmem_shared>>) offsets(%dma_start3A_368 : memref<32xi32, #tpu.memory_space<vmem>>) semaphore(%run_scoped3A_365 : memref<!tpu.dma_semaphore, #tpu.memory_space<semaphore_mem>>) {add = true}
          %dma_wait3A_372 = arith.constant 0 : i32
          %dma_wait3A_373 = tpu.memref_slice %arg7[%add3A_246, %dma_wait3A_372] : memref<40x32xi32, #tpu.memory_space<vmem>> -> memref<1x32xi32, #tpu.memory_space<vmem>>
          %dma_wait3A_374 = tpu.memref_squeeze %dma_wait3A_373 : memref<1x32xi32, #tpu.memory_space<vmem>> -> memref<32xi32, #tpu.memory_space<vmem>>
          %dma_wait3A_375 = arith.constant 0 : i32
          %dma_wait3A_376 = arith.constant 0 : i32
          %dma_wait3A_377 = tpu.memref_slice %arg17[%dma_wait3A_375, %dma_wait3A_376] : memref<10240x128xf32, #tpu.memory_space<vmem_shared>> -> memref<10240x128xf32, #tpu.memory_space<vmem_shared>>
          tpu.wait_indirect_dma semaphore(%run_scoped3A_365 : memref<!tpu.dma_semaphore, #tpu.memory_space<semaphore_mem>>) src(%arg9 : memref<32x128xf32, #tpu.memory_space<vmem>>) dst(%dma_wait3A_377 : memref<10240x128xf32, #tpu.memory_space<vmem_shared>>)
          tpu.yield
        }) : () -> ()
        %add3A_247 = arith.constant 1 : i32
        %add3A_248 = arith.addi %mul3A_220, %add3A_247 : i32
        %add3A_249 = arith.constant 8 : i32
        %add3A_250 = arith.addi %add3A_248, %add3A_249 : i32
        %dma_start3A_251 = arith.constant 0 : i32
        %dma_start3A_252 = tpu.memref_slice %arg6[%add3A_250, %dma_start3A_251] : memref<40x32xi32, #tpu.memory_space<vmem>> -> memref<1x32xi32, #tpu.memory_space<vmem>>
        %dma_start3A_253 = tpu.memref_squeeze %dma_start3A_252 : memref<1x32xi32, #tpu.memory_space<vmem>> -> memref<32xi32, #tpu.memory_space<vmem>>
        %dma_start3A_254 = arith.constant 0 : i32
        %dma_start3A_255 = arith.constant 0 : i32
        %dma_start3A_256 = tpu.memref_slice %arg2[%dma_start3A_254, %dma_start3A_255] : memref<10000x128xf32, #tpu.memory_space<hbm>> -> memref<10000x128xf32, #tpu.memory_space<hbm>>
        tpu.enqueue_indirect_dma source(%dma_start3A_256 : memref<10000x128xf32, #tpu.memory_space<hbm>>) target(%arg9 : memref<32x128xf32, #tpu.memory_space<vmem>>) offsets(%dma_start3A_253 : memref<32xi32, #tpu.memory_space<vmem>>) semaphore(%arg19 : memref<!tpu.dma_semaphore, #tpu.memory_space<semaphore_mem>>)
        %dma_wait3A_257 = arith.constant 0 : i32
        %dma_wait3A_258 = arith.constant 0 : i32
        %dma_wait3A_259 = tpu.memref_slice %arg2[%dma_wait3A_257, %dma_wait3A_258] : memref<10000x128xf32, #tpu.memory_space<hbm>> -> memref<32x128xf32, #tpu.memory_space<hbm>>
        %dma_wait3A_260 = arith.constant 0 : i32
        %dma_wait3A_261 = arith.constant 0 : i32
        %dma_wait3A_262 = tpu.memref_slice %arg2[%dma_wait3A_260, %dma_wait3A_261] : memref<10000x128xf32, #tpu.memory_space<hbm>> -> memref<32x128xf32, #tpu.memory_space<hbm>>
        tpu.wait_dma2 semaphore(%arg20 : memref<!tpu.dma_semaphore, #tpu.memory_space<semaphore_mem>>) src(%dma_wait3A_262 : memref<32x128xf32, #tpu.memory_space<hbm>>) dst(%arg10 : memref<32x128xf32, #tpu.memory_space<vmem>>)
        %add3A_263 = arith.constant 2 : i32
        %add3A_264 = arith.addi %mul3A_220, %add3A_263 : i32
        "tpu.region"() ({
          %run_scoped3A_365 = tpu.sem_alloc : memref<!tpu.dma_semaphore, #tpu.memory_space<semaphore_mem>>
          %dma_start3A_366 = arith.constant 0 : i32
          %dma_start3A_367 = tpu.memref_slice %arg7[%add3A_264, %dma_start3A_366] : memref<40x32xi32, #tpu.memory_space<vmem>> -> memref<1x32xi32, #tpu.memory_space<vmem>>
          %dma_start3A_368 = tpu.memref_squeeze %dma_start3A_367 : memref<1x32xi32, #tpu.memory_space<vmem>> -> memref<32xi32, #tpu.memory_space<vmem>>
          %dma_start3A_369 = arith.constant 0 : i32
          %dma_start3A_370 = arith.constant 0 : i32
          %dma_start3A_371 = tpu.memref_slice %arg17[%dma_start3A_369, %dma_start3A_370] : memref<10240x128xf32, #tpu.memory_space<vmem_shared>> -> memref<10240x128xf32, #tpu.memory_space<vmem_shared>>
          tpu.enqueue_indirect_dma source(%arg10 : memref<32x128xf32, #tpu.memory_space<vmem>>) target(%dma_start3A_371 : memref<10240x128xf32, #tpu.memory_space<vmem_shared>>) offsets(%dma_start3A_368 : memref<32xi32, #tpu.memory_space<vmem>>) semaphore(%run_scoped3A_365 : memref<!tpu.dma_semaphore, #tpu.memory_space<semaphore_mem>>) {add = true}
          %dma_wait3A_372 = arith.constant 0 : i32
          %dma_wait3A_373 = tpu.memref_slice %arg7[%add3A_264, %dma_wait3A_372] : memref<40x32xi32, #tpu.memory_space<vmem>> -> memref<1x32xi32, #tpu.memory_space<vmem>>
          %dma_wait3A_374 = tpu.memref_squeeze %dma_wait3A_373 : memref<1x32xi32, #tpu.memory_space<vmem>> -> memref<32xi32, #tpu.memory_space<vmem>>
          %dma_wait3A_375 = arith.constant 0 : i32
          %dma_wait3A_376 = arith.constant 0 : i32
          %dma_wait3A_377 = tpu.memref_slice %arg17[%dma_wait3A_375, %dma_wait3A_376] : memref<10240x128xf32, #tpu.memory_space<vmem_shared>> -> memref<10240x128xf32, #tpu.memory_space<vmem_shared>>
          tpu.wait_indirect_dma semaphore(%run_scoped3A_365 : memref<!tpu.dma_semaphore, #tpu.memory_space<semaphore_mem>>) src(%arg10 : memref<32x128xf32, #tpu.memory_space<vmem>>) dst(%dma_wait3A_377 : memref<10240x128xf32, #tpu.memory_space<vmem_shared>>)
          tpu.yield
        }) : () -> ()
        %add3A_265 = arith.constant 2 : i32
        %add3A_266 = arith.addi %mul3A_220, %add3A_265 : i32
        %add3A_267 = arith.constant 8 : i32
        %add3A_268 = arith.addi %add3A_266, %add3A_267 : i32
        %dma_start3A_269 = arith.constant 0 : i32
        %dma_start3A_270 = tpu.memref_slice %arg6[%add3A_268, %dma_start3A_269] : memref<40x32xi32, #tpu.memory_space<vmem>> -> memref<1x32xi32, #tpu.memory_space<vmem>>
        %dma_start3A_271 = tpu.memref_squeeze %dma_start3A_270 : memref<1x32xi32, #tpu.memory_space<vmem>> -> memref<32xi32, #tpu.memory_space<vmem>>
        %dma_start3A_272 = arith.constant 0 : i32
        %dma_start3A_273 = arith.constant 0 : i32
        %dma_start3A_274 = tpu.memref_slice %arg2[%dma_start3A_272, %dma_start3A_273] : memref<10000x128xf32, #tpu.memory_space<hbm>> -> memref<10000x128xf32, #tpu.memory_space<hbm>>
        tpu.enqueue_indirect_dma source(%dma_start3A_274 : memref<10000x128xf32, #tpu.memory_space<hbm>>) target(%arg10 : memref<32x128xf32, #tpu.memory_space<vmem>>) offsets(%dma_start3A_271 : memref<32xi32, #tpu.memory_space<vmem>>) semaphore(%arg20 : memref<!tpu.dma_semaphore, #tpu.memory_space<semaphore_mem>>)
        %dma_wait3A_275 = arith.constant 0 : i32
        %dma_wait3A_276 = arith.constant 0 : i32
        %dma_wait3A_277 = tpu.memref_slice %arg2[%dma_wait3A_275, %dma_wait3A_276] : memref<10000x128xf32, #tpu.memory_space<hbm>> -> memref<32x128xf32, #tpu.memory_space<hbm>>
        %dma_wait3A_278 = arith.constant 0 : i32
        %dma_wait3A_279 = arith.constant 0 : i32
        %dma_wait3A_280 = tpu.memref_slice %arg2[%dma_wait3A_278, %dma_wait3A_279] : memref<10000x128xf32, #tpu.memory_space<hbm>> -> memref<32x128xf32, #tpu.memory_space<hbm>>
        tpu.wait_dma2 semaphore(%arg21 : memref<!tpu.dma_semaphore, #tpu.memory_space<semaphore_mem>>) src(%dma_wait3A_280 : memref<32x128xf32, #tpu.memory_space<hbm>>) dst(%arg11 : memref<32x128xf32, #tpu.memory_space<vmem>>)
        %add3A_281 = arith.constant 3 : i32
        %add3A_282 = arith.addi %mul3A_220, %add3A_281 : i32
        "tpu.region"() ({
          %run_scoped3A_365 = tpu.sem_alloc : memref<!tpu.dma_semaphore, #tpu.memory_space<semaphore_mem>>
          %dma_start3A_366 = arith.constant 0 : i32
          %dma_start3A_367 = tpu.memref_slice %arg7[%add3A_282, %dma_start3A_366] : memref<40x32xi32, #tpu.memory_space<vmem>> -> memref<1x32xi32, #tpu.memory_space<vmem>>
          %dma_start3A_368 = tpu.memref_squeeze %dma_start3A_367 : memref<1x32xi32, #tpu.memory_space<vmem>> -> memref<32xi32, #tpu.memory_space<vmem>>
          %dma_start3A_369 = arith.constant 0 : i32
          %dma_start3A_370 = arith.constant 0 : i32
          %dma_start3A_371 = tpu.memref_slice %arg17[%dma_start3A_369, %dma_start3A_370] : memref<10240x128xf32, #tpu.memory_space<vmem_shared>> -> memref<10240x128xf32, #tpu.memory_space<vmem_shared>>
          tpu.enqueue_indirect_dma source(%arg11 : memref<32x128xf32, #tpu.memory_space<vmem>>) target(%dma_start3A_371 : memref<10240x128xf32, #tpu.memory_space<vmem_shared>>) offsets(%dma_start3A_368 : memref<32xi32, #tpu.memory_space<vmem>>) semaphore(%run_scoped3A_365 : memref<!tpu.dma_semaphore, #tpu.memory_space<semaphore_mem>>) {add = true}
          %dma_wait3A_372 = arith.constant 0 : i32
          %dma_wait3A_373 = tpu.memref_slice %arg7[%add3A_282, %dma_wait3A_372] : memref<40x32xi32, #tpu.memory_space<vmem>> -> memref<1x32xi32, #tpu.memory_space<vmem>>
          %dma_wait3A_374 = tpu.memref_squeeze %dma_wait3A_373 : memref<1x32xi32, #tpu.memory_space<vmem>> -> memref<32xi32, #tpu.memory_space<vmem>>
          %dma_wait3A_375 = arith.constant 0 : i32
          %dma_wait3A_376 = arith.constant 0 : i32
          %dma_wait3A_377 = tpu.memref_slice %arg17[%dma_wait3A_375, %dma_wait3A_376] : memref<10240x128xf32, #tpu.memory_space<vmem_shared>> -> memref<10240x128xf32, #tpu.memory_space<vmem_shared>>
          tpu.wait_indirect_dma semaphore(%run_scoped3A_365 : memref<!tpu.dma_semaphore, #tpu.memory_space<semaphore_mem>>) src(%arg11 : memref<32x128xf32, #tpu.memory_space<vmem>>) dst(%dma_wait3A_377 : memref<10240x128xf32, #tpu.memory_space<vmem_shared>>)
          tpu.yield
        }) : () -> ()
        %add3A_283 = arith.constant 3 : i32
        %add3A_284 = arith.addi %mul3A_220, %add3A_283 : i32
        %add3A_285 = arith.constant 8 : i32
        %add3A_286 = arith.addi %add3A_284, %add3A_285 : i32
        %dma_start3A_287 = arith.constant 0 : i32
        %dma_start3A_288 = tpu.memref_slice %arg6[%add3A_286, %dma_start3A_287] : memref<40x32xi32, #tpu.memory_space<vmem>> -> memref<1x32xi32, #tpu.memory_space<vmem>>
        %dma_start3A_289 = tpu.memref_squeeze %dma_start3A_288 : memref<1x32xi32, #tpu.memory_space<vmem>> -> memref<32xi32, #tpu.memory_space<vmem>>
        %dma_start3A_290 = arith.constant 0 : i32
        %dma_start3A_291 = arith.constant 0 : i32
        %dma_start3A_292 = tpu.memref_slice %arg2[%dma_start3A_290, %dma_start3A_291] : memref<10000x128xf32, #tpu.memory_space<hbm>> -> memref<10000x128xf32, #tpu.memory_space<hbm>>
        tpu.enqueue_indirect_dma source(%dma_start3A_292 : memref<10000x128xf32, #tpu.memory_space<hbm>>) target(%arg11 : memref<32x128xf32, #tpu.memory_space<vmem>>) offsets(%dma_start3A_289 : memref<32xi32, #tpu.memory_space<vmem>>) semaphore(%arg21 : memref<!tpu.dma_semaphore, #tpu.memory_space<semaphore_mem>>)
        %dma_wait3A_293 = arith.constant 0 : i32
        %dma_wait3A_294 = arith.constant 0 : i32
        %dma_wait3A_295 = tpu.memref_slice %arg2[%dma_wait3A_293, %dma_wait3A_294] : memref<10000x128xf32, #tpu.memory_space<hbm>> -> memref<32x128xf32, #tpu.memory_space<hbm>>
        %dma_wait3A_296 = arith.constant 0 : i32
        %dma_wait3A_297 = arith.constant 0 : i32
        %dma_wait3A_298 = tpu.memref_slice %arg2[%dma_wait3A_296, %dma_wait3A_297] : memref<10000x128xf32, #tpu.memory_space<hbm>> -> memref<32x128xf32, #tpu.memory_space<hbm>>
        tpu.wait_dma2 semaphore(%arg22 : memref<!tpu.dma_semaphore, #tpu.memory_space<semaphore_mem>>) src(%dma_wait3A_298 : memref<32x128xf32, #tpu.memory_space<hbm>>) dst(%arg12 : memref<32x128xf32, #tpu.memory_space<vmem>>)
        %add3A_299 = arith.constant 4 : i32
        %add3A_300 = arith.addi %mul3A_220, %add3A_299 : i32
        "tpu.region"() ({
          %run_scoped3A_365 = tpu.sem_alloc : memref<!tpu.dma_semaphore, #tpu.memory_space<semaphore_mem>>
          %dma_start3A_366 = arith.constant 0 : i32
          %dma_start3A_367 = tpu.memref_slice %arg7[%add3A_300, %dma_start3A_366] : memref<40x32xi32, #tpu.memory_space<vmem>> -> memref<1x32xi32, #tpu.memory_space<vmem>>
          %dma_start3A_368 = tpu.memref_squeeze %dma_start3A_367 : memref<1x32xi32, #tpu.memory_space<vmem>> -> memref<32xi32, #tpu.memory_space<vmem>>
          %dma_start3A_369 = arith.constant 0 : i32
          %dma_start3A_370 = arith.constant 0 : i32
          %dma_start3A_371 = tpu.memref_slice %arg17[%dma_start3A_369, %dma_start3A_370] : memref<10240x128xf32, #tpu.memory_space<vmem_shared>> -> memref<10240x128xf32, #tpu.memory_space<vmem_shared>>
          tpu.enqueue_indirect_dma source(%arg12 : memref<32x128xf32, #tpu.memory_space<vmem>>) target(%dma_start3A_371 : memref<10240x128xf32, #tpu.memory_space<vmem_shared>>) offsets(%dma_start3A_368 : memref<32xi32, #tpu.memory_space<vmem>>) semaphore(%run_scoped3A_365 : memref<!tpu.dma_semaphore, #tpu.memory_space<semaphore_mem>>) {add = true}
          %dma_wait3A_372 = arith.constant 0 : i32
          %dma_wait3A_373 = tpu.memref_slice %arg7[%add3A_300, %dma_wait3A_372] : memref<40x32xi32, #tpu.memory_space<vmem>> -> memref<1x32xi32, #tpu.memory_space<vmem>>
          %dma_wait3A_374 = tpu.memref_squeeze %dma_wait3A_373 : memref<1x32xi32, #tpu.memory_space<vmem>> -> memref<32xi32, #tpu.memory_space<vmem>>
          %dma_wait3A_375 = arith.constant 0 : i32
          %dma_wait3A_376 = arith.constant 0 : i32
          %dma_wait3A_377 = tpu.memref_slice %arg17[%dma_wait3A_375, %dma_wait3A_376] : memref<10240x128xf32, #tpu.memory_space<vmem_shared>> -> memref<10240x128xf32, #tpu.memory_space<vmem_shared>>
          tpu.wait_indirect_dma semaphore(%run_scoped3A_365 : memref<!tpu.dma_semaphore, #tpu.memory_space<semaphore_mem>>) src(%arg12 : memref<32x128xf32, #tpu.memory_space<vmem>>) dst(%dma_wait3A_377 : memref<10240x128xf32, #tpu.memory_space<vmem_shared>>)
          tpu.yield
        }) : () -> ()
        %add3A_301 = arith.constant 4 : i32
        %add3A_302 = arith.addi %mul3A_220, %add3A_301 : i32
        %add3A_303 = arith.constant 8 : i32
        %add3A_304 = arith.addi %add3A_302, %add3A_303 : i32
        %dma_start3A_305 = arith.constant 0 : i32
        %dma_start3A_306 = tpu.memref_slice %arg6[%add3A_304, %dma_start3A_305] : memref<40x32xi32, #tpu.memory_space<vmem>> -> memref<1x32xi32, #tpu.memory_space<vmem>>
        %dma_start3A_307 = tpu.memref_squeeze %dma_start3A_306 : memref<1x32xi32, #tpu.memory_space<vmem>> -> memref<32xi32, #tpu.memory_space<vmem>>
        %dma_start3A_308 = arith.constant 0 : i32
        %dma_start3A_309 = arith.constant 0 : i32
        %dma_start3A_310 = tpu.memref_slice %arg2[%dma_start3A_308, %dma_start3A_309] : memref<10000x128xf32, #tpu.memory_space<hbm>> -> memref<10000x128xf32, #tpu.memory_space<hbm>>
        tpu.enqueue_indirect_dma source(%dma_start3A_310 : memref<10000x128xf32, #tpu.memory_space<hbm>>) target(%arg12 : memref<32x128xf32, #tpu.memory_space<vmem>>) offsets(%dma_start3A_307 : memref<32xi32, #tpu.memory_space<vmem>>) semaphore(%arg22 : memref<!tpu.dma_semaphore, #tpu.memory_space<semaphore_mem>>)
        %dma_wait3A_311 = arith.constant 0 : i32
        %dma_wait3A_312 = arith.constant 0 : i32
        %dma_wait3A_313 = tpu.memref_slice %arg2[%dma_wait3A_311, %dma_wait3A_312] : memref<10000x128xf32, #tpu.memory_space<hbm>> -> memref<32x128xf32, #tpu.memory_space<hbm>>
        %dma_wait3A_314 = arith.constant 0 : i32
        %dma_wait3A_315 = arith.constant 0 : i32
        %dma_wait3A_316 = tpu.memref_slice %arg2[%dma_wait3A_314, %dma_wait3A_315] : memref<10000x128xf32, #tpu.memory_space<hbm>> -> memref<32x128xf32, #tpu.memory_space<hbm>>
        tpu.wait_dma2 semaphore(%arg23 : memref<!tpu.dma_semaphore, #tpu.memory_space<semaphore_mem>>) src(%dma_wait3A_316 : memref<32x128xf32, #tpu.memory_space<hbm>>) dst(%arg13 : memref<32x128xf32, #tpu.memory_space<vmem>>)
        %add3A_317 = arith.constant 5 : i32
        %add3A_318 = arith.addi %mul3A_220, %add3A_317 : i32
        "tpu.region"() ({
          %run_scoped3A_365 = tpu.sem_alloc : memref<!tpu.dma_semaphore, #tpu.memory_space<semaphore_mem>>
          %dma_start3A_366 = arith.constant 0 : i32
          %dma_start3A_367 = tpu.memref_slice %arg7[%add3A_318, %dma_start3A_366] : memref<40x32xi32, #tpu.memory_space<vmem>> -> memref<1x32xi32, #tpu.memory_space<vmem>>
          %dma_start3A_368 = tpu.memref_squeeze %dma_start3A_367 : memref<1x32xi32, #tpu.memory_space<vmem>> -> memref<32xi32, #tpu.memory_space<vmem>>
          %dma_start3A_369 = arith.constant 0 : i32
          %dma_start3A_370 = arith.constant 0 : i32
          %dma_start3A_371 = tpu.memref_slice %arg17[%dma_start3A_369, %dma_start3A_370] : memref<10240x128xf32, #tpu.memory_space<vmem_shared>> -> memref<10240x128xf32, #tpu.memory_space<vmem_shared>>
          tpu.enqueue_indirect_dma source(%arg13 : memref<32x128xf32, #tpu.memory_space<vmem>>) target(%dma_start3A_371 : memref<10240x128xf32, #tpu.memory_space<vmem_shared>>) offsets(%dma_start3A_368 : memref<32xi32, #tpu.memory_space<vmem>>) semaphore(%run_scoped3A_365 : memref<!tpu.dma_semaphore, #tpu.memory_space<semaphore_mem>>) {add = true}
          %dma_wait3A_372 = arith.constant 0 : i32
          %dma_wait3A_373 = tpu.memref_slice %arg7[%add3A_318, %dma_wait3A_372] : memref<40x32xi32, #tpu.memory_space<vmem>> -> memref<1x32xi32, #tpu.memory_space<vmem>>
          %dma_wait3A_374 = tpu.memref_squeeze %dma_wait3A_373 : memref<1x32xi32, #tpu.memory_space<vmem>> -> memref<32xi32, #tpu.memory_space<vmem>>
          %dma_wait3A_375 = arith.constant 0 : i32
          %dma_wait3A_376 = arith.constant 0 : i32
          %dma_wait3A_377 = tpu.memref_slice %arg17[%dma_wait3A_375, %dma_wait3A_376] : memref<10240x128xf32, #tpu.memory_space<vmem_shared>> -> memref<10240x128xf32, #tpu.memory_space<vmem_shared>>
          tpu.wait_indirect_dma semaphore(%run_scoped3A_365 : memref<!tpu.dma_semaphore, #tpu.memory_space<semaphore_mem>>) src(%arg13 : memref<32x128xf32, #tpu.memory_space<vmem>>) dst(%dma_wait3A_377 : memref<10240x128xf32, #tpu.memory_space<vmem_shared>>)
          tpu.yield
        }) : () -> ()
        %add3A_319 = arith.constant 5 : i32
        %add3A_320 = arith.addi %mul3A_220, %add3A_319 : i32
        %add3A_321 = arith.constant 8 : i32
        %add3A_322 = arith.addi %add3A_320, %add3A_321 : i32
        %dma_start3A_323 = arith.constant 0 : i32
        %dma_start3A_324 = tpu.memref_slice %arg6[%add3A_322, %dma_start3A_323] : memref<40x32xi32, #tpu.memory_space<vmem>> -> memref<1x32xi32, #tpu.memory_space<vmem>>
        %dma_start3A_325 = tpu.memref_squeeze %dma_start3A_324 : memref<1x32xi32, #tpu.memory_space<vmem>> -> memref<32xi32, #tpu.memory_space<vmem>>
        %dma_start3A_326 = arith.constant 0 : i32
        %dma_start3A_327 = arith.constant 0 : i32
        %dma_start3A_328 = tpu.memref_slice %arg2[%dma_start3A_326, %dma_start3A_327] : memref<10000x128xf32, #tpu.memory_space<hbm>> -> memref<10000x128xf32, #tpu.memory_space<hbm>>
        tpu.enqueue_indirect_dma source(%dma_start3A_328 : memref<10000x128xf32, #tpu.memory_space<hbm>>) target(%arg13 : memref<32x128xf32, #tpu.memory_space<vmem>>) offsets(%dma_start3A_325 : memref<32xi32, #tpu.memory_space<vmem>>) semaphore(%arg23 : memref<!tpu.dma_semaphore, #tpu.memory_space<semaphore_mem>>)
        %dma_wait3A_329 = arith.constant 0 : i32
        %dma_wait3A_330 = arith.constant 0 : i32
        %dma_wait3A_331 = tpu.memref_slice %arg2[%dma_wait3A_329, %dma_wait3A_330] : memref<10000x128xf32, #tpu.memory_space<hbm>> -> memref<32x128xf32, #tpu.memory_space<hbm>>
        %dma_wait3A_332 = arith.constant 0 : i32
        %dma_wait3A_333 = arith.constant 0 : i32
        %dma_wait3A_334 = tpu.memref_slice %arg2[%dma_wait3A_332, %dma_wait3A_333] : memref<10000x128xf32, #tpu.memory_space<hbm>> -> memref<32x128xf32, #tpu.memory_space<hbm>>
        tpu.wait_dma2 semaphore(%arg24 : memref<!tpu.dma_semaphore, #tpu.memory_space<semaphore_mem>>) src(%dma_wait3A_334 : memref<32x128xf32, #tpu.memory_space<hbm>>) dst(%arg14 : memref<32x128xf32, #tpu.memory_space<vmem>>)
        %add3A_335 = arith.constant 6 : i32
        %add3A_336 = arith.addi %mul3A_220, %add3A_335 : i32
        "tpu.region"() ({
          %run_scoped3A_365 = tpu.sem_alloc : memref<!tpu.dma_semaphore, #tpu.memory_space<semaphore_mem>>
          %dma_start3A_366 = arith.constant 0 : i32
          %dma_start3A_367 = tpu.memref_slice %arg7[%add3A_336, %dma_start3A_366] : memref<40x32xi32, #tpu.memory_space<vmem>> -> memref<1x32xi32, #tpu.memory_space<vmem>>
          %dma_start3A_368 = tpu.memref_squeeze %dma_start3A_367 : memref<1x32xi32, #tpu.memory_space<vmem>> -> memref<32xi32, #tpu.memory_space<vmem>>
          %dma_start3A_369 = arith.constant 0 : i32
          %dma_start3A_370 = arith.constant 0 : i32
          %dma_start3A_371 = tpu.memref_slice %arg17[%dma_start3A_369, %dma_start3A_370] : memref<10240x128xf32, #tpu.memory_space<vmem_shared>> -> memref<10240x128xf32, #tpu.memory_space<vmem_shared>>
          tpu.enqueue_indirect_dma source(%arg14 : memref<32x128xf32, #tpu.memory_space<vmem>>) target(%dma_start3A_371 : memref<10240x128xf32, #tpu.memory_space<vmem_shared>>) offsets(%dma_start3A_368 : memref<32xi32, #tpu.memory_space<vmem>>) semaphore(%run_scoped3A_365 : memref<!tpu.dma_semaphore, #tpu.memory_space<semaphore_mem>>) {add = true}
          %dma_wait3A_372 = arith.constant 0 : i32
          %dma_wait3A_373 = tpu.memref_slice %arg7[%add3A_336, %dma_wait3A_372] : memref<40x32xi32, #tpu.memory_space<vmem>> -> memref<1x32xi32, #tpu.memory_space<vmem>>
          %dma_wait3A_374 = tpu.memref_squeeze %dma_wait3A_373 : memref<1x32xi32, #tpu.memory_space<vmem>> -> memref<32xi32, #tpu.memory_space<vmem>>
          %dma_wait3A_375 = arith.constant 0 : i32
          %dma_wait3A_376 = arith.constant 0 : i32
          %dma_wait3A_377 = tpu.memref_slice %arg17[%dma_wait3A_375, %dma_wait3A_376] : memref<10240x128xf32, #tpu.memory_space<vmem_shared>> -> memref<10240x128xf32, #tpu.memory_space<vmem_shared>>
          tpu.wait_indirect_dma semaphore(%run_scoped3A_365 : memref<!tpu.dma_semaphore, #tpu.memory_space<semaphore_mem>>) src(%arg14 : memref<32x128xf32, #tpu.memory_space<vmem>>) dst(%dma_wait3A_377 : memref<10240x128xf32, #tpu.memory_space<vmem_shared>>)
          tpu.yield
        }) : () -> ()
        %add3A_337 = arith.constant 6 : i32
        %add3A_338 = arith.addi %mul3A_220, %add3A_337 : i32
        %add3A_339 = arith.constant 8 : i32
        %add3A_340 = arith.addi %add3A_338, %add3A_339 : i32
        %dma_start3A_341 = arith.constant 0 : i32
        %dma_start3A_342 = tpu.memref_slice %arg6[%add3A_340, %dma_start3A_341] : memref<40x32xi32, #tpu.memory_space<vmem>> -> memref<1x32xi32, #tpu.memory_space<vmem>>
        %dma_start3A_343 = tpu.memref_squeeze %dma_start3A_342 : memref<1x32xi32, #tpu.memory_space<vmem>> -> memref<32xi32, #tpu.memory_space<vmem>>
        %dma_start3A_344 = arith.constant 0 : i32
        %dma_start3A_345 = arith.constant 0 : i32
        %dma_start3A_346 = tpu.memref_slice %arg2[%dma_start3A_344, %dma_start3A_345] : memref<10000x128xf32, #tpu.memory_space<hbm>> -> memref<10000x128xf32, #tpu.memory_space<hbm>>
        tpu.enqueue_indirect_dma source(%dma_start3A_346 : memref<10000x128xf32, #tpu.memory_space<hbm>>) target(%arg14 : memref<32x128xf32, #tpu.memory_space<vmem>>) offsets(%dma_start3A_343 : memref<32xi32, #tpu.memory_space<vmem>>) semaphore(%arg24 : memref<!tpu.dma_semaphore, #tpu.memory_space<semaphore_mem>>)
        %dma_wait3A_347 = arith.constant 0 : i32
        %dma_wait3A_348 = arith.constant 0 : i32
        %dma_wait3A_349 = tpu.memref_slice %arg2[%dma_wait3A_347, %dma_wait3A_348] : memref<10000x128xf32, #tpu.memory_space<hbm>> -> memref<32x128xf32, #tpu.memory_space<hbm>>
        %dma_wait3A_350 = arith.constant 0 : i32
        %dma_wait3A_351 = arith.constant 0 : i32
        %dma_wait3A_352 = tpu.memref_slice %arg2[%dma_wait3A_350, %dma_wait3A_351] : memref<10000x128xf32, #tpu.memory_space<hbm>> -> memref<32x128xf32, #tpu.memory_space<hbm>>
        tpu.wait_dma2 semaphore(%arg25 : memref<!tpu.dma_semaphore, #tpu.memory_space<semaphore_mem>>) src(%dma_wait3A_352 : memref<32x128xf32, #tpu.memory_space<hbm>>) dst(%arg15 : memref<32x128xf32, #tpu.memory_space<vmem>>)
        %add3A_353 = arith.constant 7 : i32
        %add3A_354 = arith.addi %mul3A_220, %add3A_353 : i32
        "tpu.region"() ({
          %run_scoped3A_365 = tpu.sem_alloc : memref<!tpu.dma_semaphore, #tpu.memory_space<semaphore_mem>>
          %dma_start3A_366 = arith.constant 0 : i32
          %dma_start3A_367 = tpu.memref_slice %arg7[%add3A_354, %dma_start3A_366] : memref<40x32xi32, #tpu.memory_space<vmem>> -> memref<1x32xi32, #tpu.memory_space<vmem>>
          %dma_start3A_368 = tpu.memref_squeeze %dma_start3A_367 : memref<1x32xi32, #tpu.memory_space<vmem>> -> memref<32xi32, #tpu.memory_space<vmem>>
          %dma_start3A_369 = arith.constant 0 : i32
          %dma_start3A_370 = arith.constant 0 : i32
          %dma_start3A_371 = tpu.memref_slice %arg17[%dma_start3A_369, %dma_start3A_370] : memref<10240x128xf32, #tpu.memory_space<vmem_shared>> -> memref<10240x128xf32, #tpu.memory_space<vmem_shared>>
          tpu.enqueue_indirect_dma source(%arg15 : memref<32x128xf32, #tpu.memory_space<vmem>>) target(%dma_start3A_371 : memref<10240x128xf32, #tpu.memory_space<vmem_shared>>) offsets(%dma_start3A_368 : memref<32xi32, #tpu.memory_space<vmem>>) semaphore(%run_scoped3A_365 : memref<!tpu.dma_semaphore, #tpu.memory_space<semaphore_mem>>) {add = true}
          %dma_wait3A_372 = arith.constant 0 : i32
          %dma_wait3A_373 = tpu.memref_slice %arg7[%add3A_354, %dma_wait3A_372] : memref<40x32xi32, #tpu.memory_space<vmem>> -> memref<1x32xi32, #tpu.memory_space<vmem>>
          %dma_wait3A_374 = tpu.memref_squeeze %dma_wait3A_373 : memref<1x32xi32, #tpu.memory_space<vmem>> -> memref<32xi32, #tpu.memory_space<vmem>>
          %dma_wait3A_375 = arith.constant 0 : i32
          %dma_wait3A_376 = arith.constant 0 : i32
          %dma_wait3A_377 = tpu.memref_slice %arg17[%dma_wait3A_375, %dma_wait3A_376] : memref<10240x128xf32, #tpu.memory_space<vmem_shared>> -> memref<10240x128xf32, #tpu.memory_space<vmem_shared>>
          tpu.wait_indirect_dma semaphore(%run_scoped3A_365 : memref<!tpu.dma_semaphore, #tpu.memory_space<semaphore_mem>>) src(%arg15 : memref<32x128xf32, #tpu.memory_space<vmem>>) dst(%dma_wait3A_377 : memref<10240x128xf32, #tpu.memory_space<vmem_shared>>)
          tpu.yield
        }) : () -> ()
        %add3A_355 = arith.constant 7 : i32
        %add3A_356 = arith.addi %mul3A_220, %add3A_355 : i32
        %add3A_357 = arith.constant 8 : i32
        %add3A_358 = arith.addi %add3A_356, %add3A_357 : i32
        %dma_start3A_359 = arith.constant 0 : i32
        %dma_start3A_360 = tpu.memref_slice %arg6[%add3A_358, %dma_start3A_359] : memref<40x32xi32, #tpu.memory_space<vmem>> -> memref<1x32xi32, #tpu.memory_space<vmem>>
        %dma_start3A_361 = tpu.memref_squeeze %dma_start3A_360 : memref<1x32xi32, #tpu.memory_space<vmem>> -> memref<32xi32, #tpu.memory_space<vmem>>
        %dma_start3A_362 = arith.constant 0 : i32
        %dma_start3A_363 = arith.constant 0 : i32
        %dma_start3A_364 = tpu.memref_slice %arg2[%dma_start3A_362, %dma_start3A_363] : memref<10000x128xf32, #tpu.memory_space<hbm>> -> memref<10000x128xf32, #tpu.memory_space<hbm>>
        tpu.enqueue_indirect_dma source(%dma_start3A_364 : memref<10000x128xf32, #tpu.memory_space<hbm>>) target(%arg15 : memref<32x128xf32, #tpu.memory_space<vmem>>) offsets(%dma_start3A_361 : memref<32xi32, #tpu.memory_space<vmem>>) semaphore(%arg25 : memref<!tpu.dma_semaphore, #tpu.memory_space<semaphore_mem>>)
      }
      %scan3A_159 = arith.constant 4 : i32
      %dma_wait3A = arith.constant 0 : i32
      %dma_wait3A_160 = arith.constant 0 : i32
      %dma_wait3A_161 = tpu.memref_slice %arg2[%dma_wait3A, %dma_wait3A_160] : memref<10000x128xf32, #tpu.memory_space<hbm>> -> memref<32x128xf32, #tpu.memory_space<hbm>>
      %dma_wait3A_162 = arith.constant 0 : i32
      %dma_wait3A_163 = arith.constant 0 : i32
      %dma_wait3A_164 = tpu.memref_slice %arg2[%dma_wait3A_162, %dma_wait3A_163] : memref<10000x128xf32, #tpu.memory_space<hbm>> -> memref<32x128xf32, #tpu.memory_space<hbm>>
      tpu.wait_dma2 semaphore(%arg18 : memref<!tpu.dma_semaphore, #tpu.memory_space<semaphore_mem>>) src(%dma_wait3A_164 : memref<32x128xf32, #tpu.memory_space<hbm>>) dst(%arg8 : memref<32x128xf32, #tpu.memory_space<vmem>>)
      %run_scoped3A = arith.constant 32 : i32
      "tpu.region"() ({
        %run_scoped3A_214 = tpu.sem_alloc : memref<!tpu.dma_semaphore, #tpu.memory_space<semaphore_mem>>
        %dma_start3A_215 = arith.constant 0 : i32
        %dma_start3A_216 = tpu.memref_slice %arg7[%run_scoped3A, %dma_start3A_215] : memref<40x32xi32, #tpu.memory_space<vmem>> -> memref<1x32xi32, #tpu.memory_space<vmem>>
        %dma_start3A_217 = tpu.memref_squeeze %dma_start3A_216 : memref<1x32xi32, #tpu.memory_space<vmem>> -> memref<32xi32, #tpu.memory_space<vmem>>
        %dma_start3A_218 = arith.constant 0 : i32
        %dma_start3A_219 = arith.constant 0 : i32
        %dma_start3A_220 = tpu.memref_slice %arg17[%dma_start3A_218, %dma_start3A_219] : memref<10240x128xf32, #tpu.memory_space<vmem_shared>> -> memref<10240x128xf32, #tpu.memory_space<vmem_shared>>
        tpu.enqueue_indirect_dma source(%arg8 : memref<32x128xf32, #tpu.memory_space<vmem>>) target(%dma_start3A_220 : memref<10240x128xf32, #tpu.memory_space<vmem_shared>>) offsets(%dma_start3A_217 : memref<32xi32, #tpu.memory_space<vmem>>) semaphore(%run_scoped3A_214 : memref<!tpu.dma_semaphore, #tpu.memory_space<semaphore_mem>>) {add = true}
        %dma_wait3A_221 = arith.constant 0 : i32
        %dma_wait3A_222 = tpu.memref_slice %arg7[%run_scoped3A, %dma_wait3A_221] : memref<40x32xi32, #tpu.memory_space<vmem>> -> memref<1x32xi32, #tpu.memory_space<vmem>>
        %dma_wait3A_223 = tpu.memref_squeeze %dma_wait3A_222 : memref<1x32xi32, #tpu.memory_space<vmem>> -> memref<32xi32, #tpu.memory_space<vmem>>
        %dma_wait3A_224 = arith.constant 0 : i32
        %dma_wait3A_225 = arith.constant 0 : i32
        %dma_wait3A_226 = tpu.memref_slice %arg17[%dma_wait3A_224, %dma_wait3A_225] : memref<10240x128xf32, #tpu.memory_space<vmem_shared>> -> memref<10240x128xf32, #tpu.memory_space<vmem_shared>>
        tpu.wait_indirect_dma semaphore(%run_scoped3A_214 : memref<!tpu.dma_semaphore, #tpu.memory_space<semaphore_mem>>) src(%arg8 : memref<32x128xf32, #tpu.memory_space<vmem>>) dst(%dma_wait3A_226 : memref<10240x128xf32, #tpu.memory_space<vmem_shared>>)
        tpu.yield
      }) : () -> ()
      %dma_wait3A_165 = arith.constant 0 : i32
      %dma_wait3A_166 = arith.constant 0 : i32
      %dma_wait3A_167 = tpu.memref_slice %arg2[%dma_wait3A_165, %dma_wait3A_166] : memref<10000x128xf32, #tpu.memory_space<hbm>> -> memref<32x128xf32, #tpu.memory_space<hbm>>
      %dma_wait3A_168 = arith.constant 0 : i32
      %dma_wait3A_169 = arith.constant 0 : i32
      %dma_wait3A_170 = tpu.memref_slice %arg2[%dma_wait3A_168, %dma_wait3A_169] : memref<10000x128xf32, #tpu.memory_space<hbm>> -> memref<32x128xf32, #tpu.memory_space<hbm>>
      tpu.wait_dma2 semaphore(%arg19 : memref<!tpu.dma_semaphore, #tpu.memory_space<semaphore_mem>>) src(%dma_wait3A_170 : memref<32x128xf32, #tpu.memory_space<hbm>>) dst(%arg9 : memref<32x128xf32, #tpu.memory_space<vmem>>)
      %run_scoped3A_171 = arith.constant 33 : i32
      "tpu.region"() ({
        %run_scoped3A_214 = tpu.sem_alloc : memref<!tpu.dma_semaphore, #tpu.memory_space<semaphore_mem>>
        %dma_start3A_215 = arith.constant 0 : i32
        %dma_start3A_216 = tpu.memref_slice %arg7[%run_scoped3A_171, %dma_start3A_215] : memref<40x32xi32, #tpu.memory_space<vmem>> -> memref<1x32xi32, #tpu.memory_space<vmem>>
        %dma_start3A_217 = tpu.memref_squeeze %dma_start3A_216 : memref<1x32xi32, #tpu.memory_space<vmem>> -> memref<32xi32, #tpu.memory_space<vmem>>
        %dma_start3A_218 = arith.constant 0 : i32
        %dma_start3A_219 = arith.constant 0 : i32
        %dma_start3A_220 = tpu.memref_slice %arg17[%dma_start3A_218, %dma_start3A_219] : memref<10240x128xf32, #tpu.memory_space<vmem_shared>> -> memref<10240x128xf32, #tpu.memory_space<vmem_shared>>
        tpu.enqueue_indirect_dma source(%arg9 : memref<32x128xf32, #tpu.memory_space<vmem>>) target(%dma_start3A_220 : memref<10240x128xf32, #tpu.memory_space<vmem_shared>>) offsets(%dma_start3A_217 : memref<32xi32, #tpu.memory_space<vmem>>) semaphore(%run_scoped3A_214 : memref<!tpu.dma_semaphore, #tpu.memory_space<semaphore_mem>>) {add = true}
        %dma_wait3A_221 = arith.constant 0 : i32
        %dma_wait3A_222 = tpu.memref_slice %arg7[%run_scoped3A_171, %dma_wait3A_221] : memref<40x32xi32, #tpu.memory_space<vmem>> -> memref<1x32xi32, #tpu.memory_space<vmem>>
        %dma_wait3A_223 = tpu.memref_squeeze %dma_wait3A_222 : memref<1x32xi32, #tpu.memory_space<vmem>> -> memref<32xi32, #tpu.memory_space<vmem>>
        %dma_wait3A_224 = arith.constant 0 : i32
        %dma_wait3A_225 = arith.constant 0 : i32
        %dma_wait3A_226 = tpu.memref_slice %arg17[%dma_wait3A_224, %dma_wait3A_225] : memref<10240x128xf32, #tpu.memory_space<vmem_shared>> -> memref<10240x128xf32, #tpu.memory_space<vmem_shared>>
        tpu.wait_indirect_dma semaphore(%run_scoped3A_214 : memref<!tpu.dma_semaphore, #tpu.memory_space<semaphore_mem>>) src(%arg9 : memref<32x128xf32, #tpu.memory_space<vmem>>) dst(%dma_wait3A_226 : memref<10240x128xf32, #tpu.memory_space<vmem_shared>>)
        tpu.yield
      }) : () -> ()
      %dma_wait3A_172 = arith.constant 0 : i32
      %dma_wait3A_173 = arith.constant 0 : i32
      %dma_wait3A_174 = tpu.memref_slice %arg2[%dma_wait3A_172, %dma_wait3A_173] : memref<10000x128xf32, #tpu.memory_space<hbm>> -> memref<32x128xf32, #tpu.memory_space<hbm>>
      %dma_wait3A_175 = arith.constant 0 : i32
      %dma_wait3A_176 = arith.constant 0 : i32
      %dma_wait3A_177 = tpu.memref_slice %arg2[%dma_wait3A_175, %dma_wait3A_176] : memref<10000x128xf32, #tpu.memory_space<hbm>> -> memref<32x128xf32, #tpu.memory_space<hbm>>
      tpu.wait_dma2 semaphore(%arg20 : memref<!tpu.dma_semaphore, #tpu.memory_space<semaphore_mem>>) src(%dma_wait3A_177 : memref<32x128xf32, #tpu.memory_space<hbm>>) dst(%arg10 : memref<32x128xf32, #tpu.memory_space<vmem>>)
      %run_scoped3A_178 = arith.constant 34 : i32
      "tpu.region"() ({
        %run_scoped3A_214 = tpu.sem_alloc : memref<!tpu.dma_semaphore, #tpu.memory_space<semaphore_mem>>
        %dma_start3A_215 = arith.constant 0 : i32
        %dma_start3A_216 = tpu.memref_slice %arg7[%run_scoped3A_178, %dma_start3A_215] : memref<40x32xi32, #tpu.memory_space<vmem>> -> memref<1x32xi32, #tpu.memory_space<vmem>>
        %dma_start3A_217 = tpu.memref_squeeze %dma_start3A_216 : memref<1x32xi32, #tpu.memory_space<vmem>> -> memref<32xi32, #tpu.memory_space<vmem>>
        %dma_start3A_218 = arith.constant 0 : i32
        %dma_start3A_219 = arith.constant 0 : i32
        %dma_start3A_220 = tpu.memref_slice %arg17[%dma_start3A_218, %dma_start3A_219] : memref<10240x128xf32, #tpu.memory_space<vmem_shared>> -> memref<10240x128xf32, #tpu.memory_space<vmem_shared>>
        tpu.enqueue_indirect_dma source(%arg10 : memref<32x128xf32, #tpu.memory_space<vmem>>) target(%dma_start3A_220 : memref<10240x128xf32, #tpu.memory_space<vmem_shared>>) offsets(%dma_start3A_217 : memref<32xi32, #tpu.memory_space<vmem>>) semaphore(%run_scoped3A_214 : memref<!tpu.dma_semaphore, #tpu.memory_space<semaphore_mem>>) {add = true}
        %dma_wait3A_221 = arith.constant 0 : i32
        %dma_wait3A_222 = tpu.memref_slice %arg7[%run_scoped3A_178, %dma_wait3A_221] : memref<40x32xi32, #tpu.memory_space<vmem>> -> memref<1x32xi32, #tpu.memory_space<vmem>>
        %dma_wait3A_223 = tpu.memref_squeeze %dma_wait3A_222 : memref<1x32xi32, #tpu.memory_space<vmem>> -> memref<32xi32, #tpu.memory_space<vmem>>
        %dma_wait3A_224 = arith.constant 0 : i32
        %dma_wait3A_225 = arith.constant 0 : i32
        %dma_wait3A_226 = tpu.memref_slice %arg17[%dma_wait3A_224, %dma_wait3A_225] : memref<10240x128xf32, #tpu.memory_space<vmem_shared>> -> memref<10240x128xf32, #tpu.memory_space<vmem_shared>>
        tpu.wait_indirect_dma semaphore(%run_scoped3A_214 : memref<!tpu.dma_semaphore, #tpu.memory_space<semaphore_mem>>) src(%arg10 : memref<32x128xf32, #tpu.memory_space<vmem>>) dst(%dma_wait3A_226 : memref<10240x128xf32, #tpu.memory_space<vmem_shared>>)
        tpu.yield
      }) : () -> ()
      %dma_wait3A_179 = arith.constant 0 : i32
      %dma_wait3A_180 = arith.constant 0 : i32
      %dma_wait3A_181 = tpu.memref_slice %arg2[%dma_wait3A_179, %dma_wait3A_180] : memref<10000x128xf32, #tpu.memory_space<hbm>> -> memref<32x128xf32, #tpu.memory_space<hbm>>
      %dma_wait3A_182 = arith.constant 0 : i32
      %dma_wait3A_183 = arith.constant 0 : i32
      %dma_wait3A_184 = tpu.memref_slice %arg2[%dma_wait3A_182, %dma_wait3A_183] : memref<10000x128xf32, #tpu.memory_space<hbm>> -> memref<32x128xf32, #tpu.memory_space<hbm>>
      tpu.wait_dma2 semaphore(%arg21 : memref<!tpu.dma_semaphore, #tpu.memory_space<semaphore_mem>>) src(%dma_wait3A_184 : memref<32x128xf32, #tpu.memory_space<hbm>>) dst(%arg11 : memref<32x128xf32, #tpu.memory_space<vmem>>)
      %run_scoped3A_185 = arith.constant 35 : i32
      "tpu.region"() ({
        %run_scoped3A_214 = tpu.sem_alloc : memref<!tpu.dma_semaphore, #tpu.memory_space<semaphore_mem>>
        %dma_start3A_215 = arith.constant 0 : i32
        %dma_start3A_216 = tpu.memref_slice %arg7[%run_scoped3A_185, %dma_start3A_215] : memref<40x32xi32, #tpu.memory_space<vmem>> -> memref<1x32xi32, #tpu.memory_space<vmem>>
        %dma_start3A_217 = tpu.memref_squeeze %dma_start3A_216 : memref<1x32xi32, #tpu.memory_space<vmem>> -> memref<32xi32, #tpu.memory_space<vmem>>
        %dma_start3A_218 = arith.constant 0 : i32
        %dma_start3A_219 = arith.constant 0 : i32
        %dma_start3A_220 = tpu.memref_slice %arg17[%dma_start3A_218, %dma_start3A_219] : memref<10240x128xf32, #tpu.memory_space<vmem_shared>> -> memref<10240x128xf32, #tpu.memory_space<vmem_shared>>
        tpu.enqueue_indirect_dma source(%arg11 : memref<32x128xf32, #tpu.memory_space<vmem>>) target(%dma_start3A_220 : memref<10240x128xf32, #tpu.memory_space<vmem_shared>>) offsets(%dma_start3A_217 : memref<32xi32, #tpu.memory_space<vmem>>) semaphore(%run_scoped3A_214 : memref<!tpu.dma_semaphore, #tpu.memory_space<semaphore_mem>>) {add = true}
        %dma_wait3A_221 = arith.constant 0 : i32
        %dma_wait3A_222 = tpu.memref_slice %arg7[%run_scoped3A_185, %dma_wait3A_221] : memref<40x32xi32, #tpu.memory_space<vmem>> -> memref<1x32xi32, #tpu.memory_space<vmem>>
        %dma_wait3A_223 = tpu.memref_squeeze %dma_wait3A_222 : memref<1x32xi32, #tpu.memory_space<vmem>> -> memref<32xi32, #tpu.memory_space<vmem>>
        %dma_wait3A_224 = arith.constant 0 : i32
        %dma_wait3A_225 = arith.constant 0 : i32
        %dma_wait3A_226 = tpu.memref_slice %arg17[%dma_wait3A_224, %dma_wait3A_225] : memref<10240x128xf32, #tpu.memory_space<vmem_shared>> -> memref<10240x128xf32, #tpu.memory_space<vmem_shared>>
        tpu.wait_indirect_dma semaphore(%run_scoped3A_214 : memref<!tpu.dma_semaphore, #tpu.memory_space<semaphore_mem>>) src(%arg11 : memref<32x128xf32, #tpu.memory_space<vmem>>) dst(%dma_wait3A_226 : memref<10240x128xf32, #tpu.memory_space<vmem_shared>>)
        tpu.yield
      }) : () -> ()
      %dma_wait3A_186 = arith.constant 0 : i32
      %dma_wait3A_187 = arith.constant 0 : i32
      %dma_wait3A_188 = tpu.memref_slice %arg2[%dma_wait3A_186, %dma_wait3A_187] : memref<10000x128xf32, #tpu.memory_space<hbm>> -> memref<32x128xf32, #tpu.memory_space<hbm>>
      %dma_wait3A_189 = arith.constant 0 : i32
      %dma_wait3A_190 = arith.constant 0 : i32
      %dma_wait3A_191 = tpu.memref_slice %arg2[%dma_wait3A_189, %dma_wait3A_190] : memref<10000x128xf32, #tpu.memory_space<hbm>> -> memref<32x128xf32, #tpu.memory_space<hbm>>
      tpu.wait_dma2 semaphore(%arg22 : memref<!tpu.dma_semaphore, #tpu.memory_space<semaphore_mem>>) src(%dma_wait3A_191 : memref<32x128xf32, #tpu.memory_space<hbm>>) dst(%arg12 : memref<32x128xf32, #tpu.memory_space<vmem>>)
      %run_scoped3A_192 = arith.constant 36 : i32
      "tpu.region"() ({
        %run_scoped3A_214 = tpu.sem_alloc : memref<!tpu.dma_semaphore, #tpu.memory_space<semaphore_mem>>
        %dma_start3A_215 = arith.constant 0 : i32
        %dma_start3A_216 = tpu.memref_slice %arg7[%run_scoped3A_192, %dma_start3A_215] : memref<40x32xi32, #tpu.memory_space<vmem>> -> memref<1x32xi32, #tpu.memory_space<vmem>>
        %dma_start3A_217 = tpu.memref_squeeze %dma_start3A_216 : memref<1x32xi32, #tpu.memory_space<vmem>> -> memref<32xi32, #tpu.memory_space<vmem>>
        %dma_start3A_218 = arith.constant 0 : i32
        %dma_start3A_219 = arith.constant 0 : i32
        %dma_start3A_220 = tpu.memref_slice %arg17[%dma_start3A_218, %dma_start3A_219] : memref<10240x128xf32, #tpu.memory_space<vmem_shared>> -> memref<10240x128xf32, #tpu.memory_space<vmem_shared>>
        tpu.enqueue_indirect_dma source(%arg12 : memref<32x128xf32, #tpu.memory_space<vmem>>) target(%dma_start3A_220 : memref<10240x128xf32, #tpu.memory_space<vmem_shared>>) offsets(%dma_start3A_217 : memref<32xi32, #tpu.memory_space<vmem>>) semaphore(%run_scoped3A_214 : memref<!tpu.dma_semaphore, #tpu.memory_space<semaphore_mem>>) {add = true}
        %dma_wait3A_221 = arith.constant 0 : i32
        %dma_wait3A_222 = tpu.memref_slice %arg7[%run_scoped3A_192, %dma_wait3A_221] : memref<40x32xi32, #tpu.memory_space<vmem>> -> memref<1x32xi32, #tpu.memory_space<vmem>>
        %dma_wait3A_223 = tpu.memref_squeeze %dma_wait3A_222 : memref<1x32xi32, #tpu.memory_space<vmem>> -> memref<32xi32, #tpu.memory_space<vmem>>
        %dma_wait3A_224 = arith.constant 0 : i32
        %dma_wait3A_225 = arith.constant 0 : i32
        %dma_wait3A_226 = tpu.memref_slice %arg17[%dma_wait3A_224, %dma_wait3A_225] : memref<10240x128xf32, #tpu.memory_space<vmem_shared>> -> memref<10240x128xf32, #tpu.memory_space<vmem_shared>>
        tpu.wait_indirect_dma semaphore(%run_scoped3A_214 : memref<!tpu.dma_semaphore, #tpu.memory_space<semaphore_mem>>) src(%arg12 : memref<32x128xf32, #tpu.memory_space<vmem>>) dst(%dma_wait3A_226 : memref<10240x128xf32, #tpu.memory_space<vmem_shared>>)
        tpu.yield
      }) : () -> ()
      %dma_wait3A_193 = arith.constant 0 : i32
      %dma_wait3A_194 = arith.constant 0 : i32
      %dma_wait3A_195 = tpu.memref_slice %arg2[%dma_wait3A_193, %dma_wait3A_194] : memref<10000x128xf32, #tpu.memory_space<hbm>> -> memref<32x128xf32, #tpu.memory_space<hbm>>
      %dma_wait3A_196 = arith.constant 0 : i32
      %dma_wait3A_197 = arith.constant 0 : i32
      %dma_wait3A_198 = tpu.memref_slice %arg2[%dma_wait3A_196, %dma_wait3A_197] : memref<10000x128xf32, #tpu.memory_space<hbm>> -> memref<32x128xf32, #tpu.memory_space<hbm>>
      tpu.wait_dma2 semaphore(%arg23 : memref<!tpu.dma_semaphore, #tpu.memory_space<semaphore_mem>>) src(%dma_wait3A_198 : memref<32x128xf32, #tpu.memory_space<hbm>>) dst(%arg13 : memref<32x128xf32, #tpu.memory_space<vmem>>)
      %run_scoped3A_199 = arith.constant 37 : i32
      "tpu.region"() ({
        %run_scoped3A_214 = tpu.sem_alloc : memref<!tpu.dma_semaphore, #tpu.memory_space<semaphore_mem>>
        %dma_start3A_215 = arith.constant 0 : i32
        %dma_start3A_216 = tpu.memref_slice %arg7[%run_scoped3A_199, %dma_start3A_215] : memref<40x32xi32, #tpu.memory_space<vmem>> -> memref<1x32xi32, #tpu.memory_space<vmem>>
        %dma_start3A_217 = tpu.memref_squeeze %dma_start3A_216 : memref<1x32xi32, #tpu.memory_space<vmem>> -> memref<32xi32, #tpu.memory_space<vmem>>
        %dma_start3A_218 = arith.constant 0 : i32
        %dma_start3A_219 = arith.constant 0 : i32
        %dma_start3A_220 = tpu.memref_slice %arg17[%dma_start3A_218, %dma_start3A_219] : memref<10240x128xf32, #tpu.memory_space<vmem_shared>> -> memref<10240x128xf32, #tpu.memory_space<vmem_shared>>
        tpu.enqueue_indirect_dma source(%arg13 : memref<32x128xf32, #tpu.memory_space<vmem>>) target(%dma_start3A_220 : memref<10240x128xf32, #tpu.memory_space<vmem_shared>>) offsets(%dma_start3A_217 : memref<32xi32, #tpu.memory_space<vmem>>) semaphore(%run_scoped3A_214 : memref<!tpu.dma_semaphore, #tpu.memory_space<semaphore_mem>>) {add = true}
        %dma_wait3A_221 = arith.constant 0 : i32
        %dma_wait3A_222 = tpu.memref_slice %arg7[%run_scoped3A_199, %dma_wait3A_221] : memref<40x32xi32, #tpu.memory_space<vmem>> -> memref<1x32xi32, #tpu.memory_space<vmem>>
        %dma_wait3A_223 = tpu.memref_squeeze %dma_wait3A_222 : memref<1x32xi32, #tpu.memory_space<vmem>> -> memref<32xi32, #tpu.memory_space<vmem>>
        %dma_wait3A_224 = arith.constant 0 : i32
        %dma_wait3A_225 = arith.constant 0 : i32
        %dma_wait3A_226 = tpu.memref_slice %arg17[%dma_wait3A_224, %dma_wait3A_225] : memref<10240x128xf32, #tpu.memory_space<vmem_shared>> -> memref<10240x128xf32, #tpu.memory_space<vmem_shared>>
        tpu.wait_indirect_dma semaphore(%run_scoped3A_214 : memref<!tpu.dma_semaphore, #tpu.memory_space<semaphore_mem>>) src(%arg13 : memref<32x128xf32, #tpu.memory_space<vmem>>) dst(%dma_wait3A_226 : memref<10240x128xf32, #tpu.memory_space<vmem_shared>>)
        tpu.yield
      }) : () -> ()
      %dma_wait3A_200 = arith.constant 0 : i32
      %dma_wait3A_201 = arith.constant 0 : i32
      %dma_wait3A_202 = tpu.memref_slice %arg2[%dma_wait3A_200, %dma_wait3A_201] : memref<10000x128xf32, #tpu.memory_space<hbm>> -> memref<32x128xf32, #tpu.memory_space<hbm>>
      %dma_wait3A_203 = arith.constant 0 : i32
      %dma_wait3A_204 = arith.constant 0 : i32
      %dma_wait3A_205 = tpu.memref_slice %arg2[%dma_wait3A_203, %dma_wait3A_204] : memref<10000x128xf32, #tpu.memory_space<hbm>> -> memref<32x128xf32, #tpu.memory_space<hbm>>
      tpu.wait_dma2 semaphore(%arg24 : memref<!tpu.dma_semaphore, #tpu.memory_space<semaphore_mem>>) src(%dma_wait3A_205 : memref<32x128xf32, #tpu.memory_space<hbm>>) dst(%arg14 : memref<32x128xf32, #tpu.memory_space<vmem>>)
      %run_scoped3A_206 = arith.constant 38 : i32
      "tpu.region"() ({
        %run_scoped3A_214 = tpu.sem_alloc : memref<!tpu.dma_semaphore, #tpu.memory_space<semaphore_mem>>
        %dma_start3A_215 = arith.constant 0 : i32
        %dma_start3A_216 = tpu.memref_slice %arg7[%run_scoped3A_206, %dma_start3A_215] : memref<40x32xi32, #tpu.memory_space<vmem>> -> memref<1x32xi32, #tpu.memory_space<vmem>>
        %dma_start3A_217 = tpu.memref_squeeze %dma_start3A_216 : memref<1x32xi32, #tpu.memory_space<vmem>> -> memref<32xi32, #tpu.memory_space<vmem>>
        %dma_start3A_218 = arith.constant 0 : i32
        %dma_start3A_219 = arith.constant 0 : i32
        %dma_start3A_220 = tpu.memref_slice %arg17[%dma_start3A_218, %dma_start3A_219] : memref<10240x128xf32, #tpu.memory_space<vmem_shared>> -> memref<10240x128xf32, #tpu.memory_space<vmem_shared>>
        tpu.enqueue_indirect_dma source(%arg14 : memref<32x128xf32, #tpu.memory_space<vmem>>) target(%dma_start3A_220 : memref<10240x128xf32, #tpu.memory_space<vmem_shared>>) offsets(%dma_start3A_217 : memref<32xi32, #tpu.memory_space<vmem>>) semaphore(%run_scoped3A_214 : memref<!tpu.dma_semaphore, #tpu.memory_space<semaphore_mem>>) {add = true}
        %dma_wait3A_221 = arith.constant 0 : i32
        %dma_wait3A_222 = tpu.memref_slice %arg7[%run_scoped3A_206, %dma_wait3A_221] : memref<40x32xi32, #tpu.memory_space<vmem>> -> memref<1x32xi32, #tpu.memory_space<vmem>>
        %dma_wait3A_223 = tpu.memref_squeeze %dma_wait3A_222 : memref<1x32xi32, #tpu.memory_space<vmem>> -> memref<32xi32, #tpu.memory_space<vmem>>
        %dma_wait3A_224 = arith.constant 0 : i32
        %dma_wait3A_225 = arith.constant 0 : i32
        %dma_wait3A_226 = tpu.memref_slice %arg17[%dma_wait3A_224, %dma_wait3A_225] : memref<10240x128xf32, #tpu.memory_space<vmem_shared>> -> memref<10240x128xf32, #tpu.memory_space<vmem_shared>>
        tpu.wait_indirect_dma semaphore(%run_scoped3A_214 : memref<!tpu.dma_semaphore, #tpu.memory_space<semaphore_mem>>) src(%arg14 : memref<32x128xf32, #tpu.memory_space<vmem>>) dst(%dma_wait3A_226 : memref<10240x128xf32, #tpu.memory_space<vmem_shared>>)
        tpu.yield
      }) : () -> ()
      %dma_wait3A_207 = arith.constant 0 : i32
      %dma_wait3A_208 = arith.constant 0 : i32
      %dma_wait3A_209 = tpu.memref_slice %arg2[%dma_wait3A_207, %dma_wait3A_208] : memref<10000x128xf32, #tpu.memory_space<hbm>> -> memref<32x128xf32, #tpu.memory_space<hbm>>
      %dma_wait3A_210 = arith.constant 0 : i32
      %dma_wait3A_211 = arith.constant 0 : i32
      %dma_wait3A_212 = tpu.memref_slice %arg2[%dma_wait3A_210, %dma_wait3A_211] : memref<10000x128xf32, #tpu.memory_space<hbm>> -> memref<32x128xf32, #tpu.memory_space<hbm>>
      tpu.wait_dma2 semaphore(%arg25 : memref<!tpu.dma_semaphore, #tpu.memory_space<semaphore_mem>>) src(%dma_wait3A_212 : memref<32x128xf32, #tpu.memory_space<hbm>>) dst(%arg15 : memref<32x128xf32, #tpu.memory_space<vmem>>)
      %run_scoped3A_213 = arith.constant 39 : i32
      "tpu.region"() ({
        %run_scoped3A_214 = tpu.sem_alloc : memref<!tpu.dma_semaphore, #tpu.memory_space<semaphore_mem>>
        %dma_start3A_215 = arith.constant 0 : i32
        %dma_start3A_216 = tpu.memref_slice %arg7[%run_scoped3A_213, %dma_start3A_215] : memref<40x32xi32, #tpu.memory_space<vmem>> -> memref<1x32xi32, #tpu.memory_space<vmem>>
        %dma_start3A_217 = tpu.memref_squeeze %dma_start3A_216 : memref<1x32xi32, #tpu.memory_space<vmem>> -> memref<32xi32, #tpu.memory_space<vmem>>
        %dma_start3A_218 = arith.constant 0 : i32
        %dma_start3A_219 = arith.constant 0 : i32
        %dma_start3A_220 = tpu.memref_slice %arg17[%dma_start3A_218, %dma_start3A_219] : memref<10240x128xf32, #tpu.memory_space<vmem_shared>> -> memref<10240x128xf32, #tpu.memory_space<vmem_shared>>
        tpu.enqueue_indirect_dma source(%arg15 : memref<32x128xf32, #tpu.memory_space<vmem>>) target(%dma_start3A_220 : memref<10240x128xf32, #tpu.memory_space<vmem_shared>>) offsets(%dma_start3A_217 : memref<32xi32, #tpu.memory_space<vmem>>) semaphore(%run_scoped3A_214 : memref<!tpu.dma_semaphore, #tpu.memory_space<semaphore_mem>>) {add = true}
        %dma_wait3A_221 = arith.constant 0 : i32
        %dma_wait3A_222 = tpu.memref_slice %arg7[%run_scoped3A_213, %dma_wait3A_221] : memref<40x32xi32, #tpu.memory_space<vmem>> -> memref<1x32xi32, #tpu.memory_space<vmem>>
        %dma_wait3A_223 = tpu.memref_squeeze %dma_wait3A_222 : memref<1x32xi32, #tpu.memory_space<vmem>> -> memref<32xi32, #tpu.memory_space<vmem>>
        %dma_wait3A_224 = arith.constant 0 : i32
        %dma_wait3A_225 = arith.constant 0 : i32
        %dma_wait3A_226 = tpu.memref_slice %arg17[%dma_wait3A_224, %dma_wait3A_225] : memref<10240x128xf32, #tpu.memory_space<vmem_shared>> -> memref<10240x128xf32, #tpu.memory_space<vmem_shared>>
        tpu.wait_indirect_dma semaphore(%run_scoped3A_214 : memref<!tpu.dma_semaphore, #tpu.memory_space<semaphore_mem>>) src(%arg15 : memref<32x128xf32, #tpu.memory_space<vmem>>) dst(%dma_wait3A_226 : memref<10240x128xf32, #tpu.memory_space<vmem_shared>>)
        tpu.yield
      }) : () -> ()
    }
    %scan3A_89 = arith.constant 16 : i32
    %barrier3A_90 = arith.constant 0 : index
    tpu.barrier barrier_id(%barrier3A_90)
    %mul3A_91 = arith.constant 640 : i32
    %mul3A_92 = arith.muli %arg1, %mul3A_91 : i32
    %mul3A_93 = arith.constant 640 : i32
    %mul3A_94 = arith.muli %arg1, %mul3A_93 : i32
    "tpu.region"() ({
      %run_scoped3A = tpu.sem_alloc : memref<!tpu.dma_semaphore, #tpu.memory_space<semaphore_mem>>
      %dma_start3A = arith.constant 0 : i32
      %dma_start3A_95 = tpu.memref_slice %arg5[%arg0, %mul3A_94, %dma_start3A] : memref<2x10240x128xf32, #tpu.memory_space<hbm>> -> memref<1x640x128xf32, #tpu.memory_space<hbm>>
      %dma_start3A_96 = tpu.memref_squeeze %dma_start3A_95 : memref<1x640x128xf32, #tpu.memory_space<hbm>> -> memref<640x128xf32, #tpu.memory_space<hbm>>
      %dma_start3A_97 = arith.constant 0 : i32
      %dma_start3A_98 = tpu.memref_slice %arg17[%mul3A_92, %dma_start3A_97] : memref<10240x128xf32, #tpu.memory_space<vmem_shared>> -> memref<640x128xf32, #tpu.memory_space<vmem_shared>>
      tpu.enqueue_dma source(%dma_start3A_98 : memref<640x128xf32, #tpu.memory_space<vmem_shared>>) target(%dma_start3A_96 : memref<640x128xf32, #tpu.memory_space<hbm>>) target_semaphore(%run_scoped3A : memref<!tpu.dma_semaphore, #tpu.memory_space<semaphore_mem>>)
      %dma_wait3A = arith.constant 0 : i32
      %dma_wait3A_99 = tpu.memref_slice %arg5[%arg0, %mul3A_94, %dma_wait3A] : memref<2x10240x128xf32, #tpu.memory_space<hbm>> -> memref<1x640x128xf32, #tpu.memory_space<hbm>>
      %dma_wait3A_100 = tpu.memref_squeeze %dma_wait3A_99 : memref<1x640x128xf32, #tpu.memory_space<hbm>> -> memref<640x128xf32, #tpu.memory_space<hbm>>
      %dma_wait3A_101 = arith.constant 0 : i32
      %dma_wait3A_102 = tpu.memref_slice %arg17[%mul3A_92, %dma_wait3A_101] : memref<10240x128xf32, #tpu.memory_space<vmem_shared>> -> memref<640x128xf32, #tpu.memory_space<vmem_shared>>
      tpu.wait_dma2 semaphore(%run_scoped3A : memref<!tpu.dma_semaphore, #tpu.memory_space<semaphore_mem>>) src(%dma_wait3A_102 : memref<640x128xf32, #tpu.memory_space<vmem_shared>>) dst(%dma_wait3A_100 : memref<640x128xf32, #tpu.memory_space<hbm>>)
      tpu.yield
    }) : () -> ()
    return
  }
}

#map = affine_map<(d0, d1) -> (0, 0, 0, 0)>
#map1 = affine_map<(d0, d1) -> (0, 0, 0)>
module attributes {stable_mosaic.version = 14 : i64} {
  func.func @_deg_call(%arg0: i32, %arg1: i32, %arg2: memref<32x4x40x128xi32, #tpu.memory_space<hbm>>, %arg3: memref<2x1x10240xf32, #tpu.memory_space<hbm>>, %arg4: memref<40x128xi32, #tpu.memory_space<vmem>>, %arg5: memref<128xf32, #tpu.memory_space<vmem>>, %arg6: memref<640xf32, #tpu.memory_space<vmem>>, %arg7: memref<10240xf32, #tpu.memory_space<vmem_shared>>, %arg8: memref<!tpu.dma_semaphore, #tpu.memory_space<semaphore_mem>>) attributes {dimension_semantics = [#tpu.dimension_semantics<core_parallel>, #tpu.dimension_semantics<subcore_parallel>], iteration_bounds = array<i64: 2, 16>, scalar_prefetch = 0 : i64, scratch_operands = 5 : i64, tpu.core_type = #tpu.core_type<sc_vector_subcore>, window_params = [{transform_indices = #map}, {transform_indices = #map1}]} {
    %mul3A = arith.constant 16 : i32
    %mul3A_0 = arith.muli %arg0, %mul3A : i32
    %add3A = arith.addi %mul3A_0, %arg1 : i32
    %broadcast_in_dim3A = arith.constant 0.000000e+00 : f32
    %broadcast_in_dim3A_1 = vector.broadcast %broadcast_in_dim3A : f32 to vector<16xf32>
    %swap3A = arith.constant 0 : index
    %swap3A_2 = tpu.vector_load %arg6[%swap3A] {strides = array<i32>} : memref<640xf32, #tpu.memory_space<vmem>>, vector<16xf32>,
    %swap3A_3 = vector.shape_cast %swap3A_2 : vector<16xf32> to vector<16xf32>
    %swap3A_4 = vector.shape_cast %broadcast_in_dim3A_1 : vector<16xf32> to vector<16xf32>
    tpu.vector_store %arg6[%swap3A], %swap3A_4 {strides = array<i32>} : memref<640xf32, #tpu.memory_space<vmem>>, vector<16xf32>,
    %broadcast_in_dim3A_5 = arith.constant 0.000000e+00 : f32
    %broadcast_in_dim3A_6 = vector.broadcast %broadcast_in_dim3A_5 : f32 to vector<16xf32>
    %swap3A_7 = arith.constant 16 : index
    %swap3A_8 = tpu.vector_load %arg6[%swap3A_7] {strides = array<i32>} : memref<640xf32, #tpu.memory_space<vmem>>, vector<16xf32>,
    %swap3A_9 = vector.shape_cast %swap3A_8 : vector<16xf32> to vector<16xf32>
    %swap3A_10 = vector.shape_cast %broadcast_in_dim3A_6 : vector<16xf32> to vector<16xf32>
    tpu.vector_store %arg6[%swap3A_7], %swap3A_10 {strides = array<i32>} : memref<640xf32, #tpu.memory_space<vmem>>, vector<16xf32>,
    %broadcast_in_dim3A_11 = arith.constant 0.000000e+00 : f32
    %broadcast_in_dim3A_12 = vector.broadcast %broadcast_in_dim3A_11 : f32 to vector<16xf32>
    %swap3A_13 = arith.constant 32 : index
    %swap3A_14 = tpu.vector_load %arg6[%swap3A_13] {strides = array<i32>} : memref<640xf32, #tpu.memory_space<vmem>>, vector<16xf32>,
    %swap3A_15 = vector.shape_cast %swap3A_14 : vector<16xf32> to vector<16xf32>
    %swap3A_16 = vector.shape_cast %broadcast_in_dim3A_12 : vector<16xf32> to vector<16xf32>
    tpu.vector_store %arg6[%swap3A_13], %swap3A_16 {strides = array<i32>} : memref<640xf32, #tpu.memory_space<vmem>>, vector<16xf32>,
    %broadcast_in_dim3A_17 = arith.constant 0.000000e+00 : f32
    %broadcast_in_dim3A_18 = vector.broadcast %broadcast_in_dim3A_17 : f32 to vector<16xf32>
    %swap3A_19 = arith.constant 48 : index
    %swap3A_20 = tpu.vector_load %arg6[%swap3A_19] {strides = array<i32>} : memref<640xf32, #tpu.memory_space<vmem>>, vector<16xf32>,
    %swap3A_21 = vector.shape_cast %swap3A_20 : vector<16xf32> to vector<16xf32>
    %swap3A_22 = vector.shape_cast %broadcast_in_dim3A_18 : vector<16xf32> to vector<16xf32>
    tpu.vector_store %arg6[%swap3A_19], %swap3A_22 {strides = array<i32>} : memref<640xf32, #tpu.memory_space<vmem>>, vector<16xf32>,
    %broadcast_in_dim3A_23 = arith.constant 0.000000e+00 : f32
    %broadcast_in_dim3A_24 = vector.broadcast %broadcast_in_dim3A_23 : f32 to vector<16xf32>
    %swap3A_25 = arith.constant 64 : index
    %swap3A_26 = tpu.vector_load %arg6[%swap3A_25] {strides = array<i32>} : memref<640xf32, #tpu.memory_space<vmem>>, vector<16xf32>,
    %swap3A_27 = vector.shape_cast %swap3A_26 : vector<16xf32> to vector<16xf32>
    %swap3A_28 = vector.shape_cast %broadcast_in_dim3A_24 : vector<16xf32> to vector<16xf32>
    tpu.vector_store %arg6[%swap3A_25], %swap3A_28 {strides = array<i32>} : memref<640xf32, #tpu.memory_space<vmem>>, vector<16xf32>,
    %broadcast_in_dim3A_29 = arith.constant 0.000000e+00 : f32
    %broadcast_in_dim3A_30 = vector.broadcast %broadcast_in_dim3A_29 : f32 to vector<16xf32>
    %swap3A_31 = arith.constant 80 : index
    %swap3A_32 = tpu.vector_load %arg6[%swap3A_31] {strides = array<i32>} : memref<640xf32, #tpu.memory_space<vmem>>, vector<16xf32>,
    %swap3A_33 = vector.shape_cast %swap3A_32 : vector<16xf32> to vector<16xf32>
    %swap3A_34 = vector.shape_cast %broadcast_in_dim3A_30 : vector<16xf32> to vector<16xf32>
    tpu.vector_store %arg6[%swap3A_31], %swap3A_34 {strides = array<i32>} : memref<640xf32, #tpu.memory_space<vmem>>, vector<16xf32>,
    %broadcast_in_dim3A_35 = arith.constant 0.000000e+00 : f32
    %broadcast_in_dim3A_36 = vector.broadcast %broadcast_in_dim3A_35 : f32 to vector<16xf32>
    %swap3A_37 = arith.constant 96 : index
    %swap3A_38 = tpu.vector_load %arg6[%swap3A_37] {strides = array<i32>} : memref<640xf32, #tpu.memory_space<vmem>>, vector<16xf32>,
    %swap3A_39 = vector.shape_cast %swap3A_38 : vector<16xf32> to vector<16xf32>
    %swap3A_40 = vector.shape_cast %broadcast_in_dim3A_36 : vector<16xf32> to vector<16xf32>
    tpu.vector_store %arg6[%swap3A_37], %swap3A_40 {strides = array<i32>} : memref<640xf32, #tpu.memory_space<vmem>>, vector<16xf32>,
    %broadcast_in_dim3A_41 = arith.constant 0.000000e+00 : f32
    %broadcast_in_dim3A_42 = vector.broadcast %broadcast_in_dim3A_41 : f32 to vector<16xf32>
    %swap3A_43 = arith.constant 112 : index
    %swap3A_44 = tpu.vector_load %arg6[%swap3A_43] {strides = array<i32>} : memref<640xf32, #tpu.memory_space<vmem>>, vector<16xf32>,
    %swap3A_45 = vector.shape_cast %swap3A_44 : vector<16xf32> to vector<16xf32>
    %swap3A_46 = vector.shape_cast %broadcast_in_dim3A_42 : vector<16xf32> to vector<16xf32>
    tpu.vector_store %arg6[%swap3A_43], %swap3A_46 {strides = array<i32>} : memref<640xf32, #tpu.memory_space<vmem>>, vector<16xf32>,
    %broadcast_in_dim3A_47 = arith.constant 0.000000e+00 : f32
    %broadcast_in_dim3A_48 = vector.broadcast %broadcast_in_dim3A_47 : f32 to vector<16xf32>
    %swap3A_49 = arith.constant 128 : index
    %swap3A_50 = tpu.vector_load %arg6[%swap3A_49] {strides = array<i32>} : memref<640xf32, #tpu.memory_space<vmem>>, vector<16xf32>,
    %swap3A_51 = vector.shape_cast %swap3A_50 : vector<16xf32> to vector<16xf32>
    %swap3A_52 = vector.shape_cast %broadcast_in_dim3A_48 : vector<16xf32> to vector<16xf32>
    tpu.vector_store %arg6[%swap3A_49], %swap3A_52 {strides = array<i32>} : memref<640xf32, #tpu.memory_space<vmem>>, vector<16xf32>,
    %broadcast_in_dim3A_53 = arith.constant 0.000000e+00 : f32
    %broadcast_in_dim3A_54 = vector.broadcast %broadcast_in_dim3A_53 : f32 to vector<16xf32>
    %swap3A_55 = arith.constant 144 : index
    %swap3A_56 = tpu.vector_load %arg6[%swap3A_55] {strides = array<i32>} : memref<640xf32, #tpu.memory_space<vmem>>, vector<16xf32>,
    %swap3A_57 = vector.shape_cast %swap3A_56 : vector<16xf32> to vector<16xf32>
    %swap3A_58 = vector.shape_cast %broadcast_in_dim3A_54 : vector<16xf32> to vector<16xf32>
    tpu.vector_store %arg6[%swap3A_55], %swap3A_58 {strides = array<i32>} : memref<640xf32, #tpu.memory_space<vmem>>, vector<16xf32>,
    %broadcast_in_dim3A_59 = arith.constant 0.000000e+00 : f32
    %broadcast_in_dim3A_60 = vector.broadcast %broadcast_in_dim3A_59 : f32 to vector<16xf32>
    %swap3A_61 = arith.constant 160 : index
    %swap3A_62 = tpu.vector_load %arg6[%swap3A_61] {strides = array<i32>} : memref<640xf32, #tpu.memory_space<vmem>>, vector<16xf32>,
    %swap3A_63 = vector.shape_cast %swap3A_62 : vector<16xf32> to vector<16xf32>
    %swap3A_64 = vector.shape_cast %broadcast_in_dim3A_60 : vector<16xf32> to vector<16xf32>
    tpu.vector_store %arg6[%swap3A_61], %swap3A_64 {strides = array<i32>} : memref<640xf32, #tpu.memory_space<vmem>>, vector<16xf32>,
    %broadcast_in_dim3A_65 = arith.constant 0.000000e+00 : f32
    %broadcast_in_dim3A_66 = vector.broadcast %broadcast_in_dim3A_65 : f32 to vector<16xf32>
    %swap3A_67 = arith.constant 176 : index
    %swap3A_68 = tpu.vector_load %arg6[%swap3A_67] {strides = array<i32>} : memref<640xf32, #tpu.memory_space<vmem>>, vector<16xf32>,
    %swap3A_69 = vector.shape_cast %swap3A_68 : vector<16xf32> to vector<16xf32>
    %swap3A_70 = vector.shape_cast %broadcast_in_dim3A_66 : vector<16xf32> to vector<16xf32>
    tpu.vector_store %arg6[%swap3A_67], %swap3A_70 {strides = array<i32>} : memref<640xf32, #tpu.memory_space<vmem>>, vector<16xf32>,
    %broadcast_in_dim3A_71 = arith.constant 0.000000e+00 : f32
    %broadcast_in_dim3A_72 = vector.broadcast %broadcast_in_dim3A_71 : f32 to vector<16xf32>
    %swap3A_73 = arith.constant 192 : index
    %swap3A_74 = tpu.vector_load %arg6[%swap3A_73] {strides = array<i32>} : memref<640xf32, #tpu.memory_space<vmem>>, vector<16xf32>,
    %swap3A_75 = vector.shape_cast %swap3A_74 : vector<16xf32> to vector<16xf32>
    %swap3A_76 = vector.shape_cast %broadcast_in_dim3A_72 : vector<16xf32> to vector<16xf32>
    tpu.vector_store %arg6[%swap3A_73], %swap3A_76 {strides = array<i32>} : memref<640xf32, #tpu.memory_space<vmem>>, vector<16xf32>,
    %broadcast_in_dim3A_77 = arith.constant 0.000000e+00 : f32
    %broadcast_in_dim3A_78 = vector.broadcast %broadcast_in_dim3A_77 : f32 to vector<16xf32>
    %swap3A_79 = arith.constant 208 : index
    %swap3A_80 = tpu.vector_load %arg6[%swap3A_79] {strides = array<i32>} : memref<640xf32, #tpu.memory_space<vmem>>, vector<16xf32>,
    %swap3A_81 = vector.shape_cast %swap3A_80 : vector<16xf32> to vector<16xf32>
    %swap3A_82 = vector.shape_cast %broadcast_in_dim3A_78 : vector<16xf32> to vector<16xf32>
    tpu.vector_store %arg6[%swap3A_79], %swap3A_82 {strides = array<i32>} : memref<640xf32, #tpu.memory_space<vmem>>, vector<16xf32>,
    %broadcast_in_dim3A_83 = arith.constant 0.000000e+00 : f32
    %broadcast_in_dim3A_84 = vector.broadcast %broadcast_in_dim3A_83 : f32 to vector<16xf32>
    %swap3A_85 = arith.constant 224 : index
    %swap3A_86 = tpu.vector_load %arg6[%swap3A_85] {strides = array<i32>} : memref<640xf32, #tpu.memory_space<vmem>>, vector<16xf32>,
    %swap3A_87 = vector.shape_cast %swap3A_86 : vector<16xf32> to vector<16xf32>
    %swap3A_88 = vector.shape_cast %broadcast_in_dim3A_84 : vector<16xf32> to vector<16xf32>
    tpu.vector_store %arg6[%swap3A_85], %swap3A_88 {strides = array<i32>} : memref<640xf32, #tpu.memory_space<vmem>>, vector<16xf32>,
    %broadcast_in_dim3A_89 = arith.constant 0.000000e+00 : f32
    %broadcast_in_dim3A_90 = vector.broadcast %broadcast_in_dim3A_89 : f32 to vector<16xf32>
    %swap3A_91 = arith.constant 240 : index
    %swap3A_92 = tpu.vector_load %arg6[%swap3A_91] {strides = array<i32>} : memref<640xf32, #tpu.memory_space<vmem>>, vector<16xf32>,
    %swap3A_93 = vector.shape_cast %swap3A_92 : vector<16xf32> to vector<16xf32>
    %swap3A_94 = vector.shape_cast %broadcast_in_dim3A_90 : vector<16xf32> to vector<16xf32>
    tpu.vector_store %arg6[%swap3A_91], %swap3A_94 {strides = array<i32>} : memref<640xf32, #tpu.memory_space<vmem>>, vector<16xf32>,
    %broadcast_in_dim3A_95 = arith.constant 0.000000e+00 : f32
    %broadcast_in_dim3A_96 = vector.broadcast %broadcast_in_dim3A_95 : f32 to vector<16xf32>
    %swap3A_97 = arith.constant 256 : index
    %swap3A_98 = tpu.vector_load %arg6[%swap3A_97] {strides = array<i32>} : memref<640xf32, #tpu.memory_space<vmem>>, vector<16xf32>,
    %swap3A_99 = vector.shape_cast %swap3A_98 : vector<16xf32> to vector<16xf32>
    %swap3A_100 = vector.shape_cast %broadcast_in_dim3A_96 : vector<16xf32> to vector<16xf32>
    tpu.vector_store %arg6[%swap3A_97], %swap3A_100 {strides = array<i32>} : memref<640xf32, #tpu.memory_space<vmem>>, vector<16xf32>,
    %broadcast_in_dim3A_101 = arith.constant 0.000000e+00 : f32
    %broadcast_in_dim3A_102 = vector.broadcast %broadcast_in_dim3A_101 : f32 to vector<16xf32>
    %swap3A_103 = arith.constant 272 : index
    %swap3A_104 = tpu.vector_load %arg6[%swap3A_103] {strides = array<i32>} : memref<640xf32, #tpu.memory_space<vmem>>, vector<16xf32>,
    %swap3A_105 = vector.shape_cast %swap3A_104 : vector<16xf32> to vector<16xf32>
    %swap3A_106 = vector.shape_cast %broadcast_in_dim3A_102 : vector<16xf32> to vector<16xf32>
    tpu.vector_store %arg6[%swap3A_103], %swap3A_106 {strides = array<i32>} : memref<640xf32, #tpu.memory_space<vmem>>, vector<16xf32>,
    %broadcast_in_dim3A_107 = arith.constant 0.000000e+00 : f32
    %broadcast_in_dim3A_108 = vector.broadcast %broadcast_in_dim3A_107 : f32 to vector<16xf32>
    %swap3A_109 = arith.constant 288 : index
    %swap3A_110 = tpu.vector_load %arg6[%swap3A_109] {strides = array<i32>} : memref<640xf32, #tpu.memory_space<vmem>>, vector<16xf32>,
    %swap3A_111 = vector.shape_cast %swap3A_110 : vector<16xf32> to vector<16xf32>
    %swap3A_112 = vector.shape_cast %broadcast_in_dim3A_108 : vector<16xf32> to vector<16xf32>
    tpu.vector_store %arg6[%swap3A_109], %swap3A_112 {strides = array<i32>} : memref<640xf32, #tpu.memory_space<vmem>>, vector<16xf32>,
    %broadcast_in_dim3A_113 = arith.constant 0.000000e+00 : f32
    %broadcast_in_dim3A_114 = vector.broadcast %broadcast_in_dim3A_113 : f32 to vector<16xf32>
    %swap3A_115 = arith.constant 304 : index
    %swap3A_116 = tpu.vector_load %arg6[%swap3A_115] {strides = array<i32>} : memref<640xf32, #tpu.memory_space<vmem>>, vector<16xf32>,
    %swap3A_117 = vector.shape_cast %swap3A_116 : vector<16xf32> to vector<16xf32>
    %swap3A_118 = vector.shape_cast %broadcast_in_dim3A_114 : vector<16xf32> to vector<16xf32>
    tpu.vector_store %arg6[%swap3A_115], %swap3A_118 {strides = array<i32>} : memref<640xf32, #tpu.memory_space<vmem>>, vector<16xf32>,
    %broadcast_in_dim3A_119 = arith.constant 0.000000e+00 : f32
    %broadcast_in_dim3A_120 = vector.broadcast %broadcast_in_dim3A_119 : f32 to vector<16xf32>
    %swap3A_121 = arith.constant 320 : index
    %swap3A_122 = tpu.vector_load %arg6[%swap3A_121] {strides = array<i32>} : memref<640xf32, #tpu.memory_space<vmem>>, vector<16xf32>,
    %swap3A_123 = vector.shape_cast %swap3A_122 : vector<16xf32> to vector<16xf32>
    %swap3A_124 = vector.shape_cast %broadcast_in_dim3A_120 : vector<16xf32> to vector<16xf32>
    tpu.vector_store %arg6[%swap3A_121], %swap3A_124 {strides = array<i32>} : memref<640xf32, #tpu.memory_space<vmem>>, vector<16xf32>,
    %broadcast_in_dim3A_125 = arith.constant 0.000000e+00 : f32
    %broadcast_in_dim3A_126 = vector.broadcast %broadcast_in_dim3A_125 : f32 to vector<16xf32>
    %swap3A_127 = arith.constant 336 : index
    %swap3A_128 = tpu.vector_load %arg6[%swap3A_127] {strides = array<i32>} : memref<640xf32, #tpu.memory_space<vmem>>, vector<16xf32>,
    %swap3A_129 = vector.shape_cast %swap3A_128 : vector<16xf32> to vector<16xf32>
    %swap3A_130 = vector.shape_cast %broadcast_in_dim3A_126 : vector<16xf32> to vector<16xf32>
    tpu.vector_store %arg6[%swap3A_127], %swap3A_130 {strides = array<i32>} : memref<640xf32, #tpu.memory_space<vmem>>, vector<16xf32>,
    %broadcast_in_dim3A_131 = arith.constant 0.000000e+00 : f32
    %broadcast_in_dim3A_132 = vector.broadcast %broadcast_in_dim3A_131 : f32 to vector<16xf32>
    %swap3A_133 = arith.constant 352 : index
    %swap3A_134 = tpu.vector_load %arg6[%swap3A_133] {strides = array<i32>} : memref<640xf32, #tpu.memory_space<vmem>>, vector<16xf32>,
    %swap3A_135 = vector.shape_cast %swap3A_134 : vector<16xf32> to vector<16xf32>
    %swap3A_136 = vector.shape_cast %broadcast_in_dim3A_132 : vector<16xf32> to vector<16xf32>
    tpu.vector_store %arg6[%swap3A_133], %swap3A_136 {strides = array<i32>} : memref<640xf32, #tpu.memory_space<vmem>>, vector<16xf32>,
    %broadcast_in_dim3A_137 = arith.constant 0.000000e+00 : f32
    %broadcast_in_dim3A_138 = vector.broadcast %broadcast_in_dim3A_137 : f32 to vector<16xf32>
    %swap3A_139 = arith.constant 368 : index
    %swap3A_140 = tpu.vector_load %arg6[%swap3A_139] {strides = array<i32>} : memref<640xf32, #tpu.memory_space<vmem>>, vector<16xf32>,
    %swap3A_141 = vector.shape_cast %swap3A_140 : vector<16xf32> to vector<16xf32>
    %swap3A_142 = vector.shape_cast %broadcast_in_dim3A_138 : vector<16xf32> to vector<16xf32>
    tpu.vector_store %arg6[%swap3A_139], %swap3A_142 {strides = array<i32>} : memref<640xf32, #tpu.memory_space<vmem>>, vector<16xf32>,
    %broadcast_in_dim3A_143 = arith.constant 0.000000e+00 : f32
    %broadcast_in_dim3A_144 = vector.broadcast %broadcast_in_dim3A_143 : f32 to vector<16xf32>
    %swap3A_145 = arith.constant 384 : index
    %swap3A_146 = tpu.vector_load %arg6[%swap3A_145] {strides = array<i32>} : memref<640xf32, #tpu.memory_space<vmem>>, vector<16xf32>,
    %swap3A_147 = vector.shape_cast %swap3A_146 : vector<16xf32> to vector<16xf32>
    %swap3A_148 = vector.shape_cast %broadcast_in_dim3A_144 : vector<16xf32> to vector<16xf32>
    tpu.vector_store %arg6[%swap3A_145], %swap3A_148 {strides = array<i32>} : memref<640xf32, #tpu.memory_space<vmem>>, vector<16xf32>,
    %broadcast_in_dim3A_149 = arith.constant 0.000000e+00 : f32
    %broadcast_in_dim3A_150 = vector.broadcast %broadcast_in_dim3A_149 : f32 to vector<16xf32>
    %swap3A_151 = arith.constant 400 : index
    %swap3A_152 = tpu.vector_load %arg6[%swap3A_151] {strides = array<i32>} : memref<640xf32, #tpu.memory_space<vmem>>, vector<16xf32>,
    %swap3A_153 = vector.shape_cast %swap3A_152 : vector<16xf32> to vector<16xf32>
    %swap3A_154 = vector.shape_cast %broadcast_in_dim3A_150 : vector<16xf32> to vector<16xf32>
    tpu.vector_store %arg6[%swap3A_151], %swap3A_154 {strides = array<i32>} : memref<640xf32, #tpu.memory_space<vmem>>, vector<16xf32>,
    %broadcast_in_dim3A_155 = arith.constant 0.000000e+00 : f32
    %broadcast_in_dim3A_156 = vector.broadcast %broadcast_in_dim3A_155 : f32 to vector<16xf32>
    %swap3A_157 = arith.constant 416 : index
    %swap3A_158 = tpu.vector_load %arg6[%swap3A_157] {strides = array<i32>} : memref<640xf32, #tpu.memory_space<vmem>>, vector<16xf32>,
    %swap3A_159 = vector.shape_cast %swap3A_158 : vector<16xf32> to vector<16xf32>
    %swap3A_160 = vector.shape_cast %broadcast_in_dim3A_156 : vector<16xf32> to vector<16xf32>
    tpu.vector_store %arg6[%swap3A_157], %swap3A_160 {strides = array<i32>} : memref<640xf32, #tpu.memory_space<vmem>>, vector<16xf32>,
    %broadcast_in_dim3A_161 = arith.constant 0.000000e+00 : f32
    %broadcast_in_dim3A_162 = vector.broadcast %broadcast_in_dim3A_161 : f32 to vector<16xf32>
    %swap3A_163 = arith.constant 432 : index
    %swap3A_164 = tpu.vector_load %arg6[%swap3A_163] {strides = array<i32>} : memref<640xf32, #tpu.memory_space<vmem>>, vector<16xf32>,
    %swap3A_165 = vector.shape_cast %swap3A_164 : vector<16xf32> to vector<16xf32>
    %swap3A_166 = vector.shape_cast %broadcast_in_dim3A_162 : vector<16xf32> to vector<16xf32>
    tpu.vector_store %arg6[%swap3A_163], %swap3A_166 {strides = array<i32>} : memref<640xf32, #tpu.memory_space<vmem>>, vector<16xf32>,
    %broadcast_in_dim3A_167 = arith.constant 0.000000e+00 : f32
    %broadcast_in_dim3A_168 = vector.broadcast %broadcast_in_dim3A_167 : f32 to vector<16xf32>
    %swap3A_169 = arith.constant 448 : index
    %swap3A_170 = tpu.vector_load %arg6[%swap3A_169] {strides = array<i32>} : memref<640xf32, #tpu.memory_space<vmem>>, vector<16xf32>,
    %swap3A_171 = vector.shape_cast %swap3A_170 : vector<16xf32> to vector<16xf32>
    %swap3A_172 = vector.shape_cast %broadcast_in_dim3A_168 : vector<16xf32> to vector<16xf32>
    tpu.vector_store %arg6[%swap3A_169], %swap3A_172 {strides = array<i32>} : memref<640xf32, #tpu.memory_space<vmem>>, vector<16xf32>,
    %broadcast_in_dim3A_173 = arith.constant 0.000000e+00 : f32
    %broadcast_in_dim3A_174 = vector.broadcast %broadcast_in_dim3A_173 : f32 to vector<16xf32>
    %swap3A_175 = arith.constant 464 : index
    %swap3A_176 = tpu.vector_load %arg6[%swap3A_175] {strides = array<i32>} : memref<640xf32, #tpu.memory_space<vmem>>, vector<16xf32>,
    %swap3A_177 = vector.shape_cast %swap3A_176 : vector<16xf32> to vector<16xf32>
    %swap3A_178 = vector.shape_cast %broadcast_in_dim3A_174 : vector<16xf32> to vector<16xf32>
    tpu.vector_store %arg6[%swap3A_175], %swap3A_178 {strides = array<i32>} : memref<640xf32, #tpu.memory_space<vmem>>, vector<16xf32>,
    %broadcast_in_dim3A_179 = arith.constant 0.000000e+00 : f32
    %broadcast_in_dim3A_180 = vector.broadcast %broadcast_in_dim3A_179 : f32 to vector<16xf32>
    %swap3A_181 = arith.constant 480 : index
    %swap3A_182 = tpu.vector_load %arg6[%swap3A_181] {strides = array<i32>} : memref<640xf32, #tpu.memory_space<vmem>>, vector<16xf32>,
    %swap3A_183 = vector.shape_cast %swap3A_182 : vector<16xf32> to vector<16xf32>
    %swap3A_184 = vector.shape_cast %broadcast_in_dim3A_180 : vector<16xf32> to vector<16xf32>
    tpu.vector_store %arg6[%swap3A_181], %swap3A_184 {strides = array<i32>} : memref<640xf32, #tpu.memory_space<vmem>>, vector<16xf32>,
    %broadcast_in_dim3A_185 = arith.constant 0.000000e+00 : f32
    %broadcast_in_dim3A_186 = vector.broadcast %broadcast_in_dim3A_185 : f32 to vector<16xf32>
    %swap3A_187 = arith.constant 496 : index
    %swap3A_188 = tpu.vector_load %arg6[%swap3A_187] {strides = array<i32>} : memref<640xf32, #tpu.memory_space<vmem>>, vector<16xf32>,
    %swap3A_189 = vector.shape_cast %swap3A_188 : vector<16xf32> to vector<16xf32>
    %swap3A_190 = vector.shape_cast %broadcast_in_dim3A_186 : vector<16xf32> to vector<16xf32>
    tpu.vector_store %arg6[%swap3A_187], %swap3A_190 {strides = array<i32>} : memref<640xf32, #tpu.memory_space<vmem>>, vector<16xf32>,
    %broadcast_in_dim3A_191 = arith.constant 0.000000e+00 : f32
    %broadcast_in_dim3A_192 = vector.broadcast %broadcast_in_dim3A_191 : f32 to vector<16xf32>
    %swap3A_193 = arith.constant 512 : index
    %swap3A_194 = tpu.vector_load %arg6[%swap3A_193] {strides = array<i32>} : memref<640xf32, #tpu.memory_space<vmem>>, vector<16xf32>,
    %swap3A_195 = vector.shape_cast %swap3A_194 : vector<16xf32> to vector<16xf32>
    %swap3A_196 = vector.shape_cast %broadcast_in_dim3A_192 : vector<16xf32> to vector<16xf32>
    tpu.vector_store %arg6[%swap3A_193], %swap3A_196 {strides = array<i32>} : memref<640xf32, #tpu.memory_space<vmem>>, vector<16xf32>,
    %broadcast_in_dim3A_197 = arith.constant 0.000000e+00 : f32
    %broadcast_in_dim3A_198 = vector.broadcast %broadcast_in_dim3A_197 : f32 to vector<16xf32>
    %swap3A_199 = arith.constant 528 : index
    %swap3A_200 = tpu.vector_load %arg6[%swap3A_199] {strides = array<i32>} : memref<640xf32, #tpu.memory_space<vmem>>, vector<16xf32>,
    %swap3A_201 = vector.shape_cast %swap3A_200 : vector<16xf32> to vector<16xf32>
    %swap3A_202 = vector.shape_cast %broadcast_in_dim3A_198 : vector<16xf32> to vector<16xf32>
    tpu.vector_store %arg6[%swap3A_199], %swap3A_202 {strides = array<i32>} : memref<640xf32, #tpu.memory_space<vmem>>, vector<16xf32>,
    %broadcast_in_dim3A_203 = arith.constant 0.000000e+00 : f32
    %broadcast_in_dim3A_204 = vector.broadcast %broadcast_in_dim3A_203 : f32 to vector<16xf32>
    %swap3A_205 = arith.constant 544 : index
    %swap3A_206 = tpu.vector_load %arg6[%swap3A_205] {strides = array<i32>} : memref<640xf32, #tpu.memory_space<vmem>>, vector<16xf32>,
    %swap3A_207 = vector.shape_cast %swap3A_206 : vector<16xf32> to vector<16xf32>
    %swap3A_208 = vector.shape_cast %broadcast_in_dim3A_204 : vector<16xf32> to vector<16xf32>
    tpu.vector_store %arg6[%swap3A_205], %swap3A_208 {strides = array<i32>} : memref<640xf32, #tpu.memory_space<vmem>>, vector<16xf32>,
    %broadcast_in_dim3A_209 = arith.constant 0.000000e+00 : f32
    %broadcast_in_dim3A_210 = vector.broadcast %broadcast_in_dim3A_209 : f32 to vector<16xf32>
    %swap3A_211 = arith.constant 560 : index
    %swap3A_212 = tpu.vector_load %arg6[%swap3A_211] {strides = array<i32>} : memref<640xf32, #tpu.memory_space<vmem>>, vector<16xf32>,
    %swap3A_213 = vector.shape_cast %swap3A_212 : vector<16xf32> to vector<16xf32>
    %swap3A_214 = vector.shape_cast %broadcast_in_dim3A_210 : vector<16xf32> to vector<16xf32>
    tpu.vector_store %arg6[%swap3A_211], %swap3A_214 {strides = array<i32>} : memref<640xf32, #tpu.memory_space<vmem>>, vector<16xf32>,
    %broadcast_in_dim3A_215 = arith.constant 0.000000e+00 : f32
    %broadcast_in_dim3A_216 = vector.broadcast %broadcast_in_dim3A_215 : f32 to vector<16xf32>
    %swap3A_217 = arith.constant 576 : index
    %swap3A_218 = tpu.vector_load %arg6[%swap3A_217] {strides = array<i32>} : memref<640xf32, #tpu.memory_space<vmem>>, vector<16xf32>,
    %swap3A_219 = vector.shape_cast %swap3A_218 : vector<16xf32> to vector<16xf32>
    %swap3A_220 = vector.shape_cast %broadcast_in_dim3A_216 : vector<16xf32> to vector<16xf32>
    tpu.vector_store %arg6[%swap3A_217], %swap3A_220 {strides = array<i32>} : memref<640xf32, #tpu.memory_space<vmem>>, vector<16xf32>,
    %broadcast_in_dim3A_221 = arith.constant 0.000000e+00 : f32
    %broadcast_in_dim3A_222 = vector.broadcast %broadcast_in_dim3A_221 : f32 to vector<16xf32>
    %swap3A_223 = arith.constant 592 : index
    %swap3A_224 = tpu.vector_load %arg6[%swap3A_223] {strides = array<i32>} : memref<640xf32, #tpu.memory_space<vmem>>, vector<16xf32>,
    %swap3A_225 = vector.shape_cast %swap3A_224 : vector<16xf32> to vector<16xf32>
    %swap3A_226 = vector.shape_cast %broadcast_in_dim3A_222 : vector<16xf32> to vector<16xf32>
    tpu.vector_store %arg6[%swap3A_223], %swap3A_226 {strides = array<i32>} : memref<640xf32, #tpu.memory_space<vmem>>, vector<16xf32>,
    %broadcast_in_dim3A_227 = arith.constant 0.000000e+00 : f32
    %broadcast_in_dim3A_228 = vector.broadcast %broadcast_in_dim3A_227 : f32 to vector<16xf32>
    %swap3A_229 = arith.constant 608 : index
    %swap3A_230 = tpu.vector_load %arg6[%swap3A_229] {strides = array<i32>} : memref<640xf32, #tpu.memory_space<vmem>>, vector<16xf32>,
    %swap3A_231 = vector.shape_cast %swap3A_230 : vector<16xf32> to vector<16xf32>
    %swap3A_232 = vector.shape_cast %broadcast_in_dim3A_228 : vector<16xf32> to vector<16xf32>
    tpu.vector_store %arg6[%swap3A_229], %swap3A_232 {strides = array<i32>} : memref<640xf32, #tpu.memory_space<vmem>>, vector<16xf32>,
    %broadcast_in_dim3A_233 = arith.constant 0.000000e+00 : f32
    %broadcast_in_dim3A_234 = vector.broadcast %broadcast_in_dim3A_233 : f32 to vector<16xf32>
    %swap3A_235 = arith.constant 624 : index
    %swap3A_236 = tpu.vector_load %arg6[%swap3A_235] {strides = array<i32>} : memref<640xf32, #tpu.memory_space<vmem>>, vector<16xf32>,
    %swap3A_237 = vector.shape_cast %swap3A_236 : vector<16xf32> to vector<16xf32>
    %swap3A_238 = vector.shape_cast %broadcast_in_dim3A_234 : vector<16xf32> to vector<16xf32>
    tpu.vector_store %arg6[%swap3A_235], %swap3A_238 {strides = array<i32>} : memref<640xf32, #tpu.memory_space<vmem>>, vector<16xf32>,
    %broadcast_in_dim3A_239 = arith.constant 1.000000e+00 : f32
    %broadcast_in_dim3A_240 = vector.broadcast %broadcast_in_dim3A_239 : f32 to vector<16xf32>
    %swap3A_241 = arith.constant 0 : index
    %swap3A_242 = tpu.vector_load %arg5[%swap3A_241] {strides = array<i32>} : memref<128xf32, #tpu.memory_space<vmem>>, vector<16xf32>,
    %swap3A_243 = vector.shape_cast %swap3A_242 : vector<16xf32> to vector<16xf32>
    %swap3A_244 = vector.shape_cast %broadcast_in_dim3A_240 : vector<16xf32> to vector<16xf32>
    tpu.vector_store %arg5[%swap3A_241], %swap3A_244 {strides = array<i32>} : memref<128xf32, #tpu.memory_space<vmem>>, vector<16xf32>,
    %broadcast_in_dim3A_245 = arith.constant 1.000000e+00 : f32
    %broadcast_in_dim3A_246 = vector.broadcast %broadcast_in_dim3A_245 : f32 to vector<16xf32>
    %swap3A_247 = arith.constant 16 : index
    %swap3A_248 = tpu.vector_load %arg5[%swap3A_247] {strides = array<i32>} : memref<128xf32, #tpu.memory_space<vmem>>, vector<16xf32>,
    %swap3A_249 = vector.shape_cast %swap3A_248 : vector<16xf32> to vector<16xf32>
    %swap3A_250 = vector.shape_cast %broadcast_in_dim3A_246 : vector<16xf32> to vector<16xf32>
    tpu.vector_store %arg5[%swap3A_247], %swap3A_250 {strides = array<i32>} : memref<128xf32, #tpu.memory_space<vmem>>, vector<16xf32>,
    %broadcast_in_dim3A_251 = arith.constant 1.000000e+00 : f32
    %broadcast_in_dim3A_252 = vector.broadcast %broadcast_in_dim3A_251 : f32 to vector<16xf32>
    %swap3A_253 = arith.constant 32 : index
    %swap3A_254 = tpu.vector_load %arg5[%swap3A_253] {strides = array<i32>} : memref<128xf32, #tpu.memory_space<vmem>>, vector<16xf32>,
    %swap3A_255 = vector.shape_cast %swap3A_254 : vector<16xf32> to vector<16xf32>
    %swap3A_256 = vector.shape_cast %broadcast_in_dim3A_252 : vector<16xf32> to vector<16xf32>
    tpu.vector_store %arg5[%swap3A_253], %swap3A_256 {strides = array<i32>} : memref<128xf32, #tpu.memory_space<vmem>>, vector<16xf32>,
    %broadcast_in_dim3A_257 = arith.constant 1.000000e+00 : f32
    %broadcast_in_dim3A_258 = vector.broadcast %broadcast_in_dim3A_257 : f32 to vector<16xf32>
    %swap3A_259 = arith.constant 48 : index
    %swap3A_260 = tpu.vector_load %arg5[%swap3A_259] {strides = array<i32>} : memref<128xf32, #tpu.memory_space<vmem>>, vector<16xf32>,
    %swap3A_261 = vector.shape_cast %swap3A_260 : vector<16xf32> to vector<16xf32>
    %swap3A_262 = vector.shape_cast %broadcast_in_dim3A_258 : vector<16xf32> to vector<16xf32>
    tpu.vector_store %arg5[%swap3A_259], %swap3A_262 {strides = array<i32>} : memref<128xf32, #tpu.memory_space<vmem>>, vector<16xf32>,
    %broadcast_in_dim3A_263 = arith.constant 1.000000e+00 : f32
    %broadcast_in_dim3A_264 = vector.broadcast %broadcast_in_dim3A_263 : f32 to vector<16xf32>
    %swap3A_265 = arith.constant 64 : index
    %swap3A_266 = tpu.vector_load %arg5[%swap3A_265] {strides = array<i32>} : memref<128xf32, #tpu.memory_space<vmem>>, vector<16xf32>,
    %swap3A_267 = vector.shape_cast %swap3A_266 : vector<16xf32> to vector<16xf32>
    %swap3A_268 = vector.shape_cast %broadcast_in_dim3A_264 : vector<16xf32> to vector<16xf32>
    tpu.vector_store %arg5[%swap3A_265], %swap3A_268 {strides = array<i32>} : memref<128xf32, #tpu.memory_space<vmem>>, vector<16xf32>,
    %broadcast_in_dim3A_269 = arith.constant 1.000000e+00 : f32
    %broadcast_in_dim3A_270 = vector.broadcast %broadcast_in_dim3A_269 : f32 to vector<16xf32>
    %swap3A_271 = arith.constant 80 : index
    %swap3A_272 = tpu.vector_load %arg5[%swap3A_271] {strides = array<i32>} : memref<128xf32, #tpu.memory_space<vmem>>, vector<16xf32>,
    %swap3A_273 = vector.shape_cast %swap3A_272 : vector<16xf32> to vector<16xf32>
    %swap3A_274 = vector.shape_cast %broadcast_in_dim3A_270 : vector<16xf32> to vector<16xf32>
    tpu.vector_store %arg5[%swap3A_271], %swap3A_274 {strides = array<i32>} : memref<128xf32, #tpu.memory_space<vmem>>, vector<16xf32>,
    %broadcast_in_dim3A_275 = arith.constant 1.000000e+00 : f32
    %broadcast_in_dim3A_276 = vector.broadcast %broadcast_in_dim3A_275 : f32 to vector<16xf32>
    %swap3A_277 = arith.constant 96 : index
    %swap3A_278 = tpu.vector_load %arg5[%swap3A_277] {strides = array<i32>} : memref<128xf32, #tpu.memory_space<vmem>>, vector<16xf32>,
    %swap3A_279 = vector.shape_cast %swap3A_278 : vector<16xf32> to vector<16xf32>
    %swap3A_280 = vector.shape_cast %broadcast_in_dim3A_276 : vector<16xf32> to vector<16xf32>
    tpu.vector_store %arg5[%swap3A_277], %swap3A_280 {strides = array<i32>} : memref<128xf32, #tpu.memory_space<vmem>>, vector<16xf32>,
    %broadcast_in_dim3A_281 = arith.constant 1.000000e+00 : f32
    %broadcast_in_dim3A_282 = vector.broadcast %broadcast_in_dim3A_281 : f32 to vector<16xf32>
    %swap3A_283 = arith.constant 112 : index
    %swap3A_284 = tpu.vector_load %arg5[%swap3A_283] {strides = array<i32>} : memref<128xf32, #tpu.memory_space<vmem>>, vector<16xf32>,
    %swap3A_285 = vector.shape_cast %swap3A_284 : vector<16xf32> to vector<16xf32>
    %swap3A_286 = vector.shape_cast %broadcast_in_dim3A_282 : vector<16xf32> to vector<16xf32>
    tpu.vector_store %arg5[%swap3A_283], %swap3A_286 {strides = array<i32>} : memref<128xf32, #tpu.memory_space<vmem>>, vector<16xf32>,
    %mul3A_287 = arith.constant 640 : i32
    %mul3A_288 = arith.muli %arg1, %mul3A_287 : i32
    "tpu.region"() ({
      %run_scoped3A_298 = tpu.sem_alloc : memref<!tpu.dma_semaphore, #tpu.memory_space<semaphore_mem>>
      %dma_start3A = tpu.memref_slice %arg7[%mul3A_288] : memref<10240xf32, #tpu.memory_space<vmem_shared>> -> memref<640xf32, #tpu.memory_space<vmem_shared>>
      %dma_start3A_299 = tpu.memref_slice %arg7[%mul3A_288] : memref<10240xf32, #tpu.memory_space<vmem_shared>> -> memref<640xf32, #tpu.memory_space<vmem_shared>>
      tpu.enqueue_dma source(%arg6 : memref<640xf32, #tpu.memory_space<vmem>>) target(%dma_start3A_299 : memref<640xf32, #tpu.memory_space<vmem_shared>>) target_semaphore(%run_scoped3A_298 : memref<!tpu.dma_semaphore, #tpu.memory_space<semaphore_mem>>)
      %dma_wait3A = tpu.memref_slice %arg7[%mul3A_288] : memref<10240xf32, #tpu.memory_space<vmem_shared>> -> memref<640xf32, #tpu.memory_space<vmem_shared>>
      %dma_wait3A_300 = tpu.memref_slice %arg7[%mul3A_288] : memref<10240xf32, #tpu.memory_space<vmem_shared>> -> memref<640xf32, #tpu.memory_space<vmem_shared>>
      tpu.wait_dma2 semaphore(%run_scoped3A_298 : memref<!tpu.dma_semaphore, #tpu.memory_space<semaphore_mem>>) src(%arg6 : memref<640xf32, #tpu.memory_space<vmem>>) dst(%dma_wait3A_300 : memref<640xf32, #tpu.memory_space<vmem_shared>>)
      tpu.yield
    }) : () -> ()
    %barrier3A = arith.constant 0 : index
    tpu.barrier barrier_id(%barrier3A)
    %scan3A = arith.constant 0 : i32
    %scan3A_289 = arith.constant 4 : i32
    %scan3A_290 = arith.addi %scan3A, %scan3A_289 : i32
    %scan3A_291 = arith.constant 1 : i32
    scf.for %scan3A_298 = %scan3A to %scan3A_290 step %scan3A_291  : i32 {
      %mul3A_299 = arith.constant 1 : i32
      %mul3A_300 = arith.muli %scan3A_298, %mul3A_299 : i32
      %add3A_301 = arith.constant 0 : i32
      %add3A_302 = arith.addi %add3A_301, %mul3A_300 : i32
      "tpu.region"() ({
        %run_scoped3A_313 = tpu.sem_alloc : memref<!tpu.dma_semaphore, #tpu.memory_space<semaphore_mem>>
        %dma_start3A = arith.constant 0 : i32
        %dma_start3A_314 = arith.constant 0 : i32
        %dma_start3A_315 = tpu.memref_slice %arg2[%add3A, %add3A_302, %dma_start3A, %dma_start3A_314] : memref<32x4x40x128xi32, #tpu.memory_space<hbm>> -> memref<1x1x40x128xi32, #tpu.memory_space<hbm>>
        %dma_start3A_316 = tpu.memref_squeeze %dma_start3A_315 : memref<1x1x40x128xi32, #tpu.memory_space<hbm>> -> memref<40x128xi32, #tpu.memory_space<hbm>>
        %dma_start3A_317 = arith.constant 0 : i32
        %dma_start3A_318 = arith.constant 0 : i32
        %dma_start3A_319 = tpu.memref_slice %arg2[%add3A, %add3A_302, %dma_start3A_317, %dma_start3A_318] : memref<32x4x40x128xi32, #tpu.memory_space<hbm>> -> memref<1x1x40x128xi32, #tpu.memory_space<hbm>>
        %dma_start3A_320 = tpu.memref_squeeze %dma_start3A_319 : memref<1x1x40x128xi32, #tpu.memory_space<hbm>> -> memref<40x128xi32, #tpu.memory_space<hbm>>
        tpu.enqueue_dma source(%dma_start3A_320 : memref<40x128xi32, #tpu.memory_space<hbm>>) target(%arg4 : memref<40x128xi32, #tpu.memory_space<vmem>>) target_semaphore(%run_scoped3A_313 : memref<!tpu.dma_semaphore, #tpu.memory_space<semaphore_mem>>)
        %dma_wait3A = arith.constant 0 : i32
        %dma_wait3A_321 = arith.constant 0 : i32
        %dma_wait3A_322 = tpu.memref_slice %arg2[%add3A, %add3A_302, %dma_wait3A, %dma_wait3A_321] : memref<32x4x40x128xi32, #tpu.memory_space<hbm>> -> memref<1x1x40x128xi32, #tpu.memory_space<hbm>>
        %dma_wait3A_323 = tpu.memref_squeeze %dma_wait3A_322 : memref<1x1x40x128xi32, #tpu.memory_space<hbm>> -> memref<40x128xi32, #tpu.memory_space<hbm>>
        %dma_wait3A_324 = arith.constant 0 : i32
        %dma_wait3A_325 = arith.constant 0 : i32
        %dma_wait3A_326 = tpu.memref_slice %arg2[%add3A, %add3A_302, %dma_wait3A_324, %dma_wait3A_325] : memref<32x4x40x128xi32, #tpu.memory_space<hbm>> -> memref<1x1x40x128xi32, #tpu.memory_space<hbm>>
        %dma_wait3A_327 = tpu.memref_squeeze %dma_wait3A_326 : memref<1x1x40x128xi32, #tpu.memory_space<hbm>> -> memref<40x128xi32, #tpu.memory_space<hbm>>
        tpu.wait_dma2 semaphore(%run_scoped3A_313 : memref<!tpu.dma_semaphore, #tpu.memory_space<semaphore_mem>>) src(%dma_wait3A_327 : memref<40x128xi32, #tpu.memory_space<hbm>>) dst(%arg4 : memref<40x128xi32, #tpu.memory_space<vmem>>)
        tpu.yield
      }) : () -> ()
      %scan3A_303 = arith.constant 0 : i32
      %scan3A_304 = arith.constant 40 : i32
      %scan3A_305 = arith.addi %scan3A_303, %scan3A_304 : i32
      %scan3A_306 = arith.constant 1 : i32
      scf.for %scan3A_313 = %scan3A_303 to %scan3A_305 step %scan3A_306  : i32 {
        %mul3A_314 = arith.constant 1 : i32
        %mul3A_315 = arith.muli %scan3A_313, %mul3A_314 : i32
        %add3A_316 = arith.constant 0 : i32
        %add3A_317 = arith.addi %add3A_316, %mul3A_315 : i32
        %dma_start3A = arith.constant 0 : i32
        %dma_start3A_318 = tpu.memref_slice %arg4[%add3A_317, %dma_start3A] : memref<40x128xi32, #tpu.memory_space<vmem>> -> memref<1x128xi32, #tpu.memory_space<vmem>>
        %dma_start3A_319 = tpu.memref_squeeze %dma_start3A_318 : memref<1x128xi32, #tpu.memory_space<vmem>> -> memref<128xi32, #tpu.memory_space<vmem>>
        %dma_start3A_320 = arith.constant 0 : i32
        %dma_start3A_321 = tpu.memref_slice %arg7[%dma_start3A_320] : memref<10240xf32, #tpu.memory_space<vmem_shared>> -> memref<10240xf32, #tpu.memory_space<vmem_shared>>
        tpu.enqueue_indirect_dma source(%arg5 : memref<128xf32, #tpu.memory_space<vmem>>) target(%dma_start3A_321 : memref<10240xf32, #tpu.memory_space<vmem_shared>>) offsets(%dma_start3A_319 : memref<128xi32, #tpu.memory_space<vmem>>) semaphore(%arg8 : memref<!tpu.dma_semaphore, #tpu.memory_space<semaphore_mem>>) {add = true}
      }
      %scan3A_307 = arith.constant 40 : i32
      %scan3A_308 = arith.constant 0 : i32
      %scan3A_309 = arith.constant 40 : i32
      %scan3A_310 = arith.addi %scan3A_308, %scan3A_309 : i32
      %scan3A_311 = arith.constant 1 : i32
      scf.for %scan3A_313 = %scan3A_308 to %scan3A_310 step %scan3A_311  : i32 {
        %mul3A_314 = arith.constant 1 : i32
        %mul3A_315 = arith.muli %scan3A_313, %mul3A_314 : i32
        %add3A_316 = arith.constant 0 : i32
        %add3A_317 = arith.addi %add3A_316, %mul3A_315 : i32
        %dma_wait3A = arith.constant 0 : i32
        %dma_wait3A_318 = tpu.memref_slice %arg7[%dma_wait3A] : memref<10240xf32, #tpu.memory_space<vmem_shared>> -> memref<128xf32, #tpu.memory_space<vmem_shared>>
        %dma_wait3A_319 = arith.constant 0 : i32
        %dma_wait3A_320 = tpu.memref_slice %arg7[%dma_wait3A_319] : memref<10240xf32, #tpu.memory_space<vmem_shared>> -> memref<128xf32, #tpu.memory_space<vmem_shared>>
        tpu.wait_dma2 semaphore(%arg8 : memref<!tpu.dma_semaphore, #tpu.memory_space<semaphore_mem>>) src(%arg5 : memref<128xf32, #tpu.memory_space<vmem>>) dst(%dma_wait3A_320 : memref<128xf32, #tpu.memory_space<vmem_shared>>)
      }
      %scan3A_312 = arith.constant 40 : i32
    }
    %scan3A_292 = arith.constant 4 : i32
    %barrier3A_293 = arith.constant 0 : index
    tpu.barrier barrier_id(%barrier3A_293)
    %mul3A_294 = arith.constant 640 : i32
    %mul3A_295 = arith.muli %arg1, %mul3A_294 : i32
    %mul3A_296 = arith.constant 640 : i32
    %mul3A_297 = arith.muli %arg1, %mul3A_296 : i32
    %run_scoped3A = arith.constant 0 : i32
    "tpu.region"() ({
      %run_scoped3A_298 = tpu.sem_alloc : memref<!tpu.dma_semaphore, #tpu.memory_space<semaphore_mem>>
      %dma_start3A = tpu.memref_slice %arg3[%arg0, %run_scoped3A, %mul3A_297] : memref<2x1x10240xf32, #tpu.memory_space<hbm>> -> memref<1x1x640xf32, #tpu.memory_space<hbm>>
      %dma_start3A_299 = tpu.memref_squeeze %dma_start3A : memref<1x1x640xf32, #tpu.memory_space<hbm>> -> memref<640xf32, #tpu.memory_space<hbm>>
      %dma_start3A_300 = tpu.memref_slice %arg7[%mul3A_295] : memref<10240xf32, #tpu.memory_space<vmem_shared>> -> memref<640xf32, #tpu.memory_space<vmem_shared>>
      tpu.enqueue_dma source(%dma_start3A_300 : memref<640xf32, #tpu.memory_space<vmem_shared>>) target(%dma_start3A_299 : memref<640xf32, #tpu.memory_space<hbm>>) target_semaphore(%run_scoped3A_298 : memref<!tpu.dma_semaphore, #tpu.memory_space<semaphore_mem>>)
      %dma_wait3A = tpu.memref_slice %arg3[%arg0, %run_scoped3A, %mul3A_297] : memref<2x1x10240xf32, #tpu.memory_space<hbm>> -> memref<1x1x640xf32, #tpu.memory_space<hbm>>
      %dma_wait3A_301 = tpu.memref_squeeze %dma_wait3A : memref<1x1x640xf32, #tpu.memory_space<hbm>> -> memref<640xf32, #tpu.memory_space<hbm>>
      %dma_wait3A_302 = tpu.memref_slice %arg7[%mul3A_295] : memref<10240xf32, #tpu.memory_space<vmem_shared>> -> memref<640xf32, #tpu.memory_space<vmem_shared>>
      tpu.wait_dma2 semaphore(%run_scoped3A_298 : memref<!tpu.dma_semaphore, #tpu.memory_space<semaphore_mem>>) src(%dma_wait3A_302 : memref<640xf32, #tpu.memory_space<vmem_shared>>) dst(%dma_wait3A_301 : memref<640xf32, #tpu.memory_space<hbm>>)
      tpu.yield
    }) : () -> ()
    return
  }
}

module attributes {stable_mosaic.version = 14 : i64} {
  func.func @_mm_body(%arg0: i32, %arg1: memref<1000x128xf32, #tpu.memory_space<vmem>>, %arg2: memref<128x128xf32, #tpu.memory_space<vmem>>, %arg3: memref<1000x2xf32, #tpu.memory_space<vmem>>, %arg4: memref<1000x128xf32, #tpu.memory_space<vmem>>) attributes {dimension_semantics = [#tpu.dimension_semantics<arbitrary>], iteration_bounds = array<i64: 10>, scalar_prefetch = 0 : i64, scratch_operands = 0 : i64, tpu.core_type = #tpu.core_type<tc>, window_params = [{transform_indices = @transform_0, window_bounds = array<i64: 1000, 128>}, {pipeline_mode = #tpu.pipeline_mode<synchronous>, transform_indices = @transform_1, window_bounds = array<i64: 128, 128>}, {transform_indices = @transform_2, window_bounds = array<i64: 1000, 2>}, {transform_indices = @transform_3, window_bounds = array<i64: 1000, 128>}]} {
    %get3A = arith.constant 0 : index
    %get3A_0 = arith.constant 0 : index
    %get3A_1 = vector.load %arg3[%get3A, %get3A_0] : memref<1000x2xf32, #tpu.memory_space<vmem>>, vector<1000x1xf32>
    %get3A_2 = arith.constant 0 : index
    %get3A_3 = arith.constant 1 : index
    %get3A_4 = vector.load %arg3[%get3A_2, %get3A_3] : memref<1000x2xf32, #tpu.memory_space<vmem>>, vector<1000x1xf32>
    %add3A = arith.addf %get3A_1, %get3A_4 : vector<1000x1xf32>
    %add3A_5 = arith.constant 1.000000e+00 : f32
    %add3A_6 = vector.broadcast %add3A_5 : f32 to vector<1000x1xf32>
    %add3A_7 = arith.addf %add3A, %add3A_6 : vector<1000x1xf32>
    %rsqrt3A = math.rsqrt %add3A_7 : vector<1000x1xf32>
    %get3A_8 = arith.constant 0 : index
    %get3A_9 = arith.constant 0 : index
    %get3A_10 = vector.load %arg1[%get3A_8, %get3A_9] : memref<1000x128xf32, #tpu.memory_space<vmem>>, vector<1000x128xf32>
    %get3A_11 = arith.constant 0 : index
    %get3A_12 = arith.constant 0 : index
    %get3A_13 = vector.load %arg2[%get3A_11, %get3A_12] : memref<128x128xf32, #tpu.memory_space<vmem>>, vector<128x128xf32>
    %dot_general3A = arith.constant dense<0.000000e+00> : vector<1000x128xf32>
    %dot_general3A_14 = tpu.matmul %get3A_10, %get3A_13, %dot_general3A {dimension_numbers = #tpu.dot_dimension_numbers<[1], [1], [0], [0], [0, 0, 1, 0], [], []>, transpose_lhs_hint = false} : vector<1000x128xf32>, vector<128x128xf32>, vector<1000x128xf32> -> vector<1000x128xf32>
    %mul3A = vector.broadcast %rsqrt3A : vector<1000x1xf32> to vector<1000x128xf32>
    %mul3A_15 = arith.mulf %dot_general3A_14, %mul3A : vector<1000x128xf32>
    %swap3A = arith.constant 0 : index
    %swap3A_16 = arith.constant 0 : index
    %swap3A_17 = vector.load %arg4[%swap3A, %swap3A_16] : memref<1000x128xf32, #tpu.memory_space<vmem>>, vector<1000x128xf32>
    tpu.vector_store %arg4[%swap3A, %swap3A_16], %mul3A_15 {strides = array<i32>} : memref<1000x128xf32, #tpu.memory_space<vmem>>, vector<1000x128xf32>,
    return
  }
  func.func @transform_0(%arg0: i32) -> (i32, i32) {
    %c0_i32 = arith.constant 0 : i32
    %c0_i32_0 = arith.constant 0 : i32
    return %arg0, %c0_i32 : i32, i32
  }
  func.func @transform_1(%arg0: i32) -> (i32, i32) {
    %c0_i32 = arith.constant 0 : i32
    %c0_i32_0 = arith.constant 0 : i32
    %c0_i32_1 = arith.constant 0 : i32
    return %c0_i32, %c0_i32_0 : i32, i32
  }
  func.func @transform_2(%arg0: i32) -> (i32, i32) {
    %c0_i32 = arith.constant 0 : i32
    %c0_i32_0 = arith.constant 0 : i32
    return %arg0, %c0_i32 : i32, i32
  }
  func.func @transform_3(%arg0: i32) -> (i32, i32) {
    %c0_i32 = arith.constant 0 : i32
    %c0_i32_0 = arith.constant 0 : i32
    return %arg0, %c0_i32 : i32, i32
  }
}

module attributes {stable_mosaic.version = 14 : i64} {
  func.func @_fin_body(%arg0: i32, %arg1: memref<1x1000x128xf32, #tpu.memory_space<vmem>>, %arg2: memref<1x1000x128xf32, #tpu.memory_space<vmem>>, %arg3: memref<1000x128xf32, #tpu.memory_space<vmem>>, %arg4: memref<1000x2xf32, #tpu.memory_space<vmem>>, %arg5: memref<1x128xf32, #tpu.memory_space<vmem>>, %arg6: memref<1000x128xf32, #tpu.memory_space<vmem>>) attributes {dimension_semantics = [#tpu.dimension_semantics<arbitrary>], iteration_bounds = array<i64: 10>, scalar_prefetch = 0 : i64, scratch_operands = 0 : i64, tpu.core_type = #tpu.core_type<tc>, window_params = [{transform_indices = @transform_0, window_bounds = array<i64: 1, 1000, 128>}, {transform_indices = @transform_1, window_bounds = array<i64: 1, 1000, 128>}, {transform_indices = @transform_2, window_bounds = array<i64: 1000, 128>}, {transform_indices = @transform_3, window_bounds = array<i64: 1000, 2>}, {pipeline_mode = #tpu.pipeline_mode<synchronous>, transform_indices = @transform_4, window_bounds = array<i64: 1, 128>}, {transform_indices = @transform_5, window_bounds = array<i64: 1000, 128>}]} {
    %get3A = arith.constant 0 : index
    %get3A_0 = arith.constant 0 : index
    %get3A_1 = vector.load %arg4[%get3A, %get3A_0] : memref<1000x2xf32, #tpu.memory_space<vmem>>, vector<1000x1xf32>
    %get3A_2 = arith.constant 0 : index
    %get3A_3 = arith.constant 1 : index
    %get3A_4 = vector.load %arg4[%get3A_2, %get3A_3] : memref<1000x2xf32, #tpu.memory_space<vmem>>, vector<1000x1xf32>
    %add3A = arith.addf %get3A_1, %get3A_4 : vector<1000x1xf32>
    %add3A_5 = arith.constant 1.000000e+00 : f32
    %add3A_6 = vector.broadcast %add3A_5 : f32 to vector<1000x1xf32>
    %add3A_7 = arith.addf %add3A, %add3A_6 : vector<1000x1xf32>
    %rsqrt3A = math.rsqrt %add3A_7 : vector<1000x1xf32>
    %get3A_8 = arith.constant 0 : index
    %get3A_9 = arith.constant 0 : index
    %get3A_10 = arith.constant 0 : index
    %get3A_11 = vector.load %arg1[%get3A_8, %get3A_9, %get3A_10] : memref<1x1000x128xf32, #tpu.memory_space<vmem>>, vector<1x1000x128xf32>
    %get3A_12 = vector.shape_cast %get3A_11 : vector<1x1000x128xf32> to vector<1000x128xf32>
    %get3A_13 = arith.constant 0 : index
    %get3A_14 = arith.constant 0 : index
    %get3A_15 = arith.constant 0 : index
    %get3A_16 = vector.load %arg2[%get3A_13, %get3A_14, %get3A_15] : memref<1x1000x128xf32, #tpu.memory_space<vmem>>, vector<1x1000x128xf32>
    %get3A_17 = vector.shape_cast %get3A_16 : vector<1x1000x128xf32> to vector<1000x128xf32>
    %add3A_18 = arith.addf %get3A_12, %get3A_17 : vector<1000x128xf32>
    %get3A_19 = arith.constant 0 : index
    %get3A_20 = arith.constant 0 : index
    %get3A_21 = vector.load %arg3[%get3A_19, %get3A_20] : memref<1000x128xf32, #tpu.memory_space<vmem>>, vector<1000x128xf32>
    %add3A_22 = arith.addf %add3A_18, %get3A_21 : vector<1000x128xf32>
    %mul3A = vector.broadcast %rsqrt3A : vector<1000x1xf32> to vector<1000x128xf32>
    %mul3A_23 = arith.mulf %mul3A, %add3A_22 : vector<1000x128xf32>
    %get3A_24 = arith.constant 0 : index
    %get3A_25 = arith.constant 0 : index
    %get3A_26 = vector.load %arg5[%get3A_24, %get3A_25] : memref<1x128xf32, #tpu.memory_space<vmem>>, vector<1x128xf32>
    %add3A_27 = vector.broadcast %get3A_26 : vector<1x128xf32> to vector<1000x128xf32>
    %add3A_28 = arith.addf %mul3A_23, %add3A_27 : vector<1000x128xf32>
    %swap3A = arith.constant 0 : index
    %swap3A_29 = arith.constant 0 : index
    %swap3A_30 = vector.load %arg6[%swap3A, %swap3A_29] : memref<1000x128xf32, #tpu.memory_space<vmem>>, vector<1000x128xf32>
    tpu.vector_store %arg6[%swap3A, %swap3A_29], %add3A_28 {strides = array<i32>} : memref<1000x128xf32, #tpu.memory_space<vmem>>, vector<1000x128xf32>,
    return
  }
  func.func @transform_0(%arg0: i32) -> (i32, i32, i32) {
    %c0_i32 = arith.constant 0 : i32
    %c0_i32_0 = arith.constant 0 : i32
    %c0_i32_1 = arith.constant 0 : i32
    return %c0_i32, %arg0, %c0_i32_0 : i32, i32, i32
  }
  func.func @transform_1(%arg0: i32) -> (i32, i32, i32) {
    %c1_i32 = arith.constant 1 : i32
    %c0_i32 = arith.constant 0 : i32
    %c0_i32_0 = arith.constant 0 : i32
    return %c1_i32, %arg0, %c0_i32 : i32, i32, i32
  }
  func.func @transform_2(%arg0: i32) -> (i32, i32) {
    %c0_i32 = arith.constant 0 : i32
    %c0_i32_0 = arith.constant 0 : i32
    return %arg0, %c0_i32 : i32, i32
  }
  func.func @transform_3(%arg0: i32) -> (i32, i32) {
    %c0_i32 = arith.constant 0 : i32
    %c0_i32_0 = arith.constant 0 : i32
    return %arg0, %c0_i32 : i32, i32
  }
  func.func @transform_4(%arg0: i32) -> (i32, i32) {
    %c0_i32 = arith.constant 0 : i32
    %c0_i32_0 = arith.constant 0 : i32
    %c0_i32_1 = arith.constant 0 : i32
    return %c0_i32, %c0_i32_0 : i32, i32
  }
  func.func @transform_5(%arg0: i32) -> (i32, i32) {
    %c0_i32 = arith.constant 0 : i32
    %c0_i32_0 = arith.constant 0 : i32
    return %arg0, %c0_i32 : i32, i32
  }
}

</mosaic_0001>

<sc_bundles>
// kernel: kernel.6.cloned.1.call-start
scs
__scs_entry_jumppad:
0x0: {  	(pc) =	sbr.rel $0x88, $3  }
0x1: {  	(tag) =	ssettag $0x0;
	lr =	simm.s32 $0x1  }
0x2: {  	[smem:$0x3F9D] =	sst lr;
	_ =	strace $0xD0000000  }
0x3: {  	_ = 	snop  }
0x4: {  	_ = 	snop  }
0x5: {  	_ = 	snop  }
0x6: {  	_ = 	snop  }
0x7: {  	_ = 	snop  }
__scs_overlays_trampoline_lowered:
0x8: {  	[smem:$0x3FAC] =	sst s0  }
0x9: {  	[smem:$0x3FAD] =	sst s1  }
0xa: {  	[smem:$0x3FAE] =	sst s2  }
0xb: {  	[smem:$0x3FAF] =	sst s3  }
0xc: {  	[smem:$0x3FB0] =	sst s4  }
0xd: {  	[smem:$0x3FB1] =	sst s5  }
0xe: {  	[smem:$0x3FB2] =	sst s6  }
0xf: {  	[smem:$0x3FB3] =	sst s7  }
0x10: {  	[smem:$0x3FB4] =	sst s8  }
0x11: {  	[smem:$0x3FB5] =	sst s9;
	s0 =	simm.s32 @!p0 $0x0  }
0x12: {  	s1 =	sld [smem:$0x3F9B];
	s0 =	simm.s32 @p0 $0x1  }
0x13: {  	[smem:$0x3FB6] =	sst s0;
	s0 =	simm.s32 @!p1 $0x0  }
0x14: {  	s2 =	sld [smem:$0x3F9A];
	s0 =	simm.s32 @p1 $0x1  }
0x15: {  	[smem:$0x3FB7] =	sst s0;
	s0 =	simm.s32 @!p2 $0x0  }
0x16: {  	s3 =	sld [smem:$0x3FDB];
	s0 =	simm.s32 @p2 $0x1  }
0x17: {  	s4 =	simm.s32 $0x1BF5;
	[smem:$0x3FB9] =	sst s0  }
0x18: {  	s0 =	sld [smem:$0x3F9C];
	_ =	swait.ge [sflag:s4], $0x0  }
0x19: {  	s7 =	sld [smem:$0x3F9D]  }
0x1a: {  	s8 =	sadd.s32 $0xFFFFE003, lr  }
0x1b: {  	s9 =	sadd.s32 $0xFFFFFEF7, lr;
	s5 =	simm.s32 $0xFFFFFFFF;
	p2 =	slt.u32 s8, $0xFFFFF086  }
0x1c: {  	p1 =	slt.u32 s9, $0xF7A;
	s5 =	simm.s32 @!p2 $0x0  }
0x1d: {  	s5 =	simm.s32 @p1 $0x1;
	p0 =	seq.s32 s7, s2  }
0x1e: {  	s7 =	smul.u32 @!p0 $0xF7A, s2;
	p2 =	seq.s32 @!p0 s5, $0x0  }
0x1f: {  	s9 =	smul.u32 $0xF7A, s1;
	s8 =	simm.s32 @!p0 $0x1BF5;
	p2 =	por !p2, p0  }
0x20: {  	[sflag:s8] =	ssyncset.s32 @!p0 $0xFFFFF086;
	s6 =	sadd.s32 @!p0 s3, s7;
	s7 =	simm.s32 @!p0 $0x108  }
0x21: {  	s3 =	sadd.s32 s3, s9;
	s6 =	sadd.s32 @!p0 $0x88, s6;
	s7 =	simm.s32 @p2 $0x1082  }
0x22: {  	[simem:s7], [sflag:s8] =	dma.local @!p0 [hbm:s6], $0xF7A  }
0x23: {  	s9 =	sor.u32 $0xD0000000, s2;
	s6 =	simm.s32 $0x108;
	_ =	swait.ge @!p0 [sflag:s8], $0x0  }
0x24: {  	s3 =	sadd.s32 $0x88, s3;
	s6 =	simm.s32 @!p1 $0x1082;
	[sflag:s4] =	ssyncset.s32 $0xFFFFF086  }
0x25: {  	[simem:s6], [sflag:s4] =	dma.local [hbm:s3], $0xF7A  }
0x26: {  	[smem:$0x3F9D] =	sst s1;
	(tag) =	ssettag s2;
	_ =	strace s9  }
0x27: {  	s1 =	sld [smem:$0x3FAD]  }
0x28: {  	s2 =	sld [smem:$0x3FAE]  }
0x29: {  	s4 =	sld [smem:$0x3FB0]  }
0x2a: {  	p0 =	seq.s32 s5, $0x0;
	s5 =	sld [smem:$0x3FB1]  }
0x2b: {  	s6 =	sld [smem:$0x3FB2]  }
0x2c: {  	s7 =	sld [smem:$0x3FB3]  }
0x2d: {  	s3 =	simm.s32 $0x108;
	s8 =	sld [smem:$0x3FB4]  }
0x2e: {  	s3 =	simm.s32 @!p0 $0x1082;
	s9 =	sld [smem:$0x3FB5]  }
0x2f: {  	lr =	sadd.s32 s0, s3;
	s0 =	sld [smem:$0x3FAC]  }
0x30: {  	s3 =	sld [smem:$0x3FAF]  }
0x31: {  	[smem:$0x3FB8] =	sst s10  }
0x32: {  	s10 =	sld [smem:$0x3FB6];
	_ =	sdelay $0x3  }
0x33: {  	p0 =	seq.s32 s10, $0x1;
	s10 =	sld [smem:$0x3FB8];
	_ =	sdelay $0x3  }
0x34: {  	[smem:$0x3FB8] =	sst s10  }
0x35: {  	s10 =	sld [smem:$0x3FB7];
	_ =	sdelay $0x3  }
0x36: {  	p1 =	seq.s32 s10, $0x1;
	s10 =	sld [smem:$0x3FB8];
	_ =	sdelay $0x3  }
0x37: {  	[smem:$0x3FB8] =	sst s10  }
0x38: {  	s10 =	sld [smem:$0x3FB9]  }
0x39: {  	_ = 	snop;
	(pc) =	sbr.ind lr, $3  }
0x3a: {  	_ = 	snop  }
0x3b: {  	_ = 	snop  }
0x3c: {  	p2 =	seq.s32 s10, $0x1;
	s10 =	sld [smem:$0x3FB8]  }
0x3d: {  	_ =	shalt  }
0x3e: {  	_ =	shalt  }
0x3f: {  	_ =	shalt  }
0x40: {  	_ =	shalt  }
0x41: {  	_ =	shalt  }
0x42: {  	_ =	shalt  }
0x43: {  	_ =	shalt  }
0x44: {  	_ =	shalt  }
0x45: {  	_ =	shalt  }
0x46: {  	_ =	shalt  }
0x47: {  	_ =	shalt  }
0x48: {  	_ =	shalt  }
0x49: {  	_ =	shalt  }
0x4a: {  	_ =	shalt  }
0x4b: {  	_ =	shalt  }
0x4c: {  	_ =	shalt  }
0x4d: {  	_ =	shalt  }
0x4e: {  	_ =	shalt  }
0x4f: {  	_ =	shalt  }
0x50: {  	_ =	shalt  }
0x51: {  	_ =	shalt  }
0x52: {  	_ =	shalt  }
0x53: {  	_ =	shalt  }
0x54: {  	_ =	shalt  }
0x55: {  	_ =	shalt  }
0x56: {  	_ =	shalt  }
0x57: {  	_ =	shalt  }
0x58: {  	_ =	shalt  }
0x59: {  	_ =	shalt  }
0x5a: {  	_ =	shalt  }
0x5b: {  	_ =	shalt  }
0x5c: {  	_ =	shalt  }
0x5d: {  	_ =	shalt  }
0x5e: {  	_ =	shalt  }
0x5f: {  	_ =	shalt  }
0x60: {  	_ =	shalt  }
0x61: {  	_ =	shalt  }
0x62: {  	_ =	shalt  }
0x63: {  	_ =	shalt  }
0x64: {  	_ =	shalt  }
0x65: {  	_ =	shalt  }
0x66: {  	_ =	shalt  }
0x67: {  	_ =	shalt  }
0x68: {  	_ =	shalt  }
0x69: {  	_ =	shalt  }
0x6a: {  	_ =	shalt  }
0x6b: {  	_ =	shalt  }
0x6c: {  	_ =	shalt  }
0x6d: {  	_ =	shalt  }
0x6e: {  	_ =	shalt  }
0x6f: {  	_ =	shalt  }
0x70: {  	_ =	shalt  }
0x71: {  	_ =	shalt  }
0x72: {  	_ =	shalt  }
0x73: {  	_ =	shalt  }
0x74: {  	_ =	shalt  }
0x75: {  	_ =	shalt  }
0x76: {  	_ =	shalt  }
0x77: {  	_ =	shalt  }
0x78: {  	_ =	shalt  }
0x79: {  	_ =	shalt  }
0x7a: {  	_ =	shalt  }
0x7b: {  	_ =	shalt  }
0x7c: {  	_ =	shalt  }
0x7d: {  	_ =	shalt  }
0x7e: {  	_ =	shalt  }
0x7f: {  	_ =	shalt  }
0x80: {  	_ =	shalt  }
0x81: {  	_ =	shalt  }
0x82: {  	_ =	shalt  }
0x83: {  	_ =	shalt  }
0x84: {  	_ =	shalt  }
0x85: {  	_ =	shalt  }
0x86: {  	_ =	shalt  }
0x87: {  	_ =	shalt  }
.Lfunc_end0:
.L_simem_size_0:
called_computation_lowered:
.L_overlay_start_0:
0x88: {  	s2 =	sld [smem:$0x3FD9]  }
0x89: {  	s3 =	sld [smem:$0x3FFE];
	_ =	sdelay $0x1  }
0x8a: {  	s1 =	srdreg.scid  }
0x8b: {  	s0 =	sand.u32 $0x1, s1  }
0x8c: {  	s17 =	sshll.u32 s0, $0xA;
	s2 =	sadd.s32 s3, s2  }
0x8d: {  	s2 =	sadd.s32 s2, s17  }
0x8e: {  	[smem:$0x3FC4] =	sst s2  }
0x8f: {  	_ = 	snop  }
0x90: {  	s2 =	sld [smem:$0x3FD0];
	(tm) =	ssettm $0x1  }
0x91: {  	s18 =	sld [smem:$0x3FFB];
	_ =	sdelay $0x3  }
0x92: {  	_ =	strace s18  }
0x93: {  	s3 =	sld [smem:$0x3FFC];
	_ =	sdelay $0x3  }
0x94: {  	_ =	strace s3  }
0x95: {  	s3 =	sld [smem:$0x3FFD];
	_ =	sdelay $0x3  }
0x96: {  	_ =	strace s3  }
0x97: {  	_ =	strace $0x8FFFFFFF  }
0x98: {  	s19 =	sld [smem:$0x3FDB];
	_ =	sdelay $0x1  }
0x99: {  	s4 =	simm.s32 $_scs_section_size  }
0x9a: {  	s5 =	simm.s32 $_size__tile_overlayer_lowered;
	s6 =	simm.s32 $_tile_overlayer_lowered  }
0x9b: {  	s22 =	simm.s32 $0x1BFF;
	s21 =	sshll.u32 s6, $0x1;
	s3 =	sadd.s32 s4, s19  }
0x9c: {  	s7 =	simm.s32 $0x0;
	s20 =	sshll.u32 s5, $0x1;
	s5 =	sadd.s32 s21, s3  }
0x9d: {  	[timem:s7], [sflag:s22] =	dma.local [hbm:s5], s20  }
0x9e: {  	_ =	swait.ge [sflag:s22], s20  }
0x9f: {  	s4 =	ssub.s32 $0x0, s20;
	[sflag:s22] =	ssyncset.done $0x0  }
0xa0: {  	[sflag:s22] =	ssyncadd.s32 s4;
	_ =	sdelay $0x1  }
0xa1: {  	s23 =	simm.s32 $0x1B8B  }
0xa2: {  	_ =	swait.ge [sflag:s23], $0x1  }
0xa3: {  	[sflag:s23] =	ssyncset.done $0x0  }
0xa4: {  	s25 =	simm.s32 $0x1B8E;
	s24 =	sld [smem:$0x3FFE];
	[sflag:s23] =	ssyncadd.s32 $0xFFFFFFFF  }
0xa5: {  	s26 =	simm.s32 $execute0_lowered;
	[smem:$0x3FD2] =	sst s25  }
0xa6: {  	s5 =	sshll.u32 s26, $0x1;
	_ =	strace $0x80000046;
	[dreg:$0x1] =	wrdreg $0xFFFFFFFF  }
0xa7: {  	s28 =	simm.s32 $_size_execute0_lowered;
	s3 =	sadd.s32 s3, s5;
	[dreg:$0x0] =	wrdreg $0x0  }
0xa8: {  	s5 =	sshll.u32 s28, $0x1;
	[dreg:$0x2] =	wrdreg s3  }
0xa9: {  	[dreg:$0x3] =	wrdreg s5  }
0xaa: {  	[dreg:$0x4] =	wrdreg $0xC0  }
0xab: {  	_ =	task [dreg:s7], $0x5FFFF  }
0xac: {  	[dreg:$0x1] =	wrdreg $0xFFFFFFFF  }
0xad: {  	[dreg:$0x0] =	wrdreg $0x60  }
0xae: {  	[dreg:$0x2] =	wrdreg s2  }
0xaf: {  	[dreg:$0x3] =	wrdreg s24  }
0xb0: {  	[dreg:$0x4] =	wrdreg $0x17000  }
0xb1: {  	[dreg:$0x5] =	wrdreg $0x9  }
0xb2: {  	_ =	task.clear_ibuf [dreg:s7], $0x6FFFF;
	_ =	strace $0x90000046  }
0xb3: {  	s29 =	simm.s32 $0x9;
	_ =	strace $0x80000048  }
0xb4: {  	_ =	swait.ge [sflag:s29], $0x1  }
0xb5: {  	[sflag:s29] =	ssyncadd.s32 $0xFFFFFFFF  }
0xb6: {  	_ =	strace $0x90000048  }
0xb7: {  	_ =	sfence  }
0xb8: {  	s30 =	sld [smem:$0x0];
	_ =	sdelay $0x2  }
0xb9: {  	s31 =	sshll.u32 s1, $0xD;
	s1 =	sshrl.u32 s1, $0x2  }
0xba: {  	s3 =	sand.u32 $0x4000, s31;
	s1 =	sadd.s32 s1, s30  }
0xbb: {  	s0 =	sor.u32 s3, s0;
	s1 =	sshll.u32 s1, $0x11  }
0xbc: {  	s0 =	sor.u32 s1, s0  }
0xbd: {  	s0 =	sadd.s32 $0x8F2B, s0  }
0xbe: {  	[sflag:s0] =	ssyncadd.remote.s32 $0x1  }
0xbf: {  	_ =	sfence.sel $0xFFFF  }
0xc0: {  	[dreg:$0x0] =	wrdreg $0xFFFFFFFF;
	(pc) =	sbr.abs _section_cstart, $3  }
0xc1: {  	[dreg:$0x1] =	wrdreg $0xFFFFFFFF  }
0xc2: {  	_ =	task.clear_ibuf [dreg:s7], $0x2FFFF;
	_ =	strace $0x9FFFFFFF  }
0xc3: {  	(tm) =	ssettm $0x7FFFFFFF  }
tec
execute0_lowered:
.L_overlay_start_1:
0x0: {  	(tag) =	ssettag $0x1  }
0x1: {  	s0 =	rddreg [dreg:$0x1]  }
0x2: {  	s1 =	srdreg.scid;
	s8 =	stileid.u32  }
0x3: {  	s3 =	rddreg [dreg:$0x2];
	s4 =	simm.s32 $0x0;
	s10 =	simm.s32 $0x2  }
0x4: {  	s11 =	simm.s32 $0x80;
	s12 =	simm.s32 $0x1400;
	s31 =	simm.s32 $0x980  }
0x5: {  	s9 =	simm.s32 $0xB00;
	s13 =	simm.s32 $0xD80;
	s14 =	simm.s32 $0xE00  }
0x6: {  	s15 =	simm.s32 $0xE80;
	s16 =	simm.s32 $0xF00;
	s17 =	simm.s32 $0xF80  }
0x7: {  	s18 =	simm.s32 $0x1000;
	s19 =	simm.s32 $0x1080;
	s20 =	simm.s32 $0x1100  }
0x8: {  	s21 =	simm.s32 $0x1180;
	s22 =	simm.s32 $0x1200;
	s23 =	simm.s32 $0x1280  }
0x9: {  	s24 =	simm.s32 $0x1300;
	s25 =	simm.s32 $0x1380;
	s29 =	simm.s32 $0x0  }
0xa: {  	s1 =	sand.u32 $0x1, s1;
	s2 =	smul.u32 $0x280, s8;
	[smem:$0x7FF] =	sst s4  }
0xb: {  	s5 =	smul.u32 $0x2800, s1;
	s6 =	ssub.s32 $0x2, s1;
	s1 =	sshll.u32 s1, $0x4  }
0xc: {  	_ =	strace $0x80000047;
	s7 =	sshrl.u32 s6, $0x1;
	s1 =	sor.u32 s8, s1  }
0xd: {  	s30 =	sadd.s32 s2, s3;
	s8 =	simm.s32 $0xC00;
	s5 =	sadd.s32 s2, s5  }
0xe: {  	s26 =	ssub.s32 s6, s7;
	s6 =	smul.u32 $0x5000, s1;
	s2 =	simm.s32 $0xA00  }
0xf: {  	s7 =	simm.s32 $0xB80;
	s1 =	simm.s32 $0xD00;
	s5 =	sshrl.u32 s5, $0x3  }
0x10: {  	[dreg:$0x4] =	wrdreg s30;
	s28 =	smax.u32 s26, $0x1;
	s0 =	sadd.s32 s5, s0  }
0x11: {  	s26 =	simm.s32 $0x1;
	[dreg:$0x6] =	wrdreg s28;
	s0 =	sadd.s32 $0x1800, s0  }
0x12: {  	v0 =	vimm.f32 $0.0e+00;
	v1 =	vimm.f32 $1.000000000e+00;
	s5 =	simm.s32 $0xC80;
	[dreg:$0x5] =	wrdreg s0;
	s0 =	simm.s32 $0xA80  }
.LBB2_1:
0x13: {  	[tilespmem:$0x1480] =	vst v0  }
0x14: {  	[tilespmem:$0x1490] =	vst v0  }
0x15: {  	[tilespmem:$0x14A0] =	vst v0  }
0x16: {  	[tilespmem:$0x14B0] =	vst v0  }
0x17: {  	[tilespmem:$0x14C0] =	vst v0  }
0x18: {  	[tilespmem:$0x14D0] =	vst v0  }
0x19: {  	[tilespmem:$0x14E0] =	vst v0  }
0x1a: {  	[tilespmem:$0x14F0] =	vst v0  }
0x1b: {  	[tilespmem:$0x1500] =	vst v0  }
0x1c: {  	[tilespmem:$0x1510] =	vst v0  }
0x1d: {  	[tilespmem:$0x1520] =	vst v0  }
0x1e: {  	[tilespmem:$0x1530] =	vst v0  }
0x1f: {  	[tilespmem:$0x1540] =	vst v0  }
0x20: {  	[tilespmem:$0x1550] =	vst v0  }
0x21: {  	[tilespmem:$0x1560] =	vst v0  }
0x22: {  	[tilespmem:$0x1570] =	vst v0  }
0x23: {  	[tilespmem:$0x1580] =	vst v0  }
0x24: {  	[tilespmem:$0x1590] =	vst v0  }
0x25: {  	[tilespmem:$0x15A0] =	vst v0  }
0x26: {  	[tilespmem:$0x15B0] =	vst v0  }
0x27: {  	[tilespmem:$0x15C0] =	vst v0  }
0x28: {  	[tilespmem:$0x15D0] =	vst v0  }
0x29: {  	[tilespmem:$0x15E0] =	vst v0  }
0x2a: {  	[tilespmem:$0x15F0] =	vst v0  }
0x2b: {  	[tilespmem:$0x1600] =	vst v0  }
0x2c: {  	[tilespmem:$0x1610] =	vst v0  }
0x2d: {  	[tilespmem:$0x1620] =	vst v0  }
0x2e: {  	[tilespmem:$0x1630] =	vst v0  }
0x2f: {  	[tilespmem:$0x1640] =	vst v0  }
0x30: {  	[tilespmem:$0x1650] =	vst v0  }
0x31: {  	[tilespmem:$0x1660] =	vst v0  }
0x32: {  	[tilespmem:$0x1670] =	vst v0  }
0x33: {  	[tilespmem:$0x1680] =	vst v0  }
0x34: {  	[tilespmem:$0x1690] =	vst v0  }
0x35: {  	[tilespmem:$0x16A0] =	vst v0  }
0x36: {  	[tilespmem:$0x16B0] =	vst v0  }
0x37: {  	[tilespmem:$0x16C0] =	vst v0  }
0x38: {  	[tilespmem:$0x16D0] =	vst v0  }
0x39: {  	[tilespmem:$0x16E0] =	vst v0  }
0x3a: {  	[tilespmem:$0x16F0] =	vst v0  }
0x3b: {  	[tilespmem:$0x1400] =	vst v1  }
0x3c: {  	[tilespmem:$0x1410] =	vst v1  }
0x3d: {  	[tilespmem:$0x1420] =	vst v1  }
0x3e: {  	[tilespmem:$0x1430] =	vst v1  }
0x3f: {  	[tilespmem:$0x1440] =	vst v1  }
0x40: {  	[tilespmem:$0x1450] =	vst v1  }
0x41: {  	[tilespmem:$0x1460] =	vst v1  }
0x42: {  	[dreg:$0x7] =	wrdreg s29;
	[tilespmem:$0x1470] =	vst v1;
	s28 =	simm.s32 $0x1480  }
0x43: {  	[spmem:s30] =	stream.linear.scatter [tilespmem:s28], [sflag:$0x2], $0x280, $0x38;
	[tilespmem:$0x1980] =	vst v63  }
0x44: {  	_ =	swait.ge [sflag:s10], $0x280  }
0x45: {  	[sflag:s10] =	ssyncset.done $0x0  }
0x46: {  	[sflag:s10] =	ssyncadd.s32 $0xFFFFFD80  }
0x47: {  	s28 =	simm.s32 $0x0;
	[bflag:$0x0] =	sbarrier.arrive $0xFFFF  }
.LBB2_2:
0x48: {  	s29 =	smul.u32 $0x1400, s28;
	_ =	sdelay $0x1  }
0x49: {  	s29 =	sadd.s32 s6, s29  }
0x4a: {  	s30 =	rddreg [dreg:$0x0];
	s29 =	sshrl.u32 s29, $0x3  }
0x4b: {  	s29 =	sadd.s32 s30, s29  }
0x4c: {  	[tilespmem:s4], [sflag:$0x2] =	stream.linear.gather [hbm4b:s29+s4], $0x1400, $0x38;
	[tilespmem:$0x1980] =	vst v63  }
0x4d: {  	_ =	swait.ge [sflag:s10], $0x1400  }
0x4e: {  	[sflag:s10] =	ssyncset.done $0x0  }
0x4f: {  	[sflag:s10] =	ssyncadd.s32 $0xFFFFEC00  }
0x50: {  	[spmem:s3] =	stream.indirect.scatter.add.f32 [tilespmem:s12], [sflag:$0x1], $0x1, s4, s11, $0xb8;
	[tilespmem:$0x1980] =	vst v63  }
0x51: {  	_ = 	snop  }
0x52: {  	[spmem:s3] =	stream.indirect.scatter.add.f32 [tilespmem:s12], [sflag:$0x1], $0x1, s11, s11, $0xb8;
	[tilespmem:$0x1980] =	vst v63  }
0x53: {  	s29 =	simm.s32 $0x100  }
0x54: {  	[spmem:s3] =	stream.indirect.scatter.add.f32 [tilespmem:s12], [sflag:$0x1], $0x1, s29, s11, $0xb8;
	[tilespmem:$0x1980] =	vst v63  }
0x55: {  	s29 =	simm.s32 $0x180  }
0x56: {  	[spmem:s3] =	stream.indirect.scatter.add.f32 [tilespmem:s12], [sflag:$0x1], $0x1, s29, s11, $0xb8;
	[tilespmem:$0x1980] =	vst v63  }
0x57: {  	s29 =	simm.s32 $0x200  }
0x58: {  	[spmem:s3] =	stream.indirect.scatter.add.f32 [tilespmem:s12], [sflag:$0x1], $0x1, s29, s11, $0xb8;
	[tilespmem:$0x1980] =	vst v63  }
0x59: {  	s29 =	simm.s32 $0x280  }
0x5a: {  	[spmem:s3] =	stream.indirect.scatter.add.f32 [tilespmem:s12], [sflag:$0x1], $0x1, s29, s11, $0xb8;
	[tilespmem:$0x1980] =	vst v63  }
0x5b: {  	s29 =	simm.s32 $0x300  }
0x5c: {  	[spmem:s3] =	stream.indirect.scatter.add.f32 [tilespmem:s12], [sflag:$0x1], $0x1, s29, s11, $0xb8;
	[tilespmem:$0x1980] =	vst v63  }
0x5d: {  	s29 =	simm.s32 $0x380  }
0x5e: {  	[spmem:s3] =	stream.indirect.scatter.add.f32 [tilespmem:s12], [sflag:$0x1], $0x1, s29, s11, $0xb8;
	[tilespmem:$0x1980] =	vst v63  }
0x5f: {  	s29 =	simm.s32 $0x400  }
0x60: {  	[spmem:s3] =	stream.indirect.scatter.add.f32 [tilespmem:s12], [sflag:$0x1], $0x1, s29, s11, $0xb8;
	[tilespmem:$0x1980] =	vst v63  }
0x61: {  	s29 =	simm.s32 $0x480  }
0x62: {  	[spmem:s3] =	stream.indirect.scatter.add.f32 [tilespmem:s12], [sflag:$0x1], $0x1, s29, s11, $0xb8;
	[tilespmem:$0x1980] =	vst v63  }
0x63: {  	s29 =	simm.s32 $0x500  }
0x64: {  	[spmem:s3] =	stream.indirect.scatter.add.f32 [tilespmem:s12], [sflag:$0x1], $0x1, s29, s11, $0xb8;
	[tilespmem:$0x1980] =	vst v63  }
0x65: {  	s29 =	simm.s32 $0x580  }
0x66: {  	[spmem:s3] =	stream.indirect.scatter.add.f32 [tilespmem:s12], [sflag:$0x1], $0x1, s29, s11, $0xb8;
	[tilespmem:$0x1980] =	vst v63  }
0x67: {  	s29 =	simm.s32 $0x600  }
0x68: {  	[spmem:s3] =	stream.indirect.scatter.add.f32 [tilespmem:s12], [sflag:$0x1], $0x1, s29, s11, $0xb8;
	[tilespmem:$0x1980] =	vst v63  }
0x69: {  	s29 =	simm.s32 $0x680  }
0x6a: {  	[spmem:s3] =	stream.indirect.scatter.add.f32 [tilespmem:s12], [sflag:$0x1], $0x1, s29, s11, $0xb8;
	[tilespmem:$0x1980] =	vst v63  }
0x6b: {  	s29 =	simm.s32 $0x700  }
0x6c: {  	[spmem:s3] =	stream.indirect.scatter.add.f32 [tilespmem:s12], [sflag:$0x1], $0x1, s29, s11, $0xb8;
	[tilespmem:$0x1980] =	vst v63  }
0x6d: {  	s29 =	simm.s32 $0x780  }
0x6e: {  	[spmem:s3] =	stream.indirect.scatter.add.f32 [tilespmem:s12], [sflag:$0x1], $0x1, s29, s11, $0xb8;
	[tilespmem:$0x1980] =	vst v63  }
0x6f: {  	s29 =	simm.s32 $0x800  }
0x70: {  	[spmem:s3] =	stream.indirect.scatter.add.f32 [tilespmem:s12], [sflag:$0x1], $0x1, s29, s11, $0xb8;
	[tilespmem:$0x1980] =	vst v63  }
0x71: {  	s29 =	simm.s32 $0x880  }
0x72: {  	[spmem:s3] =	stream.indirect.scatter.add.f32 [tilespmem:s12], [sflag:$0x1], $0x1, s29, s11, $0xb8;
	[tilespmem:$0x1980] =	vst v63  }
0x73: {  	s29 =	simm.s32 $0x900  }
0x74: {  	[spmem:s3] =	stream.indirect.scatter.add.f32 [tilespmem:s12], [sflag:$0x1], $0x1, s29, s11, $0xb8;
	[tilespmem:$0x1980] =	vst v63  }
0x75: {  	_ = 	snop  }
0x76: {  	[spmem:s3] =	stream.indirect.scatter.add.f32 [tilespmem:s12], [sflag:$0x1], $0x1, s31, s11, $0xb8;
	[tilespmem:$0x1980] =	vst v63  }
0x77: {  	_ = 	snop  }
0x78: {  	[spmem:s3] =	stream.indirect.scatter.add.f32 [tilespmem:s12], [sflag:$0x1], $0x1, s2, s11, $0xb8;
	[tilespmem:$0x1980] =	vst v63  }
0x79: {  	_ = 	snop  }
0x7a: {  	[spmem:s3] =	stream.indirect.scatter.add.f32 [tilespmem:s12], [sflag:$0x1], $0x1, s0, s11, $0xb8;
	[tilespmem:$0x1980] =	vst v63  }
0x7b: {  	_ = 	snop  }
0x7c: {  	[spmem:s3] =	stream.indirect.scatter.add.f32 [tilespmem:s12], [sflag:$0x1], $0x1, s9, s11, $0xb8;
	[tilespmem:$0x1980] =	vst v63  }
0x7d: {  	_ = 	snop  }
0x7e: {  	[spmem:s3] =	stream.indirect.scatter.add.f32 [tilespmem:s12], [sflag:$0x1], $0x1, s7, s11, $0xb8;
	[tilespmem:$0x1980] =	vst v63  }
0x7f: {  	_ = 	snop  }
0x80: {  	[spmem:s3] =	stream.indirect.scatter.add.f32 [tilespmem:s12], [sflag:$0x1], $0x1, s8, s11, $0xb8;
	[tilespmem:$0x1980] =	vst v63  }
0x81: {  	_ = 	snop  }
0x82: {  	[spmem:s3] =	stream.indirect.scatter.add.f32 [tilespmem:s12], [sflag:$0x1], $0x1, s5, s11, $0xb8;
	[tilespmem:$0x1980] =	vst v63  }
0x83: {  	_ = 	snop  }
0x84: {  	[spmem:s3] =	stream.indirect.scatter.add.f32 [tilespmem:s12], [sflag:$0x1], $0x1, s1, s11, $0xb8;
	[tilespmem:$0x1980] =	vst v63  }
0x85: {  	_ = 	snop  }
0x86: {  	[spmem:s3] =	stream.indirect.scatter.add.f32 [tilespmem:s12], [sflag:$0x1], $0x1, s13, s11, $0xb8;
	[tilespmem:$0x1980] =	vst v63  }
0x87: {  	_ = 	snop  }
0x88: {  	[spmem:s3] =	stream.indirect.scatter.add.f32 [tilespmem:s12], [sflag:$0x1], $0x1, s14, s11, $0xb8;
	[tilespmem:$0x1980] =	vst v63  }
0x89: {  	_ = 	snop  }
0x8a: {  	[spmem:s3] =	stream.indirect.scatter.add.f32 [tilespmem:s12], [sflag:$0x1], $0x1, s15, s11, $0xb8;
	[tilespmem:$0x1980] =	vst v63  }
0x8b: {  	_ = 	snop  }
0x8c: {  	[spmem:s3] =	stream.indirect.scatter.add.f32 [tilespmem:s12], [sflag:$0x1], $0x1, s16, s11, $0xb8;
	[tilespmem:$0x1980] =	vst v63  }
0x8d: {  	_ = 	snop  }
0x8e: {  	[spmem:s3] =	stream.indirect.scatter.add.f32 [tilespmem:s12], [sflag:$0x1], $0x1, s17, s11, $0xb8;
	[tilespmem:$0x1980] =	vst v63  }
0x8f: {  	_ = 	snop  }
0x90: {  	[spmem:s3] =	stream.indirect.scatter.add.f32 [tilespmem:s12], [sflag:$0x1], $0x1, s18, s11, $0xb8;
	[tilespmem:$0x1980] =	vst v63  }
0x91: {  	_ = 	snop  }
0x92: {  	[spmem:s3] =	stream.indirect.scatter.add.f32 [tilespmem:s12], [sflag:$0x1], $0x1, s19, s11, $0xb8;
	[tilespmem:$0x1980] =	vst v63  }
0x93: {  	_ = 	snop  }
0x94: {  	[spmem:s3] =	stream.indirect.scatter.add.f32 [tilespmem:s12], [sflag:$0x1], $0x1, s20, s11, $0xb8;
	[tilespmem:$0x1980] =	vst v63  }
0x95: {  	_ = 	snop  }
0x96: {  	[spmem:s3] =	stream.indirect.scatter.add.f32 [tilespmem:s12], [sflag:$0x1], $0x1, s21, s11, $0xb8;
	[tilespmem:$0x1980] =	vst v63  }
0x97: {  	_ = 	snop  }
0x98: {  	[spmem:s3] =	stream.indirect.scatter.add.f32 [tilespmem:s12], [sflag:$0x1], $0x1, s22, s11, $0xb8;
	[tilespmem:$0x1980] =	vst v63  }
0x99: {  	_ = 	snop  }
0x9a: {  	[spmem:s3] =	stream.indirect.scatter.add.f32 [tilespmem:s12], [sflag:$0x1], $0x1, s23, s11, $0xb8;
	[tilespmem:$0x1980] =	vst v63  }
0x9b: {  	_ = 	snop  }
0x9c: {  	[spmem:s3] =	stream.indirect.scatter.add.f32 [tilespmem:s12], [sflag:$0x1], $0x1, s24, s11, $0xb8;
	[tilespmem:$0x1980] =	vst v63  }
0x9d: {  	_ = 	snop  }
0x9e: {  	[spmem:s3] =	stream.indirect.scatter.add.f32 [tilespmem:s12], [sflag:$0x1], $0x1, s25, s11, $0xb8;
	[tilespmem:$0x1980] =	vst v63  }
0x9f: {  	_ =	swait.ge [sflag:s26], $0x80  }
0xa0: {  	s29 =	simm.s32 $0x27;
	[sflag:s26] =	ssyncset.done $0x0  }
.LBB2_3:
0xa1: {  	p0 =	sne.s32 s29, $0x1;
	s29 =	sadd.s32 $0xFFFFFFFF, s29;
	[sflag:s26] =	ssyncadd.s32 $0xFFFFFF80  }
.Ltmp0:
0xa2: {  	(pc) =	sbr.rel @p0 .LBB2_3-.Ltmp0, $3  }
0xa3: {  	_ =	sdelay $0x1  }
0xa4: {  	_ =	swait.ge [sflag:s26], $0x80  }
0xa5: {  	[sflag:s26] =	ssyncset.done $0x0  }
0xa6: {  	s28 =	sadd.s32 $0x1, s28  }
0xa7: {  	p0 =	sne.s32 s28, $0x4  }
.Ltmp1:
0xa8: {  	_ = 	snop;
	(pc) =	sbr.rel @p0 .LBB2_2-.Ltmp1, $2  }
0xa9: {  	_ =	sdelay $0x2  }
0xaa: {  	[sflag:s26] =	ssyncadd.s32 $0xFFFFFF80  }
0xab: {  	s28 =	stileid.u32;
	[bflag:$0x0] =	sbarrier.arrive $0xFFFF  }
0xac: {  	s28 =	sshll.u32 s28, $0x6;
	s31 =	rddreg [dreg:$0x4]  }
0xad: {  	s30 =	rddreg [dreg:$0x5];
	s28 =	sor.u32 $0x1C02, s28;
	s29 =	sshrl.u32 s31, $0x3  }
0xae: {  	[hbm:s30], [sflag:s28] =	dma.local [spmem:s29], $0x50  }
0xaf: {  	_ =	swait.ge [sflag:s10], $0x50  }
0xb0: {  	s29 =	rddreg [dreg:$0x7]  }
0xb1: {  	s28 =	rddreg [dreg:$0x6];
	s29 =	sadd.s32 $0x1, s29  }
0xb2: {  	p0 =	sne.s32 s29, s28  }
.Ltmp2:
0xb3: {  	_ = 	snop;
	(pc) =	sbr.rel @p0 .LBB2_1-.Ltmp2, $3  }
0xb4: {  	_ =	sdelay $0x1  }
0xb5: {  	[sflag:s10] =	ssyncset.done $0x0  }
0xb6: {  	s30 =	smov.u32 s31;
	s31 =	simm.s32 $0x980;
	[sflag:s10] =	ssyncadd.s32 $0xFFFFFFB0  }
0xb7: {  	_ =	sfence.sel $0x180000  }
0xb8: {  	[bflag:$0x0] =	sbarrier.arrive $0xFFFF  }
0xb9: {  	_ =	strace $0x90000047  }
0xba: {  	s0 =	stileid.u32;
	[bflag:$0x2] =	sbarrier.arrive $0xFFFF  }
0xbb: {  	p0 =	sne.s32 s0, $0x0;
	s0 =	rddreg [dreg:$0x3]  }
0xbc: {  	s0 =	sadd.s32 @!p0 $0x100000, s0  }
0xbd: {  	[sflag:s0] =	ssyncadd.tile.s32 @!p0 $0x1;
	_ =	shalt  }
.Lfunc_end2:
_tile_overlayer_lowered:
.L_overlay_start_2:
0xbe: {  	(tag) =	ssettag $0x2  }
0xbf: {  	s0 =	rddreg [dreg:$0x0];
	s2 =	stileid.u32  }
0xc0: {  	s1 =	rddreg [dreg:$0x1];
	p0 =	sne.s32 s2, $0x0  }
0xc1: {  	s3 =	rddreg [dreg:$0x2];
	[bflag:$0x3] =	sbarrier.arrive $0xFFFF;
	s2 =	simm.s32 @!p0 $0x1C02  }
0xc2: {  	[timem:s3], [sflag:s2] =	dma.local @!p0 [hbm:s0], s1  }
0xc3: {  	s0 =	simm.s32 @!p0 $0x2  }
0xc4: {  	_ =	swait.ge @!p0 [sflag:s0], s1  }
0xc5: {  	s1 =	ssub.s32 @!p0 $0x0, s1;
	[sflag:s0] =	ssyncset.done @!p0 $0x0  }
0xc6: {  	[sflag:s0] =	ssyncadd.s32 @!p0 s1  }
0xc7: {  	[bflag:$0x3] =	sbarrier.arrive $0xFFFF  }
0xc8: {  	_ =	shalt  }

// kernel: kernel.9.cloned.1.call-start
scs
__scs_entry_jumppad:
0x0: {  	(pc) =	sbr.rel $0x88, $3  }
0x1: {  	(tag) =	ssettag $0x0;
	lr =	simm.s32 $0x1  }
0x2: {  	[smem:$0x3F9D] =	sst lr;
	_ =	strace $0xD0000000  }
0x3: {  	_ = 	snop  }
0x4: {  	_ = 	snop  }
0x5: {  	_ = 	snop  }
0x6: {  	_ = 	snop  }
0x7: {  	_ = 	snop  }
__scs_overlays_trampoline_lowered:
0x8: {  	[smem:$0x3FAC] =	sst s0  }
0x9: {  	[smem:$0x3FAD] =	sst s1  }
0xa: {  	[smem:$0x3FAE] =	sst s2  }
0xb: {  	[smem:$0x3FAF] =	sst s3  }
0xc: {  	[smem:$0x3FB0] =	sst s4  }
0xd: {  	[smem:$0x3FB1] =	sst s5  }
0xe: {  	[smem:$0x3FB2] =	sst s6  }
0xf: {  	[smem:$0x3FB3] =	sst s7  }
0x10: {  	[smem:$0x3FB4] =	sst s8  }
0x11: {  	[smem:$0x3FB5] =	sst s9;
	s0 =	simm.s32 @!p0 $0x0  }
0x12: {  	s1 =	sld [smem:$0x3F9B];
	s0 =	simm.s32 @p0 $0x1  }
0x13: {  	[smem:$0x3FB6] =	sst s0;
	s0 =	simm.s32 @!p1 $0x0  }
0x14: {  	s2 =	sld [smem:$0x3F9A];
	s0 =	simm.s32 @p1 $0x1  }
0x15: {  	[smem:$0x3FB7] =	sst s0;
	s0 =	simm.s32 @!p2 $0x0  }
0x16: {  	s3 =	sld [smem:$0x3FDB];
	s0 =	simm.s32 @p2 $0x1  }
0x17: {  	s4 =	simm.s32 $0x1BF5;
	[smem:$0x3FB9] =	sst s0  }
0x18: {  	s0 =	sld [smem:$0x3F9C];
	_ =	swait.ge [sflag:s4], $0x0  }
0x19: {  	s7 =	sld [smem:$0x3F9D]  }
0x1a: {  	s8 =	sadd.s32 $0xFFFFE003, lr  }
0x1b: {  	s9 =	sadd.s32 $0xFFFFFEF7, lr;
	s5 =	simm.s32 $0xFFFFFFFF;
	p2 =	slt.u32 s8, $0xFFFFF086  }
0x1c: {  	p1 =	slt.u32 s9, $0xF7A;
	s5 =	simm.s32 @!p2 $0x0  }
0x1d: {  	s5 =	simm.s32 @p1 $0x1;
	p0 =	seq.s32 s7, s2  }
0x1e: {  	s7 =	smul.u32 @!p0 $0xF7A, s2;
	p2 =	seq.s32 @!p0 s5, $0x0  }
0x1f: {  	s9 =	smul.u32 $0xF7A, s1;
	s8 =	simm.s32 @!p0 $0x1BF5;
	p2 =	por !p2, p0  }
0x20: {  	[sflag:s8] =	ssyncset.s32 @!p0 $0xFFFFF086;
	s6 =	sadd.s32 @!p0 s3, s7;
	s7 =	simm.s32 @!p0 $0x108  }
0x21: {  	s3 =	sadd.s32 s3, s9;
	s6 =	sadd.s32 @!p0 $0x88, s6;
	s7 =	simm.s32 @p2 $0x1082  }
0x22: {  	[simem:s7], [sflag:s8] =	dma.local @!p0 [hbm:s6], $0xF7A  }
0x23: {  	s9 =	sor.u32 $0xD0000000, s2;
	s6 =	simm.s32 $0x108;
	_ =	swait.ge @!p0 [sflag:s8], $0x0  }
0x24: {  	s3 =	sadd.s32 $0x88, s3;
	s6 =	simm.s32 @!p1 $0x1082;
	[sflag:s4] =	ssyncset.s32 $0xFFFFF086  }
0x25: {  	[simem:s6], [sflag:s4] =	dma.local [hbm:s3], $0xF7A  }
0x26: {  	[smem:$0x3F9D] =	sst s1;
	(tag) =	ssettag s2;
	_ =	strace s9  }
0x27: {  	s1 =	sld [smem:$0x3FAD]  }
0x28: {  	s2 =	sld [smem:$0x3FAE]  }
0x29: {  	s4 =	sld [smem:$0x3FB0]  }
0x2a: {  	p0 =	seq.s32 s5, $0x0;
	s5 =	sld [smem:$0x3FB1]  }
0x2b: {  	s6 =	sld [smem:$0x3FB2]  }
0x2c: {  	s7 =	sld [smem:$0x3FB3]  }
0x2d: {  	s3 =	simm.s32 $0x108;
	s8 =	sld [smem:$0x3FB4]  }
0x2e: {  	s3 =	simm.s32 @!p0 $0x1082;
	s9 =	sld [smem:$0x3FB5]  }
0x2f: {  	lr =	sadd.s32 s0, s3;
	s0 =	sld [smem:$0x3FAC]  }
0x30: {  	s3 =	sld [smem:$0x3FAF]  }
0x31: {  	[smem:$0x3FB8] =	sst s10  }
0x32: {  	s10 =	sld [smem:$0x3FB6];
	_ =	sdelay $0x3  }
0x33: {  	p0 =	seq.s32 s10, $0x1;
	s10 =	sld [smem:$0x3FB8];
	_ =	sdelay $0x3  }
0x34: {  	[smem:$0x3FB8] =	sst s10  }
0x35: {  	s10 =	sld [smem:$0x3FB7];
	_ =	sdelay $0x3  }
0x36: {  	p1 =	seq.s32 s10, $0x1;
	s10 =	sld [smem:$0x3FB8];
	_ =	sdelay $0x3  }
0x37: {  	[smem:$0x3FB8] =	sst s10  }
0x38: {  	s10 =	sld [smem:$0x3FB9]  }
0x39: {  	_ = 	snop;
	(pc) =	sbr.ind lr, $3  }
0x3a: {  	_ = 	snop  }
0x3b: {  	_ = 	snop  }
0x3c: {  	p2 =	seq.s32 s10, $0x1;
	s10 =	sld [smem:$0x3FB8]  }
0x3d: {  	_ =	shalt  }
0x3e: {  	_ =	shalt  }
0x3f: {  	_ =	shalt  }
0x40: {  	_ =	shalt  }
0x41: {  	_ =	shalt  }
0x42: {  	_ =	shalt  }
0x43: {  	_ =	shalt  }
0x44: {  	_ =	shalt  }
0x45: {  	_ =	shalt  }
0x46: {  	_ =	shalt  }
0x47: {  	_ =	shalt  }
0x48: {  	_ =	shalt  }
0x49: {  	_ =	shalt  }
0x4a: {  	_ =	shalt  }
0x4b: {  	_ =	shalt  }
0x4c: {  	_ =	shalt  }
0x4d: {  	_ =	shalt  }
0x4e: {  	_ =	shalt  }
0x4f: {  	_ =	shalt  }
0x50: {  	_ =	shalt  }
0x51: {  	_ =	shalt  }
0x52: {  	_ =	shalt  }
0x53: {  	_ =	shalt  }
0x54: {  	_ =	shalt  }
0x55: {  	_ =	shalt  }
0x56: {  	_ =	shalt  }
0x57: {  	_ =	shalt  }
0x58: {  	_ =	shalt  }
0x59: {  	_ =	shalt  }
0x5a: {  	_ =	shalt  }
0x5b: {  	_ =	shalt  }
0x5c: {  	_ =	shalt  }
0x5d: {  	_ =	shalt  }
0x5e: {  	_ =	shalt  }
0x5f: {  	_ =	shalt  }
0x60: {  	_ =	shalt  }
0x61: {  	_ =	shalt  }
0x62: {  	_ =	shalt  }
0x63: {  	_ =	shalt  }
0x64: {  	_ =	shalt  }
0x65: {  	_ =	shalt  }
0x66: {  	_ =	shalt  }
0x67: {  	_ =	shalt  }
0x68: {  	_ =	shalt  }
0x69: {  	_ =	shalt  }
0x6a: {  	_ =	shalt  }
0x6b: {  	_ =	shalt  }
0x6c: {  	_ =	shalt  }
0x6d: {  	_ =	shalt  }
0x6e: {  	_ =	shalt  }
0x6f: {  	_ =	shalt  }
0x70: {  	_ =	shalt  }
0x71: {  	_ =	shalt  }
0x72: {  	_ =	shalt  }
0x73: {  	_ =	shalt  }
0x74: {  	_ =	shalt  }
0x75: {  	_ =	shalt  }
0x76: {  	_ =	shalt  }
0x77: {  	_ =	shalt  }
0x78: {  	_ =	shalt  }
0x79: {  	_ =	shalt  }
0x7a: {  	_ =	shalt  }
0x7b: {  	_ =	shalt  }
0x7c: {  	_ =	shalt  }
0x7d: {  	_ =	shalt  }
0x7e: {  	_ =	shalt  }
0x7f: {  	_ =	shalt  }
0x80: {  	_ =	shalt  }
0x81: {  	_ =	shalt  }
0x82: {  	_ =	shalt  }
0x83: {  	_ =	shalt  }
0x84: {  	_ =	shalt  }
0x85: {  	_ =	shalt  }
0x86: {  	_ =	shalt  }
0x87: {  	_ =	shalt  }
.Lfunc_end0:
.L_simem_size_0:
called_computation.1_lowered:
.L_overlay_start_0:
0x88: {  	s2 =	sld [smem:$0x3FD9]  }
0x89: {  	s3 =	sld [smem:$0x3FFE];
	_ =	sdelay $0x1  }
0x8a: {  	s1 =	srdreg.scid  }
0x8b: {  	s0 =	sand.u32 $0x1, s1  }
0x8c: {  	s17 =	sshll.u32 s0, $0xA;
	s2 =	sadd.s32 s3, s2  }
0x8d: {  	s2 =	sadd.s32 s2, s17  }
0x8e: {  	[smem:$0x3FC4] =	sst s2  }
0x8f: {  	_ = 	snop  }
0x90: {  	s2 =	sld [smem:$0x3FD0];
	(tm) =	ssettm $0x1  }
0x91: {  	s18 =	sld [smem:$0x3FFB];
	_ =	sdelay $0x3  }
0x92: {  	_ =	strace s18  }
0x93: {  	s3 =	sld [smem:$0x3FFC];
	_ =	sdelay $0x3  }
0x94: {  	_ =	strace s3  }
0x95: {  	s3 =	sld [smem:$0x3FFD];
	_ =	sdelay $0x3  }
0x96: {  	_ =	strace s3  }
0x97: {  	_ =	strace $0x8FFFFFFF  }
0x98: {  	s19 =	sld [smem:$0x3FDB];
	_ =	sdelay $0x1  }
0x99: {  	s4 =	simm.s32 $_scs_section_size  }
0x9a: {  	s5 =	simm.s32 $_size__tile_overlayer_lowered;
	s6 =	simm.s32 $_tile_overlayer_lowered  }
0x9b: {  	s22 =	simm.s32 $0x1BFF;
	s21 =	sshll.u32 s6, $0x1;
	s3 =	sadd.s32 s4, s19  }
0x9c: {  	s7 =	simm.s32 $0x0;
	s20 =	sshll.u32 s5, $0x1;
	s5 =	sadd.s32 s21, s3  }
0x9d: {  	[timem:s7], [sflag:s22] =	dma.local [hbm:s5], s20  }
0x9e: {  	_ =	swait.ge [sflag:s22], s20  }
0x9f: {  	s4 =	ssub.s32 $0x0, s20;
	[sflag:s22] =	ssyncset.done $0x0  }
0xa0: {  	[sflag:s22] =	ssyncadd.s32 s4;
	_ =	sdelay $0x1  }
0xa1: {  	s23 =	simm.s32 $0x1B8B  }
0xa2: {  	_ =	swait.ge [sflag:s23], $0x1  }
0xa3: {  	[sflag:s23] =	ssyncset.done $0x0  }
0xa4: {  	s25 =	simm.s32 $0x1B8E;
	s24 =	sld [smem:$0x3FFE];
	[sflag:s23] =	ssyncadd.s32 $0xFFFFFFFF  }
0xa5: {  	s26 =	simm.s32 $execute0_lowered;
	[smem:$0x3FD2] =	sst s25  }
0xa6: {  	s5 =	sshll.u32 s26, $0x1;
	_ =	strace $0x80000049;
	[dreg:$0x1] =	wrdreg $0xFFFFFFFF  }
0xa7: {  	s28 =	simm.s32 $_size_execute0_lowered;
	s3 =	sadd.s32 s3, s5;
	[dreg:$0x0] =	wrdreg $0x0  }
0xa8: {  	s5 =	sshll.u32 s28, $0x1;
	[dreg:$0x2] =	wrdreg s3  }
0xa9: {  	[dreg:$0x3] =	wrdreg s5  }
0xaa: {  	[dreg:$0x4] =	wrdreg $0xC0  }
0xab: {  	_ =	task [dreg:s7], $0x5FFFF  }
0xac: {  	[dreg:$0x1] =	wrdreg $0xFFFFFFFF  }
0xad: {  	[dreg:$0x0] =	wrdreg $0x60  }
0xae: {  	[dreg:$0x2] =	wrdreg s2  }
0xaf: {  	[dreg:$0x3] =	wrdreg s24  }
0xb0: {  	[dreg:$0x4] =	wrdreg $0xB8000  }
0xb1: {  	[dreg:$0x5] =	wrdreg $0x9  }
0xb2: {  	_ =	task.clear_ibuf [dreg:s7], $0x6FFFF;
	_ =	strace $0x90000049  }
0xb3: {  	s29 =	simm.s32 $0x9;
	_ =	strace $0x8000004B  }
0xb4: {  	_ =	swait.ge [sflag:s29], $0x1  }
0xb5: {  	[sflag:s29] =	ssyncadd.s32 $0xFFFFFFFF  }
0xb6: {  	_ =	strace $0x9000004B  }
0xb7: {  	_ =	sfence  }
0xb8: {  	s30 =	sld [smem:$0x0];
	_ =	sdelay $0x2  }
0xb9: {  	s31 =	sshll.u32 s1, $0xD;
	s1 =	sshrl.u32 s1, $0x2  }
0xba: {  	s3 =	sand.u32 $0x4000, s31;
	s1 =	sadd.s32 s1, s30  }
0xbb: {  	s0 =	sor.u32 s3, s0;
	s1 =	sshll.u32 s1, $0x11  }
0xbc: {  	s0 =	sor.u32 s1, s0  }
0xbd: {  	s0 =	sadd.s32 $0x8F2B, s0  }
0xbe: {  	[sflag:s0] =	ssyncadd.remote.s32 $0x1  }
0xbf: {  	_ =	sfence.sel $0xFFFF  }
0xc0: {  	[dreg:$0x0] =	wrdreg $0xFFFFFFFF;
	(pc) =	sbr.abs _section_cstart, $3  }
0xc1: {  	[dreg:$0x1] =	wrdreg $0xFFFFFFFF  }
0xc2: {  	_ =	task.clear_ibuf [dreg:s7], $0x2FFFF;
	_ =	strace $0x9FFFFFFF  }
0xc3: {  	(tm) =	ssettm $0x7FFFFFFF  }
tec
execute0_lowered:
.L_overlay_start_1:
0x0: {  	(tag) =	ssettag $0x1  }
0x1: {  	s0 =	rddreg [dreg:$0x0]  }
0x2: {  	s1 =	rddreg [dreg:$0x1];
	s9 =	stileid.u32  }
0x3: {  	s2 =	srdreg.scid;
	s7 =	smul.u32 $0x50000, s9  }
0x4: {  	s3 =	rddreg [dreg:$0x2];
	s10 =	simm.s32 $0x0;
	s28 =	simm.s32 $0x3  }
0x5: {  	s29 =	simm.s32 $0x4;
	s2 =	sand.u32 $0x1, s2;
	s7 =	sshrl.u32 s7, $0x2  }
0x6: {  	s5 =	smul.u32 $0x14000, s9;
	[smem:$0x7FF] =	sst s10;
	s12 =	sadd.s32 s7, s3  }
0x7: {  	_ =	strace $0x8000004A;
	s7 =	sadd.s32 $0x1000, s12;
	[dreg:$0x5] =	wrdreg s12  }
0x8: {  	s4 =	smul.u32 $0x140000, s2;
	s24 =	sadd.s32 $0x2000, s12;
	[dreg:$0x6] =	wrdreg s7  }
0x9: {  	s23 =	ssub.s32 $0x2, s2;
	s25 =	sadd.s32 $0x3000, s12;
	[dreg:$0x7] =	wrdreg s24  }
0xa: {  	s2 =	sshll.u32 s2, $0x4;
	s26 =	sadd.s32 $0x4000, s12;
	[dreg:$0x8] =	wrdreg s25  }
0xb: {  	s2 =	sor.u32 s9, s2;
	s9 =	sadd.s32 $0x6000, s12;
	[dreg:$0x9] =	wrdreg s26  }
0xc: {  	s30 =	simm.s32 $0x5;
	s11 =	sadd.s32 $0x7000, s12;
	[dreg:$0xb] =	wrdreg s9  }
0xd: {  	s31 =	simm.s32 $0x8;
	s13 =	sadd.s32 $0x8000, s12;
	[dreg:$0xc] =	wrdreg s11  }
0xe: {  	s6 =	sadd.s32 $0x2200, s1;
	s14 =	sadd.s32 $0x9000, s12;
	[dreg:$0xd] =	wrdreg s13  }
0xf: {  	s8 =	sshrl.u32 s23, $0x1;
	s15 =	sadd.s32 $0xA000, s12;
	[dreg:$0xe] =	wrdreg s14  }
0x10: {  	s4 =	sadd.s32 s5, s4;
	s16 =	sadd.s32 $0xB000, s12;
	[dreg:$0xf] =	wrdreg s15  }
0x11: {  	s5 =	sadd.s32 $0x52200, s1;
	s17 =	sadd.s32 $0xC000, s12;
	[dreg:$0x10] =	wrdreg s16  }
0x12: {  	s4 =	sshrl.u32 s4, $0x3;
	s18 =	sadd.s32 $0xD000, s12;
	[dreg:$0x11] =	wrdreg s17  }
0x13: {  	s19 =	sadd.s32 $0xE000, s12;
	s20 =	sadd.s32 $0xF000, s12;
	[dreg:$0x12] =	wrdreg s18  }
0x14: {  	s22 =	sadd.s32 $0x10000, s12;
	s1 =	sadd.s32 s4, s1;
	[dreg:$0x13] =	wrdreg s19  }
0x15: {  	s4 =	ssub.s32 s23, s8;
	s8 =	sadd.s32 $0x5000, s12;
	[dreg:$0x14] =	wrdreg s20  }
0x16: {  	s23 =	smul.u32 $0x14000, s2;
	[dreg:$0x17] =	wrdreg s22;
	s24 =	sadd.s32 $0x11000, s12  }
0x17: {  	s25 =	sadd.s32 $0x12000, s12;
	s26 =	sadd.s32 $0x13000, s12;
	s9 =	simm.s32 $0x2800  }
0x18: {  	s11 =	simm.s32 $0x3800;
	s13 =	simm.s32 $0x4800;
	s15 =	simm.s32 $0x5800  }
0x19: {  	s17 =	simm.s32 $0x6800;
	s19 =	simm.s32 $0x7800;
	[dreg:$0xa] =	wrdreg s8  }
0x1a: {  	s7 =	simm.s32 $0x6;
	s18 =	simm.s32 $0x2680;
	[dreg:$0x18] =	wrdreg s24  }
0x1b: {  	s20 =	simm.s32 $0x2700;
	s22 =	simm.s32 $0x2780;
	[dreg:$0x19] =	wrdreg s25  }
0x1c: {  	s1 =	sadd.s32 $0xA2200, s1;
	s21 =	smax.u32 s4, $0x1;
	[dreg:$0x1a] =	wrdreg s26  }
0x1d: {  	s8 =	simm.s32 $0x20;
	s24 =	simm.s32 $0x9800;
	s25 =	simm.s32 $0x1  }
0x1e: {  	s26 =	simm.s32 $0x2;
	s4 =	simm.s32 $0x7;
	[dreg:$0x15] =	wrdreg s1  }
0x1f: {  	v0 =	vimm.f32 $0.0e+00;
	[dreg:$0x16] =	wrdreg s21;
	s1 =	simm.s32 $0x9;
	s21 =	simm.s32 $0x8800  }
.LBB2_1:
0x20: {  	[dreg:$0x4] =	wrdreg s10;
	s2 =	simm.s32 $0x0;
	s10 =	simm.s32 $0x200  }
.LBB2_2:
0x21: {  	p0 =	sne.s32 s10, $0x3E00;
	[tilespmem:s2+$0xA870] =	vst v0  }
0x22: {  	[tilespmem:s2+$0xA800] =	vst v0  }
0x23: {  	[tilespmem:s2+$0xA810] =	vst v0  }
.Ltmp0:
0x24: {  	[tilespmem:s2+$0xA820] =	vst v0;
	(pc) =	sbr.rel @p0 .LBB2_2-.Ltmp0, $4  }
0x25: {  	[tilespmem:s2+$0xA830] =	vst v0  }
0x26: {  	[tilespmem:s2+$0xA840] =	vst v0  }
0x27: {  	[tilespmem:s2+$0xA850] =	vst v0  }
0x28: {  	[tilespmem:s2+$0xA860] =	vst v0;
	s2 =	sshra.s32 s10, $0x2;
	s10 =	sadd.s32 $0x200, s10  }
0x29: {  	[tilespmem:s2+$0xA870] =	vst v0  }
0x2a: {  	[tilespmem:s2+$0xA800] =	vst v0  }
0x2b: {  	[tilespmem:s2+$0xA810] =	vst v0  }
0x2c: {  	[tilespmem:s2+$0xA820] =	vst v0  }
0x2d: {  	[tilespmem:s2+$0xA830] =	vst v0  }
0x2e: {  	[tilespmem:s2+$0xA840] =	vst v0  }
0x2f: {  	[tilespmem:s2+$0xA850] =	vst v0  }
0x30: {  	[tilespmem:s2+$0xA860] =	vst v0;
	s10 =	simm.s32 $0xA800  }
0x31: {  	[spmem:s12] =	stream.linear.scatter [tilespmem:s10], [sflag:$0x9], $0x1000, $0x38;
	[tilespmem:$0x1F800] =	vst v63  }
0x32: {  	_ =	swait.ge [sflag:s1], $0x1000  }
0x33: {  	[sflag:s1] =	ssyncset.done $0x0  }
0x34: {  	s16 =	rddreg [dreg:$0x6];
	[sflag:s1] =	ssyncadd.s32 $0xFFFFF000  }
0x35: {  	[spmem:s16] =	stream.linear.scatter [tilespmem:s10], [sflag:$0x9], $0x1000, $0x38;
	[tilespmem:$0x1F800] =	vst v63  }
0x36: {  	_ =	swait.ge [sflag:s1], $0x1000  }
0x37: {  	[sflag:s1] =	ssyncset.done $0x0  }
0x38: {  	s12 =	rddreg [dreg:$0x7];
	[sflag:s1] =	ssyncadd.s32 $0xFFFFF000  }
0x39: {  	[spmem:s12] =	stream.linear.scatter [tilespmem:s10], [sflag:$0x9], $0x1000, $0x38;
	[tilespmem:$0x1F800] =	vst v63  }
0x3a: {  	_ =	swait.ge [sflag:s1], $0x1000  }
0x3b: {  	[sflag:s1] =	ssyncset.done $0x0  }
0x3c: {  	s14 =	rddreg [dreg:$0x8];
	[sflag:s1] =	ssyncadd.s32 $0xFFFFF000  }
0x3d: {  	[spmem:s14] =	stream.linear.scatter [tilespmem:s10], [sflag:$0x9], $0x1000, $0x38;
	[tilespmem:$0x1F800] =	vst v63  }
0x3e: {  	_ =	swait.ge [sflag:s1], $0x1000  }
0x3f: {  	[sflag:s1] =	ssyncset.done $0x0  }
0x40: {  	s16 =	rddreg [dreg:$0x9];
	[sflag:s1] =	ssyncadd.s32 $0xFFFFF000  }
0x41: {  	[spmem:s16] =	stream.linear.scatter [tilespmem:s10], [sflag:$0x9], $0x1000, $0x38;
	[tilespmem:$0x1F800] =	vst v63  }
0x42: {  	_ =	swait.ge [sflag:s1], $0x1000  }
0x43: {  	[sflag:s1] =	ssyncset.done $0x0  }
0x44: {  	s12 =	rddreg [dreg:$0xa];
	[sflag:s1] =	ssyncadd.s32 $0xFFFFF000  }
0x45: {  	[spmem:s12] =	stream.linear.scatter [tilespmem:s10], [sflag:$0x9], $0x1000, $0x38;
	[tilespmem:$0x1F800] =	vst v63  }
0x46: {  	_ =	swait.ge [sflag:s1], $0x1000  }
0x47: {  	[sflag:s1] =	ssyncset.done $0x0  }
0x48: {  	s14 =	rddreg [dreg:$0xb];
	[sflag:s1] =	ssyncadd.s32 $0xFFFFF000  }
0x49: {  	[spmem:s14] =	stream.linear.scatter [tilespmem:s10], [sflag:$0x9], $0x1000, $0x38;
	[tilespmem:$0x1F800] =	vst v63  }
0x4a: {  	_ =	swait.ge [sflag:s1], $0x1000  }
0x4b: {  	[sflag:s1] =	ssyncset.done $0x0  }
0x4c: {  	s16 =	rddreg [dreg:$0xc];
	[sflag:s1] =	ssyncadd.s32 $0xFFFFF000  }
0x4d: {  	[spmem:s16] =	stream.linear.scatter [tilespmem:s10], [sflag:$0x9], $0x1000, $0x38;
	[tilespmem:$0x1F800] =	vst v63  }
0x4e: {  	_ =	swait.ge [sflag:s1], $0x1000  }
0x4f: {  	[sflag:s1] =	ssyncset.done $0x0  }
0x50: {  	s12 =	rddreg [dreg:$0xd];
	[sflag:s1] =	ssyncadd.s32 $0xFFFFF000  }
0x51: {  	[spmem:s12] =	stream.linear.scatter [tilespmem:s10], [sflag:$0x9], $0x1000, $0x38;
	[tilespmem:$0x1F800] =	vst v63  }
0x52: {  	_ =	swait.ge [sflag:s1], $0x1000  }
0x53: {  	[sflag:s1] =	ssyncset.done $0x0  }
0x54: {  	s14 =	rddreg [dreg:$0xe];
	[sflag:s1] =	ssyncadd.s32 $0xFFFFF000  }
0x55: {  	[spmem:s14] =	stream.linear.scatter [tilespmem:s10], [sflag:$0x9], $0x1000, $0x38;
	[tilespmem:$0x1F800] =	vst v63  }
0x56: {  	_ =	swait.ge [sflag:s1], $0x1000  }
0x57: {  	[sflag:s1] =	ssyncset.done $0x0  }
0x58: {  	s16 =	rddreg [dreg:$0xf];
	[sflag:s1] =	ssyncadd.s32 $0xFFFFF000  }
0x59: {  	[spmem:s16] =	stream.linear.scatter [tilespmem:s10], [sflag:$0x9], $0x1000, $0x38;
	[tilespmem:$0x1F800] =	vst v63  }
0x5a: {  	_ =	swait.ge [sflag:s1], $0x1000  }
0x5b: {  	[sflag:s1] =	ssyncset.done $0x0  }
0x5c: {  	s12 =	rddreg [dreg:$0x10];
	[sflag:s1] =	ssyncadd.s32 $0xFFFFF000  }
0x5d: {  	[spmem:s12] =	stream.linear.scatter [tilespmem:s10], [sflag:$0x9], $0x1000, $0x38;
	[tilespmem:$0x1F800] =	vst v63  }
0x5e: {  	_ =	swait.ge [sflag:s1], $0x1000  }
0x5f: {  	[sflag:s1] =	ssyncset.done $0x0  }
0x60: {  	s14 =	rddreg [dreg:$0x11];
	[sflag:s1] =	ssyncadd.s32 $0xFFFFF000  }
0x61: {  	[spmem:s14] =	stream.linear.scatter [tilespmem:s10], [sflag:$0x9], $0x1000, $0x38;
	[tilespmem:$0x1F800] =	vst v63  }
0x62: {  	_ =	swait.ge [sflag:s1], $0x1000  }
0x63: {  	[sflag:s1] =	ssyncset.done $0x0  }
0x64: {  	s16 =	rddreg [dreg:$0x12];
	[sflag:s1] =	ssyncadd.s32 $0xFFFFF000  }
0x65: {  	[spmem:s16] =	stream.linear.scatter [tilespmem:s10], [sflag:$0x9], $0x1000, $0x38;
	[tilespmem:$0x1F800] =	vst v63  }
0x66: {  	_ =	swait.ge [sflag:s1], $0x1000  }
0x67: {  	[sflag:s1] =	ssyncset.done $0x0  }
0x68: {  	s12 =	rddreg [dreg:$0x13];
	[sflag:s1] =	ssyncadd.s32 $0xFFFFF000  }
0x69: {  	[spmem:s12] =	stream.linear.scatter [tilespmem:s10], [sflag:$0x9], $0x1000, $0x38;
	[tilespmem:$0x1F800] =	vst v63  }
0x6a: {  	_ =	swait.ge [sflag:s1], $0x1000  }
0x6b: {  	[sflag:s1] =	ssyncset.done $0x0  }
0x6c: {  	s14 =	rddreg [dreg:$0x14];
	[sflag:s1] =	ssyncadd.s32 $0xFFFFF000  }
0x6d: {  	[spmem:s14] =	stream.linear.scatter [tilespmem:s10], [sflag:$0x9], $0x1000, $0x38;
	[tilespmem:$0x1F800] =	vst v63  }
0x6e: {  	_ =	swait.ge [sflag:s1], $0x1000  }
0x6f: {  	[sflag:s1] =	ssyncset.done $0x0  }
0x70: {  	s16 =	rddreg [dreg:$0x17];
	[sflag:s1] =	ssyncadd.s32 $0xFFFFF000  }
0x71: {  	[spmem:s16] =	stream.linear.scatter [tilespmem:s10], [sflag:$0x9], $0x1000, $0x38;
	[tilespmem:$0x1F800] =	vst v63  }
0x72: {  	_ =	swait.ge [sflag:s1], $0x1000  }
0x73: {  	[sflag:s1] =	ssyncset.done $0x0  }
0x74: {  	s12 =	rddreg [dreg:$0x18];
	[sflag:s1] =	ssyncadd.s32 $0xFFFFF000  }
0x75: {  	[spmem:s12] =	stream.linear.scatter [tilespmem:s10], [sflag:$0x9], $0x1000, $0x38;
	[tilespmem:$0x1F800] =	vst v63  }
0x76: {  	_ =	swait.ge [sflag:s1], $0x1000  }
0x77: {  	[sflag:s1] =	ssyncset.done $0x0  }
0x78: {  	s14 =	rddreg [dreg:$0x19];
	[sflag:s1] =	ssyncadd.s32 $0xFFFFF000  }
0x79: {  	[spmem:s14] =	stream.linear.scatter [tilespmem:s10], [sflag:$0x9], $0x1000, $0x38;
	[tilespmem:$0x1F800] =	vst v63  }
0x7a: {  	_ =	swait.ge [sflag:s1], $0x1000  }
0x7b: {  	[sflag:s1] =	ssyncset.done $0x0  }
0x7c: {  	s16 =	rddreg [dreg:$0x1a];
	[sflag:s1] =	ssyncadd.s32 $0xFFFFF000  }
0x7d: {  	[spmem:s16] =	stream.linear.scatter [tilespmem:s10], [sflag:$0x9], $0x1000, $0x38;
	[tilespmem:$0x1F800] =	vst v63  }
0x7e: {  	_ =	swait.ge [sflag:s1], $0x1000  }
0x7f: {  	[sflag:s1] =	ssyncset.done $0x0  }
0x80: {  	[sflag:s1] =	ssyncadd.s32 $0xFFFFF000  }
0x81: {  	s2 =	simm.s32 $0x0;
	s10 =	simm.s32 $0x0;
	[bflag:$0x0] =	sbarrier.arrive $0xFFFF  }
.LBB2_4:
0x82: {  	s12 =	smul.u32 $0x1400, s10;
	_ =	sdelay $0x1  }
0x83: {  	s12 =	sadd.s32 s23, s12  }
0x84: {  	s12 =	sshrl.u32 s12, $0x3  }
0x85: {  	s14 =	sadd.s32 s5, s12  }
0x86: {  	[tilespmem:s2], [sflag:$0x9] =	stream.linear.gather [hbm4b:s14+s2], $0x1400, $0x38;
	[tilespmem:$0x1F800] =	vst v63  }
0x87: {  	_ =	swait.ge [sflag:s1], $0x1400  }
0x88: {  	[sflag:s1] =	ssyncset.done $0x0  }
0x89: {  	s16 =	simm.s32 $0x1400;
	s12 =	sadd.s32 s6, s12;
	[sflag:s1] =	ssyncadd.s32 $0xFFFFEC00  }
0x8a: {  	[tilespmem:s16], [sflag:$0x9] =	stream.linear.gather [hbm4b:s12+s2], $0x1400, $0x38;
	[tilespmem:$0x1F800] =	vst v63  }
0x8b: {  	_ =	swait.ge [sflag:s1], $0x1400  }
0x8c: {  	[sflag:s1] =	ssyncset.done $0x0  }
0x8d: {  	[sflag:s1] =	ssyncadd.s32 $0xFFFFEC00  }
0x8e: {  	[tilespmem:s9], [sflag:$0x1] =	stream.indirect.gather [hbm4b:s0+s8], $0x80, s2, s8, $0xb8;
	[tilespmem:$0x1F800] =	vst v63  }
0x8f: {  	s14 =	simm.s32 $0x80  }
0x90: {  	[tilespmem:s11], [sflag:$0x2] =	stream.indirect.gather [hbm4b:s0+s8], $0x80, s14, s8, $0xb8;
	[tilespmem:$0x1F800] =	vst v63  }
0x91: {  	s16 =	simm.s32 $0x100  }
0x92: {  	[tilespmem:s13], [sflag:$0x3] =	stream.indirect.gather [hbm4b:s0+s8], $0x80, s16, s8, $0xb8;
	[tilespmem:$0x1F800] =	vst v63  }
0x93: {  	s14 =	simm.s32 $0x180  }
0x94: {  	[tilespmem:s15], [sflag:$0x4] =	stream.indirect.gather [hbm4b:s0+s8], $0x80, s14, s8, $0xb8;
	[tilespmem:$0x1F800] =	vst v63  }
0x95: {  	s16 =	simm.s32 $0x200  }
0x96: {  	[tilespmem:s17], [sflag:$0x5] =	stream.indirect.gather [hbm4b:s0+s8], $0x80, s16, s8, $0xb8;
	[tilespmem:$0x1F800] =	vst v63  }
0x97: {  	s14 =	simm.s32 $0x280  }
0x98: {  	[tilespmem:s19], [sflag:$0x6] =	stream.indirect.gather [hbm4b:s0+s8], $0x80, s14, s8, $0xb8;
	[tilespmem:$0x1F800] =	vst v63  }
0x99: {  	s16 =	simm.s32 $0x300  }
0x9a: {  	[tilespmem:s21], [sflag:$0x7] =	stream.indirect.gather [hbm4b:s0+s8], $0x80, s16, s8, $0xb8;
	[tilespmem:$0x1F800] =	vst v63  }
0x9b: {  	s14 =	simm.s32 $0x380  }
0x9c: {  	[tilespmem:s24], [sflag:$0x8] =	stream.indirect.gather [hbm4b:s0+s8], $0x80, s14, s8, $0xb8;
	[tilespmem:$0x1F800] =	vst v63  }
0x9d: {  	_ =	swait.ge [sflag:s25], $0x1000  }
0x9e: {  	[sflag:s25] =	ssyncset.done $0x0  }
0x9f: {  	s16 =	simm.s32 $0x1400;
	[sflag:s25] =	ssyncadd.s32 $0xFFFFF000  }
0xa0: {  	[spmem:s3] =	stream.indirect.scatter.add.f32 [tilespmem:s9], [sflag:$0x9], $0x80, s16, s8, $0xb8;
	[tilespmem:$0x1F800] =	vst v63  }
0xa1: {  	_ =	swait.ge [sflag:s1], $0x1000  }
0xa2: {  	[sflag:s1] =	ssyncset.done $0x0  }
0xa3: {  	s14 =	simm.s32 $0x400;
	[sflag:s1] =	ssyncadd.s32 $0xFFFFF000  }
0xa4: {  	[tilespmem:s9], [sflag:$0x1] =	stream.indirect.gather [hbm4b:s0+s8], $0x80, s14, s8, $0xb8;
	[tilespmem:$0x1F800] =	vst v63  }
0xa5: {  	_ =	swait.ge [sflag:s26], $0x1000  }
0xa6: {  	[sflag:s26] =	ssyncset.done $0x0  }
0xa7: {  	s16 =	simm.s32 $0x1480;
	[sflag:s26] =	ssyncadd.s32 $0xFFFFF000  }
0xa8: {  	[spmem:s3] =	stream.indirect.scatter.add.f32 [tilespmem:s11], [sflag:$0x9], $0x80, s16, s8, $0xb8;
	[tilespmem:$0x1F800] =	vst v63  }
0xa9: {  	_ =	swait.ge [sflag:s1], $0x1000  }
0xaa: {  	[sflag:s1] =	ssyncset.done $0x0  }
0xab: {  	s14 =	simm.s32 $0x480;
	[sflag:s1] =	ssyncadd.s32 $0xFFFFF000  }
0xac: {  	[tilespmem:s11], [sflag:$0x2] =	stream.indirect.gather [hbm4b:s0+s8], $0x80, s14, s8, $0xb8;
	[tilespmem:$0x1F800] =	vst v63  }
0xad: {  	_ =	swait.ge [sflag:s28], $0x1000  }
0xae: {  	[sflag:s28] =	ssyncset.done $0x0  }
0xaf: {  	s16 =	simm.s32 $0x1500;
	[sflag:s28] =	ssyncadd.s32 $0xFFFFF000  }
0xb0: {  	[spmem:s3] =	stream.indirect.scatter.add.f32 [tilespmem:s13], [sflag:$0x9], $0x80, s16, s8, $0xb8;
	[tilespmem:$0x1F800] =	vst v63  }
0xb1: {  	_ =	swait.ge [sflag:s1], $0x1000  }
0xb2: {  	[sflag:s1] =	ssyncset.done $0x0  }
0xb3: {  	s14 =	simm.s32 $0x500;
	[sflag:s1] =	ssyncadd.s32 $0xFFFFF000  }
0xb4: {  	[tilespmem:s13], [sflag:$0x3] =	stream.indirect.gather [hbm4b:s0+s8], $0x80, s14, s8, $0xb8;
	[tilespmem:$0x1F800] =	vst v63  }
0xb5: {  	_ =	swait.ge [sflag:s29], $0x1000  }
0xb6: {  	[sflag:s29] =	ssyncset.done $0x0  }
0xb7: {  	s16 =	simm.s32 $0x1580;
	[sflag:s29] =	ssyncadd.s32 $0xFFFFF000  }
0xb8: {  	[spmem:s3] =	stream.indirect.scatter.add.f32 [tilespmem:s15], [sflag:$0x9], $0x80, s16, s8, $0xb8;
	[tilespmem:$0x1F800] =	vst v63  }
0xb9: {  	_ =	swait.ge [sflag:s1], $0x1000  }
0xba: {  	[sflag:s1] =	ssyncset.done $0x0  }
0xbb: {  	s14 =	simm.s32 $0x580;
	[sflag:s1] =	ssyncadd.s32 $0xFFFFF000  }
0xbc: {  	[tilespmem:s15], [sflag:$0x4] =	stream.indirect.gather [hbm4b:s0+s8], $0x80, s14, s8, $0xb8;
	[tilespmem:$0x1F800] =	vst v63  }
0xbd: {  	_ =	swait.ge [sflag:s30], $0x1000  }
0xbe: {  	[sflag:s30] =	ssyncset.done $0x0  }
0xbf: {  	s16 =	simm.s32 $0x1600;
	[sflag:s30] =	ssyncadd.s32 $0xFFFFF000  }
0xc0: {  	[spmem:s3] =	stream.indirect.scatter.add.f32 [tilespmem:s17], [sflag:$0x9], $0x80, s16, s8, $0xb8;
	[tilespmem:$0x1F800] =	vst v63  }
0xc1: {  	_ =	swait.ge [sflag:s1], $0x1000  }
0xc2: {  	[sflag:s1] =	ssyncset.done $0x0  }
0xc3: {  	s14 =	simm.s32 $0x600;
	[sflag:s1] =	ssyncadd.s32 $0xFFFFF000  }
0xc4: {  	[tilespmem:s17], [sflag:$0x5] =	stream.indirect.gather [hbm4b:s0+s8], $0x80, s14, s8, $0xb8;
	[tilespmem:$0x1F800] =	vst v63  }
0xc5: {  	_ =	swait.ge [sflag:s7], $0x1000  }
0xc6: {  	[sflag:s7] =	ssyncset.done $0x0  }
0xc7: {  	s16 =	simm.s32 $0x1680;
	[sflag:s7] =	ssyncadd.s32 $0xFFFFF000  }
0xc8: {  	[spmem:s3] =	stream.indirect.scatter.add.f32 [tilespmem:s19], [sflag:$0x9], $0x80, s16, s8, $0xb8;
	[tilespmem:$0x1F800] =	vst v63  }
0xc9: {  	_ =	swait.ge [sflag:s1], $0x1000  }
0xca: {  	[sflag:s1] =	ssyncset.done $0x0  }
0xcb: {  	s14 =	simm.s32 $0x680;
	[sflag:s1] =	ssyncadd.s32 $0xFFFFF000  }
0xcc: {  	[tilespmem:s19], [sflag:$0x6] =	stream.indirect.gather [hbm4b:s0+s8], $0x80, s14, s8, $0xb8;
	[tilespmem:$0x1F800] =	vst v63  }
0xcd: {  	_ =	swait.ge [sflag:s4], $0x1000  }
0xce: {  	[sflag:s4] =	ssyncset.done $0x0  }
0xcf: {  	s16 =	simm.s32 $0x1700;
	[sflag:s4] =	ssyncadd.s32 $0xFFFFF000  }
0xd0: {  	[spmem:s3] =	stream.indirect.scatter.add.f32 [tilespmem:s21], [sflag:$0x9], $0x80, s16, s8, $0xb8;
	[tilespmem:$0x1F800] =	vst v63  }
0xd1: {  	_ =	swait.ge [sflag:s1], $0x1000  }
0xd2: {  	[sflag:s1] =	ssyncset.done $0x0  }
0xd3: {  	s14 =	simm.s32 $0x700;
	[sflag:s1] =	ssyncadd.s32 $0xFFFFF000  }
0xd4: {  	[tilespmem:s21], [sflag:$0x7] =	stream.indirect.gather [hbm4b:s0+s8], $0x80, s14, s8, $0xb8;
	[tilespmem:$0x1F800] =	vst v63  }
0xd5: {  	_ =	swait.ge [sflag:s31], $0x1000  }
0xd6: {  	[sflag:s31] =	ssyncset.done $0x0  }
0xd7: {  	s16 =	simm.s32 $0x1780;
	[sflag:s31] =	ssyncadd.s32 $0xFFFFF000  }
0xd8: {  	[spmem:s3] =	stream.indirect.scatter.add.f32 [tilespmem:s24], [sflag:$0x9], $0x80, s16, s8, $0xb8;
	[tilespmem:$0x1F800] =	vst v63  }
0xd9: {  	_ =	swait.ge [sflag:s1], $0x1000  }
0xda: {  	[sflag:s1] =	ssyncset.done $0x0  }
0xdb: {  	s12 =	simm.s32 $0x1000;
	s14 =	simm.s32 $0x780;
	[sflag:s1] =	ssyncadd.s32 $0xFFFFF000  }
.LBB2_5:
0xdc: {  	[tilespmem:s24], [sflag:$0x8] =	stream.indirect.gather [hbm4b:s0+s8], $0x80, s14, s8, $0xb8;
	[tilespmem:$0x1F800] =	vst v63  }
0xdd: {  	s14 =	smov.u32 s12  }
0xde: {  	p0 =	sne.s32 s12, $0x3000;
	s12 =	sadd.s32 $0x1000, s12;
	_ =	swait.ge [sflag:s25], $0x1000  }
0xdf: {  	s14 =	sshra.s32 s14, $0x2;
	[sflag:s25] =	ssyncset.done $0x0  }
0xe0: {  	s16 =	sadd.s32 $0x1400, s14;
	[sflag:s25] =	ssyncadd.s32 $0xFFFFF000  }
0xe1: {  	[spmem:s3] =	stream.indirect.scatter.add.f32 [tilespmem:s9], [sflag:$0x9], $0x80, s16, s8, $0xb8;
	[tilespmem:$0x1F800] =	vst v63  }
0xe2: {  	_ =	swait.ge [sflag:s1], $0x1000  }
0xe3: {  	[sflag:s1] =	ssyncset.done $0x0  }
0xe4: {  	s16 =	sadd.s32 $0x400, s14;
	[sflag:s1] =	ssyncadd.s32 $0xFFFFF000  }
0xe5: {  	[tilespmem:s9], [sflag:$0x1] =	stream.indirect.gather [hbm4b:s0+s8], $0x80, s16, s8, $0xb8;
	[tilespmem:$0x1F800] =	vst v63  }
0xe6: {  	_ =	swait.ge [sflag:s26], $0x1000  }
0xe7: {  	[sflag:s26] =	ssyncset.done $0x0  }
0xe8: {  	s16 =	sadd.s32 $0x1480, s14;
	[sflag:s26] =	ssyncadd.s32 $0xFFFFF000  }
0xe9: {  	[spmem:s3] =	stream.indirect.scatter.add.f32 [tilespmem:s11], [sflag:$0x9], $0x80, s16, s8, $0xb8;
	[tilespmem:$0x1F800] =	vst v63  }
0xea: {  	_ =	swait.ge [sflag:s1], $0x1000  }
0xeb: {  	[sflag:s1] =	ssyncset.done $0x0  }
0xec: {  	s16 =	sadd.s32 $0x480, s14;
	[sflag:s1] =	ssyncadd.s32 $0xFFFFF000  }
0xed: {  	[tilespmem:s11], [sflag:$0x2] =	stream.indirect.gather [hbm4b:s0+s8], $0x80, s16, s8, $0xb8;
	[tilespmem:$0x1F800] =	vst v63  }
0xee: {  	_ =	swait.ge [sflag:s28], $0x1000  }
0xef: {  	[sflag:s28] =	ssyncset.done $0x0  }
0xf0: {  	s16 =	sadd.s32 $0x1500, s14;
	[sflag:s28] =	ssyncadd.s32 $0xFFFFF000  }
0xf1: {  	[spmem:s3] =	stream.indirect.scatter.add.f32 [tilespmem:s13], [sflag:$0x9], $0x80, s16, s8, $0xb8;
	[tilespmem:$0x1F800] =	vst v63  }
0xf2: {  	_ =	swait.ge [sflag:s1], $0x1000  }
0xf3: {  	[sflag:s1] =	ssyncset.done $0x0  }
0xf4: {  	s16 =	sadd.s32 $0x500, s14;
	[sflag:s1] =	ssyncadd.s32 $0xFFFFF000  }
0xf5: {  	[tilespmem:s13], [sflag:$0x3] =	stream.indirect.gather [hbm4b:s0+s8], $0x80, s16, s8, $0xb8;
	[tilespmem:$0x1F800] =	vst v63  }
0xf6: {  	_ =	swait.ge [sflag:s29], $0x1000  }
0xf7: {  	[sflag:s29] =	ssyncset.done $0x0  }
0xf8: {  	s16 =	sadd.s32 $0x1580, s14;
	[sflag:s29] =	ssyncadd.s32 $0xFFFFF000  }
0xf9: {  	[spmem:s3] =	stream.indirect.scatter.add.f32 [tilespmem:s15], [sflag:$0x9], $0x80, s16, s8, $0xb8;
	[tilespmem:$0x1F800] =	vst v63  }
0xfa: {  	_ =	swait.ge [sflag:s1], $0x1000  }
0xfb: {  	[sflag:s1] =	ssyncset.done $0x0  }
0xfc: {  	s16 =	sadd.s32 $0x580, s14;
	[sflag:s1] =	ssyncadd.s32 $0xFFFFF000  }
0xfd: {  	[tilespmem:s15], [sflag:$0x4] =	stream.indirect.gather [hbm4b:s0+s8], $0x80, s16, s8, $0xb8;
	[tilespmem:$0x1F800] =	vst v63  }
0xfe: {  	_ =	swait.ge [sflag:s30], $0x1000  }
0xff: {  	[sflag:s30] =	ssyncset.done $0x0  }
0x100: {  	s16 =	sadd.s32 $0x1600, s14;
	[sflag:s30] =	ssyncadd.s32 $0xFFFFF000  }
0x101: {  	[spmem:s3] =	stream.indirect.scatter.add.f32 [tilespmem:s17], [sflag:$0x9], $0x80, s16, s8, $0xb8;
	[tilespmem:$0x1F800] =	vst v63  }
0x102: {  	_ =	swait.ge [sflag:s1], $0x1000  }
0x103: {  	[sflag:s1] =	ssyncset.done $0x0  }
0x104: {  	s16 =	sadd.s32 $0x600, s14;
	[sflag:s1] =	ssyncadd.s32 $0xFFFFF000  }
0x105: {  	[tilespmem:s17], [sflag:$0x5] =	stream.indirect.gather [hbm4b:s0+s8], $0x80, s16, s8, $0xb8;
	[tilespmem:$0x1F800] =	vst v63  }
0x106: {  	_ =	swait.ge [sflag:s7], $0x1000  }
0x107: {  	[sflag:s7] =	ssyncset.done $0x0  }
0x108: {  	s16 =	sadd.s32 $0x1680, s14;
	[sflag:s7] =	ssyncadd.s32 $0xFFFFF000  }
0x109: {  	[spmem:s3] =	stream.indirect.scatter.add.f32 [tilespmem:s19], [sflag:$0x9], $0x80, s16, s8, $0xb8;
	[tilespmem:$0x1F800] =	vst v63  }
0x10a: {  	_ =	swait.ge [sflag:s1], $0x1000  }
0x10b: {  	[sflag:s1] =	ssyncset.done $0x0  }
0x10c: {  	s16 =	sadd.s32 $0x680, s14;
	[sflag:s1] =	ssyncadd.s32 $0xFFFFF000  }
0x10d: {  	[tilespmem:s19], [sflag:$0x6] =	stream.indirect.gather [hbm4b:s0+s8], $0x80, s16, s8, $0xb8;
	[tilespmem:$0x1F800] =	vst v63  }
0x10e: {  	_ =	swait.ge [sflag:s4], $0x1000  }
0x10f: {  	[sflag:s4] =	ssyncset.done $0x0  }
0x110: {  	s16 =	sadd.s32 $0x1700, s14;
	[sflag:s4] =	ssyncadd.s32 $0xFFFFF000  }
0x111: {  	[spmem:s3] =	stream.indirect.scatter.add.f32 [tilespmem:s21], [sflag:$0x9], $0x80, s16, s8, $0xb8;
	[tilespmem:$0x1F800] =	vst v63  }
0x112: {  	_ =	swait.ge [sflag:s1], $0x1000  }
0x113: {  	[sflag:s1] =	ssyncset.done $0x0  }
0x114: {  	s16 =	sadd.s32 $0x700, s14;
	[sflag:s1] =	ssyncadd.s32 $0xFFFFF000  }
0x115: {  	[tilespmem:s21], [sflag:$0x7] =	stream.indirect.gather [hbm4b:s0+s8], $0x80, s16, s8, $0xb8;
	[tilespmem:$0x1F800] =	vst v63  }
0x116: {  	_ =	swait.ge [sflag:s31], $0x1000  }
0x117: {  	[sflag:s31] =	ssyncset.done $0x0  }
.Ltmp1:
0x118: {  	s16 =	sadd.s32 $0x1780, s14;
	[sflag:s31] =	ssyncadd.s32 $0xFFFFF000;
	(pc) =	sbr.rel @p0 .LBB2_5-.Ltmp1, $4  }
0x119: {  	[spmem:s3] =	stream.indirect.scatter.add.f32 [tilespmem:s24], [sflag:$0x9], $0x80, s16, s8, $0xb8;
	[tilespmem:$0x1F800] =	vst v63  }
0x11a: {  	_ =	swait.ge [sflag:s1], $0x1000  }
0x11b: {  	[sflag:s1] =	ssyncset.done $0x0  }
0x11c: {  	s14 =	sadd.s32 $0x780, s14;
	[sflag:s1] =	ssyncadd.s32 $0xFFFFF000  }
0x11d: {  	[tilespmem:s24], [sflag:$0x8] =	stream.indirect.gather [hbm4b:s0+s8], $0x80, s14, s8, $0xb8;
	[tilespmem:$0x1F800] =	vst v63  }
0x11e: {  	_ =	swait.ge [sflag:s25], $0x1000  }
0x11f: {  	[sflag:s25] =	ssyncset.done $0x0  }
0x120: {  	s12 =	simm.s32 $0x2400;
	[sflag:s25] =	ssyncadd.s32 $0xFFFFF000  }
0x121: {  	[spmem:s3] =	stream.indirect.scatter.add.f32 [tilespmem:s9], [sflag:$0x9], $0x80, s12, s8, $0xb8;
	[tilespmem:$0x1F800] =	vst v63  }
0x122: {  	_ =	swait.ge [sflag:s1], $0x1000  }
0x123: {  	[sflag:s1] =	ssyncset.done $0x0  }
0x124: {  	[sflag:s1] =	ssyncadd.s32 $0xFFFFF000  }
0x125: {  	_ =	swait.ge [sflag:s26], $0x1000  }
0x126: {  	[sflag:s26] =	ssyncset.done $0x0  }
0x127: {  	s14 =	simm.s32 $0x2480;
	[sflag:s26] =	ssyncadd.s32 $0xFFFFF000  }
0x128: {  	[spmem:s3] =	stream.indirect.scatter.add.f32 [tilespmem:s11], [sflag:$0x9], $0x80, s14, s8, $0xb8;
	[tilespmem:$0x1F800] =	vst v63  }
0x129: {  	_ =	swait.ge [sflag:s1], $0x1000  }
0x12a: {  	[sflag:s1] =	ssyncset.done $0x0  }
0x12b: {  	[sflag:s1] =	ssyncadd.s32 $0xFFFFF000  }
0x12c: {  	_ =	swait.ge [sflag:s28], $0x1000  }
0x12d: {  	[sflag:s28] =	ssyncset.done $0x0  }
0x12e: {  	s16 =	simm.s32 $0x2500;
	[sflag:s28] =	ssyncadd.s32 $0xFFFFF000  }
0x12f: {  	[spmem:s3] =	stream.indirect.scatter.add.f32 [tilespmem:s13], [sflag:$0x9], $0x80, s16, s8, $0xb8;
	[tilespmem:$0x1F800] =	vst v63  }
0x130: {  	_ =	swait.ge [sflag:s1], $0x1000  }
0x131: {  	[sflag:s1] =	ssyncset.done $0x0  }
0x132: {  	[sflag:s1] =	ssyncadd.s32 $0xFFFFF000  }
0x133: {  	_ =	swait.ge [sflag:s29], $0x1000  }
0x134: {  	[sflag:s29] =	ssyncset.done $0x0  }
0x135: {  	s14 =	simm.s32 $0x2580;
	[sflag:s29] =	ssyncadd.s32 $0xFFFFF000  }
0x136: {  	[spmem:s3] =	stream.indirect.scatter.add.f32 [tilespmem:s15], [sflag:$0x9], $0x80, s14, s8, $0xb8;
	[tilespmem:$0x1F800] =	vst v63  }
0x137: {  	_ =	swait.ge [sflag:s1], $0x1000  }
0x138: {  	[sflag:s1] =	ssyncset.done $0x0  }
0x139: {  	[sflag:s1] =	ssyncadd.s32 $0xFFFFF000  }
0x13a: {  	_ =	swait.ge [sflag:s30], $0x1000  }
0x13b: {  	[sflag:s30] =	ssyncset.done $0x0  }
0x13c: {  	s16 =	simm.s32 $0x2600;
	[sflag:s30] =	ssyncadd.s32 $0xFFFFF000  }
0x13d: {  	[spmem:s3] =	stream.indirect.scatter.add.f32 [tilespmem:s17], [sflag:$0x9], $0x80, s16, s8, $0xb8;
	[tilespmem:$0x1F800] =	vst v63  }
0x13e: {  	_ =	swait.ge [sflag:s1], $0x1000  }
0x13f: {  	[sflag:s1] =	ssyncset.done $0x0  }
0x140: {  	[sflag:s1] =	ssyncadd.s32 $0xFFFFF000  }
0x141: {  	_ =	swait.ge [sflag:s7], $0x1000  }
0x142: {  	[sflag:s7] =	ssyncset.done $0x0  }
0x143: {  	[sflag:s7] =	ssyncadd.s32 $0xFFFFF000  }
0x144: {  	[spmem:s3] =	stream.indirect.scatter.add.f32 [tilespmem:s19], [sflag:$0x9], $0x80, s18, s8, $0xb8;
	[tilespmem:$0x1F800] =	vst v63  }
0x145: {  	_ =	swait.ge [sflag:s1], $0x1000  }
0x146: {  	[sflag:s1] =	ssyncset.done $0x0  }
0x147: {  	[sflag:s1] =	ssyncadd.s32 $0xFFFFF000  }
0x148: {  	_ =	swait.ge [sflag:s4], $0x1000  }
0x149: {  	[sflag:s4] =	ssyncset.done $0x0  }
0x14a: {  	[sflag:s4] =	ssyncadd.s32 $0xFFFFF000  }
0x14b: {  	[spmem:s3] =	stream.indirect.scatter.add.f32 [tilespmem:s21], [sflag:$0x9], $0x80, s20, s8, $0xb8;
	[tilespmem:$0x1F800] =	vst v63  }
0x14c: {  	_ =	swait.ge [sflag:s1], $0x1000  }
0x14d: {  	[sflag:s1] =	ssyncset.done $0x0  }
0x14e: {  	[sflag:s1] =	ssyncadd.s32 $0xFFFFF000  }
0x14f: {  	s10 =	sadd.s32 $0x1, s10;
	_ =	swait.ge [sflag:s31], $0x1000  }
0x150: {  	p0 =	sne.s32 s10, $0x10;
	[sflag:s31] =	ssyncset.done $0x0  }
.Ltmp2:
0x151: {  	[sflag:s31] =	ssyncadd.s32 $0xFFFFF000;
	(pc) =	sbr.rel @p0 .LBB2_4-.Ltmp2, $4  }
0x152: {  	[spmem:s3] =	stream.indirect.scatter.add.f32 [tilespmem:s24], [sflag:$0x9], $0x80, s22, s8, $0xb8;
	[tilespmem:$0x1F800] =	vst v63  }
0x153: {  	_ =	swait.ge [sflag:s1], $0x1000  }
0x154: {  	[sflag:s1] =	ssyncset.done $0x0  }
0x155: {  	[sflag:s1] =	ssyncadd.s32 $0xFFFFF000  }
0x156: {  	s2 =	stileid.u32;
	[bflag:$0x0] =	sbarrier.arrive $0xFFFF  }
0x157: {  	s2 =	sshll.u32 s2, $0x6;
	s12 =	rddreg [dreg:$0x5]  }
0x158: {  	s14 =	rddreg [dreg:$0x15];
	s2 =	sor.u32 $0x1C09, s2;
	s10 =	sshrl.u32 s12, $0x3  }
0x159: {  	[hbm:s14], [sflag:s2] =	dma.local [spmem:s10], $0x2800  }
0x15a: {  	_ =	swait.ge [sflag:s1], $0x2800  }
0x15b: {  	s14 =	rddreg [dreg:$0x4]  }
0x15c: {  	s16 =	rddreg [dreg:$0x16];
	s10 =	sadd.s32 $0x1, s14  }
0x15d: {  	p0 =	sne.s32 s10, s16  }
.Ltmp3:
0x15e: {  	_ = 	snop;
	(pc) =	sbr.rel @p0 .LBB2_1-.Ltmp3, $3  }
0x15f: {  	_ =	sdelay $0x1  }
0x160: {  	[sflag:s1] =	ssyncset.done $0x0  }
0x161: {  	[sflag:s1] =	ssyncadd.s32 $0xFFFFD800  }
0x162: {  	_ =	sfence.sel $0x180000  }
0x163: {  	[bflag:$0x0] =	sbarrier.arrive $0xFFFF  }
0x164: {  	_ =	strace $0x9000004A  }
0x165: {  	s0 =	stileid.u32;
	[bflag:$0x2] =	sbarrier.arrive $0xFFFF  }
0x166: {  	p0 =	sne.s32 s0, $0x0;
	s0 =	rddreg [dreg:$0x3]  }
0x167: {  	s0 =	sadd.s32 @!p0 $0x100000, s0  }
0x168: {  	[sflag:s0] =	ssyncadd.tile.s32 @!p0 $0x1;
	_ =	shalt  }
.Lfunc_end2:
_tile_overlayer_lowered:
.L_overlay_start_2:
0x169: {  	(tag) =	ssettag $0x2  }
0x16a: {  	s0 =	rddreg [dreg:$0x0];
	s2 =	stileid.u32  }
0x16b: {  	s1 =	rddreg [dreg:$0x1];
	p0 =	sne.s32 s2, $0x0  }
0x16c: {  	s3 =	rddreg [dreg:$0x2];
	[bflag:$0x3] =	sbarrier.arrive $0xFFFF;
	s2 =	simm.s32 @!p0 $0x1C09  }
0x16d: {  	[timem:s3], [sflag:s2] =	dma.local @!p0 [hbm:s0], s1  }
0x16e: {  	s0 =	simm.s32 @!p0 $0x9  }
0x16f: {  	_ =	swait.ge @!p0 [sflag:s0], s1  }
0x170: {  	s1 =	ssub.s32 @!p0 $0x0, s1;
	[sflag:s0] =	ssyncset.done @!p0 $0x0  }
0x171: {  	[sflag:s0] =	ssyncadd.s32 @!p0 s1  }
0x172: {  	[bflag:$0x3] =	sbarrier.arrive $0xFFFF  }
0x173: {  	_ =	shalt  }

</sc_bundles>
